<compile_context>
chip_gen: v7x
topology: tpu7x:2x2x1
jax: 0.10.2.dev20260603
libtpu: 0.0.44.dev20260713+nightly
codegen_flags: <defaults>
</compile_context>

<pallas_src>
import jax
import jax.numpy as jnp
from jax import lax
from jax.experimental import pallas as pl
from jax.experimental.pallas import tpu as pltpu
from jax.experimental.pallas import tpu_sc as plsc

B, L, D, T = 16, 4096, 512, 32768
C = 64
LP = L + C
G = 1024
WG = G + 8
NG = L // G
NT = B * NG



def _sc_body(flat, cu_pad, draft, cu_v, buf0, buf1, rd0, rd1, wr0, wr1):
    wid = lax.axis_index("c") * 16 + lax.axis_index("s")
    b = wid // 2
    h = wid % 2
    rowbase = b * LP

    pltpu.sync_copy(cu_pad, cu_v)

    v = cu_v[pl.ds(b, 16)]
    cu_b = v[0]
    seg_len = jnp.clip(v[1] - cu_b, 0, L)
    s = lax.rem(cu_b, 8)
    a0 = cu_b - s
    nsc = (seg_len + s + C - 1) // C

    bufs = (buf0, buf1)
    rds = (rd0, rd1)
    wrs = (wr0, wr1)

    def st_of(k):
        return jnp.minimum(a0 + (2 * k + h) * C, T - C)

    def src(k):
        return flat.at[pl.ds(pl.multiple_of(st_of(k), 8), C)]

    def dst(k):
        off = rowbase + (st_of(k) - a0)
        return draft.at[pl.ds(pl.multiple_of(off, 8), C)]

    nc = jnp.clip((nsc - h + 1) // 2, 0, LP // (2 * C) + 1)

    for j in range(2):
        @pl.when(nc > j)
        def _():
            pltpu.async_copy(src(j), bufs[j], rds[j])

    def pipe_body(k2, carry):
        for j in range(2):
            k = 2 * k2 + j

            @pl.when(k < nc)
            def _():
                pltpu.make_async_copy(flat.at[pl.ds(0, C)],
                                      bufs[j], rds[j]).wait()
                pltpu.async_copy(bufs[j], dst(k), wrs[j])

                @pl.when(k + 2 < nc)
                def _():
                    pltpu.make_async_copy(bufs[j], draft.at[pl.ds(0, C)],
                                          wrs[j]).wait()
                    pltpu.async_copy(src(k + 2), bufs[j], rds[j])

        return carry

    lax.fori_loop(0, (nc + 1) // 2, pipe_body, 0)

    for j in range(2):
        @pl.when(nc > j)
        def _():
            pltpu.make_async_copy(bufs[j], draft.at[pl.ds(0, C)],
                                  wrs[j]).wait()



def _tc_zero(cu_ref, out_ref, zb, sem_z):
    zb[...] = jnp.zeros((G, D), jnp.float32)

    def row_len(bi):
        return jnp.clip(cu_ref[bi + 1] - cu_ref[bi], 0, L)

    tz = jnp.int32(0)
    for bi in range(B):
        g0 = (row_len(bi) + G - 1) // G

        def zero_body(g, carry):
            pltpu.async_copy(
                zb, out_ref.at[pl.ds(pl.multiple_of(bi * L + g * G, 8), G)],
                sem_z)
            return carry

        lax.fori_loop(g0, NG, zero_body, 0)
        tz = tz + (NG - g0)

    def drain_z(_, carry):
        pltpu.make_async_copy(zb, out_ref.at[pl.ds(0, G)], sem_z).wait()
        return carry

    lax.fori_loop(0, tz, drain_z, 0)


def _tc_data(cu_ref, draft, zeroed, out_ref, w0, w1, w2, w3,
             ob0, ob1, ob2, ob3, rd0, rd1, rd2, rd3, wr0, wr1, wr2, wr3):
    del zeroed
    ws = (w0, w1, w2, w3)
    obs = (ob0, ob1, ob2, ob3)
    rds = (rd0, rd1, rd2, rd3)
    wrs = (wr0, wr1, wr2, wr3)

    def row_len(bi):
        return jnp.clip(cu_ref[bi + 1] - cu_ref[bi], 0, L)

    def cond(t):
        return lax.rem(t, NG) < (row_len(t // NG) + G - 1) // G

    def win_ref(t):
        off = (t // NG) * LP + lax.rem(t, NG) * G
        return draft.at[pl.ds(pl.multiple_of(off, 8), WG)]

    def out_at(t):
        return out_ref.at[pl.ds(pl.multiple_of(t * G, 8), G)]

    for j in range(4):
        @pl.when(cond(j))
        def _():
            pltpu.async_copy(win_ref(j), ws[j], rds[j])

    def body(t4, carry):
        for j in range(4):
            t = 4 * t4 + j

            @pl.when(jnp.logical_and(t >= 4, cond(jnp.maximum(t - 4, 0))))
            def _():
                pltpu.make_async_copy(obs[j].at[pl.ds(0, G)],
                                      out_ref.at[pl.ds(0, G)], wrs[j]).wait()

            @pl.when(cond(t))
            def _():
                pltpu.make_async_copy(draft.at[pl.ds(0, WG)],
                                      ws[j], rds[j]).wait()
                bi = t // NG
                g = lax.rem(t, NG)
                ln = row_len(bi)
                s = lax.rem(cu_ref[bi], 8)
                for sv in range(8):
                    @pl.when(s == sv)
                    def _(sv=sv):
                        if sv == 0:
                            obs[j][...] = ws[j][...]
                        else:
                            obs[j][...] = pltpu.roll(ws[j][...], WG - sv, 0)

                partial = g * G + G > ln

                @pl.when(partial)
                def _():
                    rows = lax.broadcasted_iota(jnp.int32, (WG, D), 0) + g * G
                    obs[j][...] = jnp.where(rows < ln, obs[j][...], 0.0)

                pltpu.async_copy(obs[j].at[pl.ds(0, G)], out_at(t), wrs[j])

            tn = jnp.minimum(t + 4, NT - 1)

            @pl.when(jnp.logical_and(t + 4 < NT, cond(tn)))
            def _():
                pltpu.async_copy(win_ref(tn), ws[j], rds[j])

        return carry

    lax.fori_loop(0, NT // 4, body, 0)

    for t in (NT - 4, NT - 3, NT - 2, NT - 1):
        @pl.when(cond(jnp.int32(t)))
        def _():
            pltpu.make_async_copy(obs[t % 4].at[pl.ds(0, G)],
                                  out_ref.at[pl.ds(0, G)], wrs[t % 4]).wait()


def kernel(flat, cu_seqlens):
    cu = cu_seqlens.astype(jnp.int32)
    cu_pad = jnp.zeros((2 * B,), jnp.int32).at[:B + 1].set(cu)
    mesh = plsc.VectorSubcoreMesh(core_axis_name="c", subcore_axis_name="s")
    sc_run = pl.kernel(
        _sc_body,
        mesh=mesh,
        out_type=jax.ShapeDtypeStruct((B * LP, D), jnp.float32),
        scratch_types=[
            pltpu.VMEM((2 * B,), jnp.int32),
            pltpu.VMEM((C, D), jnp.float32),
            pltpu.VMEM((C, D), jnp.float32),
            pltpu.SemaphoreType.DMA,
            pltpu.SemaphoreType.DMA,
            pltpu.SemaphoreType.DMA,
            pltpu.SemaphoreType.DMA,
        ],
    )
    draft = sc_run(flat, cu_pad)

    zeroed = pl.pallas_call(
        _tc_zero,
        out_shape=jax.ShapeDtypeStruct((B * L, D), jnp.float32),
        in_specs=[pl.BlockSpec(memory_space=pltpu.SMEM)],
        out_specs=pl.BlockSpec(memory_space=pl.ANY),
        scratch_shapes=[
            pltpu.VMEM((G, D), jnp.float32),
            pltpu.SemaphoreType.DMA,
        ],
    )(cu)

    dense = pl.pallas_call(
        _tc_data,
        out_shape=jax.ShapeDtypeStruct((B * L, D), jnp.float32),
        in_specs=[
            pl.BlockSpec(memory_space=pltpu.SMEM),
            pl.BlockSpec(memory_space=pl.ANY),
            pl.BlockSpec(memory_space=pl.ANY),
        ],
        out_specs=pl.BlockSpec(memory_space=pl.ANY),
        scratch_shapes=(
            [pltpu.VMEM((WG, D), jnp.float32)] * 8
            + [pltpu.SemaphoreType.DMA] * 8
        ),
        input_output_aliases={2: 0},
    )(cu, draft, zeroed)
    return dense.reshape(B, L, D)

# --- scband reference (transcript-rebuilt; emitter-appended) ---
"""Pipeline reference for scband-to-dense-86792699118086 (READ-ONLY COPY).

The authoritative reference and input builder live on the scoring server;
editing this copy changes nothing except your own understanding.
"""

import jax, jax.numpy as jnp
import numpy as np

B, L, D, T = 16, 4096, 512, 32768


def setup_inputs(seed: int = 0) -> dict:
    key = jax.random.key(seed)
    k1, k2 = jax.random.split(key)
    flat = jax.random.normal(k1, (T, D), dtype=jnp.float32)
    # Build valid cu_seqlens: per-row lengths in [1024, 3072] that sum exactly to T
    half = jax.random.randint(k2, (B // 2,), -1024, 1024)
    deltas = jnp.concatenate([half, -half])
    lengths = (T // B) + deltas
    cu_seqlens = jnp.concatenate([
        jnp.zeros((1,), jnp.int32),
        jnp.cumsum(lengths).astype(jnp.int32),
    ])
    return {"flat": flat, "cu_seqlens": cu_seqlens}


def reference(flat, cu_seqlens):
    # ToDense layer: RaggedTensor(flat_values, row_splits=cu_seqlens).to_tensor(default_value)
    default_value = 0.0
    tok = jnp.arange(T)
    # segment id of each flat token
    seg_ids = jnp.searchsorted(cu_seqlens, tok, side='right') - 1
    # within-row offset of each flat token
    offsets = tok - cu_seqlens[seg_ids]
    dense = jnp.full((B, L, D), default_value, dtype=flat.dtype)
    dense = dense.at[seg_ids, offsets].set(flat, mode='drop')
    return dense.astype(jnp.float32)

if __name__ == "__main__":
    import jax
    _d = setup_inputs()
    print(jax.jit(kernel)(*tuple(_d.values())))

</pallas_src>

<mosaic_0001>
#map = affine_map<(d0, d1) -> (0, 0)>
#map1 = affine_map<(d0, d1) -> (0)>
module attributes {stable_mosaic.version = 14 : i64} {
  func.func @_sc_body(%arg0: i32, %arg1: i32, %arg2: memref<32768x512xf32, #tpu.memory_space<hbm>>, %arg3: memref<32xi32, #tpu.memory_space<hbm>>, %arg4: memref<66560x512xf32, #tpu.memory_space<hbm>>, %arg5: memref<32xi32, #tpu.memory_space<vmem>>, %arg6: memref<64x512xf32, #tpu.memory_space<vmem>>, %arg7: memref<64x512xf32, #tpu.memory_space<vmem>>, %arg8: memref<!tpu.dma_semaphore, #tpu.memory_space<semaphore_mem>>, %arg9: memref<!tpu.dma_semaphore, #tpu.memory_space<semaphore_mem>>, %arg10: memref<!tpu.dma_semaphore, #tpu.memory_space<semaphore_mem>>, %arg11: memref<!tpu.dma_semaphore, #tpu.memory_space<semaphore_mem>>) attributes {dimension_semantics = [#tpu.dimension_semantics<core_parallel>, #tpu.dimension_semantics<subcore_parallel>], iteration_bounds = array<i64: 2, 16>, scalar_prefetch = 0 : i64, scratch_operands = 7 : i64, tpu.core_type = #tpu.core_type<sc_vector_subcore>, window_params = [{transform_indices = #map}, {transform_indices = #map1}, {transform_indices = #map}]} {
    %mul3A = arith.constant 16 : i32
    %mul3A_0 = arith.muli %arg0, %mul3A : i32
    %add3A = arith.addi %mul3A_0, %arg1 : i32
    %jit3A = arith.constant 2 : i32
    %div3A = arith.divsi %add3A, %jit3A : i32
    %sign3A = arith.constant 0 : i32
    %sign3A_1 = arith.cmpi sgt, %add3A, %sign3A : i32
    %sign3A_2 = arith.extui %sign3A_1 : i1 to i32
    %sign3A_3 = arith.constant 0 : i32
    %sign3A_4 = arith.cmpi slt, %add3A, %sign3A_3 : i32
    %sign3A_5 = arith.extui %sign3A_4 : i1 to i32
    %sign3A_6 = arith.subi %sign3A_2, %sign3A_5 : i32
    %sign3A_7 = arith.constant 0 : i32
    %sign3A_8 = arith.cmpi sgt, %jit3A, %sign3A_7 : i32
    %sign3A_9 = arith.extui %sign3A_8 : i1 to i32
    %sign3A_10 = arith.constant 0 : i32
    %sign3A_11 = arith.cmpi slt, %jit3A, %sign3A_10 : i32
    %sign3A_12 = arith.extui %sign3A_11 : i1 to i32
    %sign3A_13 = arith.subi %sign3A_9, %sign3A_12 : i32
    %ne3A = arith.cmpi ne, %sign3A_6, %sign3A_13 : i32
    %rem3A = arith.remsi %add3A, %jit3A : i32
    %ne3A_14 = arith.constant 0 : i32
    %ne3A_15 = arith.cmpi ne, %rem3A, %ne3A_14 : i32
    %and3A = arith.andi %ne3A, %ne3A_15 : i1
    %sub3A = arith.constant 1 : i32
    %sub3A_16 = arith.subi %div3A, %sub3A : i32
    %select_n3A = arith.select %and3A, %sub3A_16, %div3A : i32
    %jit3A_17 = arith.constant 2 : i32
    %eq3A = arith.constant 0 : i32
    %eq3A_18 = arith.cmpi eq, %jit3A_17, %eq3A : i32
    %jit3A_19 = arith.constant 1 : i32
    %select_n3A_20 = arith.select %eq3A_18, %jit3A_19, %jit3A_17 : i32
    %rem3A_21 = arith.remsi %add3A, %select_n3A_20 : i32
    %ne3A_22 = arith.constant 0 : i32
    %ne3A_23 = arith.cmpi ne, %rem3A_21, %ne3A_22 : i32
    %lt3A = arith.constant 0 : i32
    %lt3A_24 = arith.cmpi slt, %rem3A_21, %lt3A : i32
    %lt3A_25 = arith.constant 0 : i32
    %lt3A_26 = arith.cmpi slt, %select_n3A_20, %lt3A_25 : i32
    %ne3A_27 = arith.xori %lt3A_24, %lt3A_26 : i1
    %and3A_28 = arith.andi %ne3A_27, %ne3A_23 : i1
    %add3A_29 = arith.addi %rem3A_21, %select_n3A_20 : i32
    %select_n3A_30 = arith.select %and3A_28, %add3A_29, %rem3A_21 : i32
    %mul3A_31 = arith.constant 4160 : i32
    %mul3A_32 = arith.muli %select_n3A, %mul3A_31 : i32
    "tpu.region"() ({
      %run_scoped3A = tpu.sem_alloc : memref<!tpu.dma_semaphore, #tpu.memory_space<semaphore_mem>>
      tpu.enqueue_dma source(%arg3 : memref<32xi32, #tpu.memory_space<hbm>>) target(%arg5 : memref<32xi32, #tpu.memory_space<vmem>>) target_semaphore(%run_scoped3A : memref<!tpu.dma_semaphore, #tpu.memory_space<semaphore_mem>>)
      tpu.wait_dma2 semaphore(%run_scoped3A : memref<!tpu.dma_semaphore, #tpu.memory_space<semaphore_mem>>) src(%arg3 : memref<32xi32, #tpu.memory_space<hbm>>) dst(%arg5 : memref<32xi32, #tpu.memory_space<vmem>>)
      tpu.yield
    }) : () -> ()
    %get3A = arith.index_cast %select_n3A : i32 to index
    %get3A_33 = tpu.vector_load %arg5[%get3A] {strides = array<i32>} : memref<32xi32, #tpu.memory_space<vmem>>, vector<16xi32>,
    %get3A_34 = vector.shape_cast %get3A_33 : vector<16xi32> to vector<16xi32>
    %slice3A = vector.extract_strided_slice %get3A_34 {offsets = [0], sizes = [1], strides = [1]} : vector<16xi32> to vector<1xi32>
    %squeeze3A = vector.extract %slice3A[0] : i32 from vector<1xi32>
    %slice3A_35 = vector.extract_strided_slice %get3A_34 {offsets = [1], sizes = [1], strides = [1]} : vector<16xi32> to vector<1xi32>
    %squeeze3A_36 = vector.extract %slice3A_35[0] : i32 from vector<1xi32>
    %sub3A_37 = arith.subi %squeeze3A_36, %squeeze3A : i32
    %jit3A_38 = arith.constant 0 : i32
    %jit3A_39 = arith.constant 4096 : i32
    %max3A = arith.maxsi %jit3A_38, %sub3A_37 : i32
    %min3A = arith.minsi %jit3A_39, %max3A : i32
    %rem3A_40 = arith.constant 8 : i32
    %rem3A_41 = arith.remsi %squeeze3A, %rem3A_40 : i32
    %sub3A_42 = arith.subi %squeeze3A, %rem3A_41 : i32
    %add3A_43 = arith.addi %min3A, %rem3A_41 : i32
    %add3A_44 = arith.constant 64 : i32
    %add3A_45 = arith.addi %add3A_43, %add3A_44 : i32
    %sub3A_46 = arith.constant 1 : i32
    %sub3A_47 = arith.subi %add3A_45, %sub3A_46 : i32
    %jit3A_48 = arith.constant 64 : i32
    %div3A_49 = arith.divsi %sub3A_47, %jit3A_48 : i32
    %sign3A_50 = arith.constant 0 : i32
    %sign3A_51 = arith.cmpi sgt, %sub3A_47, %sign3A_50 : i32
    %sign3A_52 = arith.extui %sign3A_51 : i1 to i32
    %sign3A_53 = arith.constant 0 : i32
    %sign3A_54 = arith.cmpi slt, %sub3A_47, %sign3A_53 : i32
    %sign3A_55 = arith.extui %sign3A_54 : i1 to i32
    %sign3A_56 = arith.subi %sign3A_52, %sign3A_55 : i32
    %sign3A_57 = arith.constant 0 : i32
    %sign3A_58 = arith.cmpi sgt, %jit3A_48, %sign3A_57 : i32
    %sign3A_59 = arith.extui %sign3A_58 : i1 to i32
    %sign3A_60 = arith.constant 0 : i32
    %sign3A_61 = arith.cmpi slt, %jit3A_48, %sign3A_60 : i32
    %sign3A_62 = arith.extui %sign3A_61 : i1 to i32
    %sign3A_63 = arith.subi %sign3A_59, %sign3A_62 : i32
    %ne3A_64 = arith.cmpi ne, %sign3A_56, %sign3A_63 : i32
    %rem3A_65 = arith.remsi %sub3A_47, %jit3A_48 : i32
    %ne3A_66 = arith.constant 0 : i32
    %ne3A_67 = arith.cmpi ne, %rem3A_65, %ne3A_66 : i32
    %and3A_68 = arith.andi %ne3A_64, %ne3A_67 : i1
    %sub3A_69 = arith.constant 1 : i32
    %sub3A_70 = arith.subi %div3A_49, %sub3A_69 : i32
    %select_n3A_71 = arith.select %and3A_68, %sub3A_70, %div3A_49 : i32
    %sub3A_72 = arith.subi %select_n3A_71, %select_n3A_30 : i32
    %add3A_73 = arith.constant 1 : i32
    %add3A_74 = arith.addi %sub3A_72, %add3A_73 : i32
    %jit3A_75 = arith.constant 2 : i32
    %div3A_76 = arith.divsi %add3A_74, %jit3A_75 : i32
    %sign3A_77 = arith.constant 0 : i32
    %sign3A_78 = arith.cmpi sgt, %add3A_74, %sign3A_77 : i32
    %sign3A_79 = arith.extui %sign3A_78 : i1 to i32
    %sign3A_80 = arith.constant 0 : i32
    %sign3A_81 = arith.cmpi slt, %add3A_74, %sign3A_80 : i32
    %sign3A_82 = arith.extui %sign3A_81 : i1 to i32
    %sign3A_83 = arith.subi %sign3A_79, %sign3A_82 : i32
    %sign3A_84 = arith.constant 0 : i32
    %sign3A_85 = arith.cmpi sgt, %jit3A_75, %sign3A_84 : i32
    %sign3A_86 = arith.extui %sign3A_85 : i1 to i32
    %sign3A_87 = arith.constant 0 : i32
    %sign3A_88 = arith.cmpi slt, %jit3A_75, %sign3A_87 : i32
    %sign3A_89 = arith.extui %sign3A_88 : i1 to i32
    %sign3A_90 = arith.subi %sign3A_86, %sign3A_89 : i32
    %ne3A_91 = arith.cmpi ne, %sign3A_83, %sign3A_90 : i32
    %rem3A_92 = arith.remsi %add3A_74, %jit3A_75 : i32
    %ne3A_93 = arith.constant 0 : i32
    %ne3A_94 = arith.cmpi ne, %rem3A_92, %ne3A_93 : i32
    %and3A_95 = arith.andi %ne3A_91, %ne3A_94 : i1
    %sub3A_96 = arith.constant 1 : i32
    %sub3A_97 = arith.subi %div3A_76, %sub3A_96 : i32
    %select_n3A_98 = arith.select %and3A_95, %sub3A_97, %div3A_76 : i32
    %jit3A_99 = arith.constant 0 : i32
    %jit3A_100 = arith.constant 33 : i32
    %max3A_101 = arith.maxsi %jit3A_99, %select_n3A_98 : i32
    %min3A_102 = arith.minsi %jit3A_100, %max3A_101 : i32
    %gt3A = arith.constant 0 : i32
    %gt3A_103 = arith.cmpi sgt, %min3A_102, %gt3A : i32
    %convert_element_type3A = arith.extui %gt3A_103 : i1 to i32
    %cond3A = arith.constant 0 : i32
    %cond3A_104 = arith.cmpi ne, %convert_element_type3A, %cond3A : i32
    scf.if %cond3A_104 {
      %add3A_155 = arith.constant 0 : i32
      %add3A_156 = arith.addi %add3A_155, %select_n3A_30 : i32
      %mul3A_157 = arith.constant 64 : i32
      %mul3A_158 = arith.muli %add3A_156, %mul3A_157 : i32
      %add3A_159 = arith.addi %sub3A_42, %mul3A_158 : i32
      %min3A_160 = arith.constant 32704 : i32
      %min3A_161 = arith.minsi %add3A_159, %min3A_160 : i32
      %multiple_of3A = tpu.assume_multiple %min3A_161, 8 : i32
      %dma_start3A = arith.constant 0 : i32
      %dma_start3A_162 = tpu.memref_slice %arg2[%multiple_of3A, %dma_start3A] : memref<32768x512xf32, #tpu.memory_space<hbm>> -> memref<64x512xf32, #tpu.memory_space<hbm>>
      %dma_start3A_163 = arith.constant 0 : i32
      %dma_start3A_164 = tpu.memref_slice %arg2[%multiple_of3A, %dma_start3A_163] : memref<32768x512xf32, #tpu.memory_space<hbm>> -> memref<64x512xf32, #tpu.memory_space<hbm>>
      tpu.enqueue_dma source(%dma_start3A_164 : memref<64x512xf32, #tpu.memory_space<hbm>>) target(%arg6 : memref<64x512xf32, #tpu.memory_space<vmem>>) target_semaphore(%arg8 : memref<!tpu.dma_semaphore, #tpu.memory_space<semaphore_mem>>)
    } else {
    }
    %gt3A_105 = arith.constant 1 : i32
    %gt3A_106 = arith.cmpi sgt, %min3A_102, %gt3A_105 : i32
    %convert_element_type3A_107 = arith.extui %gt3A_106 : i1 to i32
    %cond3A_108 = arith.constant 0 : i32
    %cond3A_109 = arith.cmpi ne, %convert_element_type3A_107, %cond3A_108 : i32
    scf.if %cond3A_109 {
      %add3A_155 = arith.constant 2 : i32
      %add3A_156 = arith.addi %add3A_155, %select_n3A_30 : i32
      %mul3A_157 = arith.constant 64 : i32
      %mul3A_158 = arith.muli %add3A_156, %mul3A_157 : i32
      %add3A_159 = arith.addi %sub3A_42, %mul3A_158 : i32
      %min3A_160 = arith.constant 32704 : i32
      %min3A_161 = arith.minsi %add3A_159, %min3A_160 : i32
      %multiple_of3A = tpu.assume_multiple %min3A_161, 8 : i32
      %dma_start3A = arith.constant 0 : i32
      %dma_start3A_162 = tpu.memref_slice %arg2[%multiple_of3A, %dma_start3A] : memref<32768x512xf32, #tpu.memory_space<hbm>> -> memref<64x512xf32, #tpu.memory_space<hbm>>
      %dma_start3A_163 = arith.constant 0 : i32
      %dma_start3A_164 = tpu.memref_slice %arg2[%multiple_of3A, %dma_start3A_163] : memref<32768x512xf32, #tpu.memory_space<hbm>> -> memref<64x512xf32, #tpu.memory_space<hbm>>
      tpu.enqueue_dma source(%dma_start3A_164 : memref<64x512xf32, #tpu.memory_space<hbm>>) target(%arg7 : memref<64x512xf32, #tpu.memory_space<vmem>>) target_semaphore(%arg9 : memref<!tpu.dma_semaphore, #tpu.memory_space<semaphore_mem>>)
    } else {
    }
    %add3A_110 = arith.constant 1 : i32
    %add3A_111 = arith.addi %min3A_102, %add3A_110 : i32
    %jit3A_112 = arith.constant 2 : i32
    %div3A_113 = arith.divsi %add3A_111, %jit3A_112 : i32
    %sign3A_114 = arith.constant 0 : i32
    %sign3A_115 = arith.cmpi sgt, %add3A_111, %sign3A_114 : i32
    %sign3A_116 = arith.extui %sign3A_115 : i1 to i32
    %sign3A_117 = arith.constant 0 : i32
    %sign3A_118 = arith.cmpi slt, %add3A_111, %sign3A_117 : i32
    %sign3A_119 = arith.extui %sign3A_118 : i1 to i32
    %sign3A_120 = arith.subi %sign3A_116, %sign3A_119 : i32
    %sign3A_121 = arith.constant 0 : i32
    %sign3A_122 = arith.cmpi sgt, %jit3A_112, %sign3A_121 : i32
    %sign3A_123 = arith.extui %sign3A_122 : i1 to i32
    %sign3A_124 = arith.constant 0 : i32
    %sign3A_125 = arith.cmpi slt, %jit3A_112, %sign3A_124 : i32
    %sign3A_126 = arith.extui %sign3A_125 : i1 to i32
    %sign3A_127 = arith.subi %sign3A_123, %sign3A_126 : i32
    %ne3A_128 = arith.cmpi ne, %sign3A_120, %sign3A_127 : i32
    %rem3A_129 = arith.remsi %add3A_111, %jit3A_112 : i32
    %ne3A_130 = arith.constant 0 : i32
    %ne3A_131 = arith.cmpi ne, %rem3A_129, %ne3A_130 : i32
    %and3A_132 = arith.andi %ne3A_128, %ne3A_131 : i1
    %sub3A_133 = arith.constant 1 : i32
    %sub3A_134 = arith.subi %div3A_113, %sub3A_133 : i32
    %select_n3A_135 = arith.select %and3A_132, %sub3A_134, %div3A_113 : i32
    %while3A = arith.constant 0 : i32
    %while3A_136 = arith.constant 0 : i32
    %while3A_137 = arith.subi %select_n3A_135, %while3A_136 : i32
    %while3A_138 = arith.addi %while3A_136, %while3A_137 : i32
    %while3A_139 = arith.constant 1 : i32
    %while3A_140 = arith.divsi %while3A_137, %while3A_139 : i32
    %while3A_141 = arith.muli %while3A_140, %while3A_139 : i32
    %while3A_142 = arith.addi %while3A_136, %while3A_141 : i32
    %while3A_143 = arith.constant 1 : i32
    scf.for %while3A_155 = %while3A_136 to %while3A_142 step %while3A_143  : i32 {
      %mul3A_156 = arith.constant 2 : i32
      %mul3A_157 = arith.muli %mul3A_156, %while3A_155 : i32
      %add3A_158 = arith.constant 0 : i32
      %add3A_159 = arith.addi %mul3A_157, %add3A_158 : i32
      %lt3A_160 = arith.cmpi slt, %add3A_159, %min3A_102 : i32
      %convert_element_type3A_161 = arith.extui %lt3A_160 : i1 to i32
      %cond3A_162 = arith.constant 0 : i32
      %cond3A_163 = arith.cmpi ne, %convert_element_type3A_161, %cond3A_162 : i32
      scf.if %cond3A_163 {
        %dma_wait3A = arith.constant 0 : i32
        %dma_wait3A_172 = arith.constant 0 : i32
        %dma_wait3A_173 = tpu.memref_slice %arg2[%dma_wait3A, %dma_wait3A_172] : memref<32768x512xf32, #tpu.memory_space<hbm>> -> memref<64x512xf32, #tpu.memory_space<hbm>>
        %dma_wait3A_174 = arith.constant 0 : i32
        %dma_wait3A_175 = arith.constant 0 : i32
        %dma_wait3A_176 = tpu.memref_slice %arg2[%dma_wait3A_174, %dma_wait3A_175] : memref<32768x512xf32, #tpu.memory_space<hbm>> -> memref<64x512xf32, #tpu.memory_space<hbm>>
        tpu.wait_dma2 semaphore(%arg8 : memref<!tpu.dma_semaphore, #tpu.memory_space<semaphore_mem>>) src(%dma_wait3A_176 : memref<64x512xf32, #tpu.memory_space<hbm>>) dst(%arg6 : memref<64x512xf32, #tpu.memory_space<vmem>>)
        %mul3A_177 = arith.constant 2 : i32
        %mul3A_178 = arith.muli %mul3A_177, %add3A_159 : i32
        %add3A_179 = arith.addi %mul3A_178, %select_n3A_30 : i32
        %mul3A_180 = arith.constant 64 : i32
        %mul3A_181 = arith.muli %add3A_179, %mul3A_180 : i32
        %add3A_182 = arith.addi %sub3A_42, %mul3A_181 : i32
        %min3A_183 = arith.constant 32704 : i32
        %min3A_184 = arith.minsi %add3A_182, %min3A_183 : i32
        %sub3A_185 = arith.subi %min3A_184, %sub3A_42 : i32
        %add3A_186 = arith.addi %mul3A_32, %sub3A_185 : i32
        %multiple_of3A = tpu.assume_multiple %add3A_186, 8 : i32
        %dma_start3A = arith.constant 0 : i32
        %dma_start3A_187 = tpu.memref_slice %arg4[%multiple_of3A, %dma_start3A] : memref<66560x512xf32, #tpu.memory_space<hbm>> -> memref<64x512xf32, #tpu.memory_space<hbm>>
        %dma_start3A_188 = arith.constant 0 : i32
        %dma_start3A_189 = tpu.memref_slice %arg4[%multiple_of3A, %dma_start3A_188] : memref<66560x512xf32, #tpu.memory_space<hbm>> -> memref<64x512xf32, #tpu.memory_space<hbm>>
        tpu.enqueue_dma source(%arg6 : memref<64x512xf32, #tpu.memory_space<vmem>>) target(%dma_start3A_189 : memref<64x512xf32, #tpu.memory_space<hbm>>) target_semaphore(%arg10 : memref<!tpu.dma_semaphore, #tpu.memory_space<semaphore_mem>>)
        %add3A_190 = arith.constant 2 : i32
        %add3A_191 = arith.addi %add3A_159, %add3A_190 : i32
        %lt3A_192 = arith.cmpi slt, %add3A_191, %min3A_102 : i32
        %convert_element_type3A_193 = arith.extui %lt3A_192 : i1 to i32
        %cond3A_194 = arith.constant 0 : i32
        %cond3A_195 = arith.cmpi ne, %convert_element_type3A_193, %cond3A_194 : i32
        scf.if %cond3A_195 {
          %dma_wait3A_196 = arith.constant 0 : i32
          %dma_wait3A_197 = arith.constant 0 : i32
          %dma_wait3A_198 = tpu.memref_slice %arg4[%dma_wait3A_196, %dma_wait3A_197] : memref<66560x512xf32, #tpu.memory_space<hbm>> -> memref<64x512xf32, #tpu.memory_space<hbm>>
          %dma_wait3A_199 = arith.constant 0 : i32
          %dma_wait3A_200 = arith.constant 0 : i32
          %dma_wait3A_201 = tpu.memref_slice %arg4[%dma_wait3A_199, %dma_wait3A_200] : memref<66560x512xf32, #tpu.memory_space<hbm>> -> memref<64x512xf32, #tpu.memory_space<hbm>>
          tpu.wait_dma2 semaphore(%arg10 : memref<!tpu.dma_semaphore, #tpu.memory_space<semaphore_mem>>) src(%arg6 : memref<64x512xf32, #tpu.memory_space<vmem>>) dst(%dma_wait3A_201 : memref<64x512xf32, #tpu.memory_space<hbm>>)
          %add3A_202 = arith.constant 2 : i32
          %add3A_203 = arith.addi %add3A_159, %add3A_202 : i32
          %mul3A_204 = arith.constant 2 : i32
          %mul3A_205 = arith.muli %mul3A_204, %add3A_203 : i32
          %add3A_206 = arith.addi %mul3A_205, %select_n3A_30 : i32
          %mul3A_207 = arith.constant 64 : i32
          %mul3A_208 = arith.muli %add3A_206, %mul3A_207 : i32
          %add3A_209 = arith.addi %sub3A_42, %mul3A_208 : i32
          %min3A_210 = arith.constant 32704 : i32
          %min3A_211 = arith.minsi %add3A_209, %min3A_210 : i32
          %multiple_of3A_212 = tpu.assume_multiple %min3A_211, 8 : i32
          %dma_start3A_213 = arith.constant 0 : i32
          %dma_start3A_214 = tpu.memref_slice %arg2[%multiple_of3A_212, %dma_start3A_213] : memref<32768x512xf32, #tpu.memory_space<hbm>> -> memref<64x512xf32, #tpu.memory_space<hbm>>
          %dma_start3A_215 = arith.constant 0 : i32
          %dma_start3A_216 = tpu.memref_slice %arg2[%multiple_of3A_212, %dma_start3A_215] : memref<32768x512xf32, #tpu.memory_space<hbm>> -> memref<64x512xf32, #tpu.memory_space<hbm>>
          tpu.enqueue_dma source(%dma_start3A_216 : memref<64x512xf32, #tpu.memory_space<hbm>>) target(%arg6 : memref<64x512xf32, #tpu.memory_space<vmem>>) target_semaphore(%arg8 : memref<!tpu.dma_semaphore, #tpu.memory_space<semaphore_mem>>)
        } else {
        }
      } else {
      }
      %mul3A_164 = arith.constant 2 : i32
      %mul3A_165 = arith.muli %mul3A_164, %while3A_155 : i32
      %add3A_166 = arith.constant 1 : i32
      %add3A_167 = arith.addi %mul3A_165, %add3A_166 : i32
      %lt3A_168 = arith.cmpi slt, %add3A_167, %min3A_102 : i32
      %convert_element_type3A_169 = arith.extui %lt3A_168 : i1 to i32
      %cond3A_170 = arith.constant 0 : i32
      %cond3A_171 = arith.cmpi ne, %convert_element_type3A_169, %cond3A_170 : i32
      scf.if %cond3A_171 {
        %dma_wait3A = arith.constant 0 : i32
        %dma_wait3A_172 = arith.constant 0 : i32
        %dma_wait3A_173 = tpu.memref_slice %arg2[%dma_wait3A, %dma_wait3A_172] : memref<32768x512xf32, #tpu.memory_space<hbm>> -> memref<64x512xf32, #tpu.memory_space<hbm>>
        %dma_wait3A_174 = arith.constant 0 : i32
        %dma_wait3A_175 = arith.constant 0 : i32
        %dma_wait3A_176 = tpu.memref_slice %arg2[%dma_wait3A_174, %dma_wait3A_175] : memref<32768x512xf32, #tpu.memory_space<hbm>> -> memref<64x512xf32, #tpu.memory_space<hbm>>
        tpu.wait_dma2 semaphore(%arg9 : memref<!tpu.dma_semaphore, #tpu.memory_space<semaphore_mem>>) src(%dma_wait3A_176 : memref<64x512xf32, #tpu.memory_space<hbm>>) dst(%arg7 : memref<64x512xf32, #tpu.memory_space<vmem>>)
        %mul3A_177 = arith.constant 2 : i32
        %mul3A_178 = arith.muli %mul3A_177, %add3A_167 : i32
        %add3A_179 = arith.addi %mul3A_178, %select_n3A_30 : i32
        %mul3A_180 = arith.constant 64 : i32
        %mul3A_181 = arith.muli %add3A_179, %mul3A_180 : i32
        %add3A_182 = arith.addi %sub3A_42, %mul3A_181 : i32
        %min3A_183 = arith.constant 32704 : i32
        %min3A_184 = arith.minsi %add3A_182, %min3A_183 : i32
        %sub3A_185 = arith.subi %min3A_184, %sub3A_42 : i32
        %add3A_186 = arith.addi %mul3A_32, %sub3A_185 : i32
        %multiple_of3A = tpu.assume_multiple %add3A_186, 8 : i32
        %dma_start3A = arith.constant 0 : i32
        %dma_start3A_187 = tpu.memref_slice %arg4[%multiple_of3A, %dma_start3A] : memref<66560x512xf32, #tpu.memory_space<hbm>> -> memref<64x512xf32, #tpu.memory_space<hbm>>
        %dma_start3A_188 = arith.constant 0 : i32
        %dma_start3A_189 = tpu.memref_slice %arg4[%multiple_of3A, %dma_start3A_188] : memref<66560x512xf32, #tpu.memory_space<hbm>> -> memref<64x512xf32, #tpu.memory_space<hbm>>
        tpu.enqueue_dma source(%arg7 : memref<64x512xf32, #tpu.memory_space<vmem>>) target(%dma_start3A_189 : memref<64x512xf32, #tpu.memory_space<hbm>>) target_semaphore(%arg11 : memref<!tpu.dma_semaphore, #tpu.memory_space<semaphore_mem>>)
        %add3A_190 = arith.constant 2 : i32
        %add3A_191 = arith.addi %add3A_167, %add3A_190 : i32
        %lt3A_192 = arith.cmpi slt, %add3A_191, %min3A_102 : i32
        %convert_element_type3A_193 = arith.extui %lt3A_192 : i1 to i32
        %cond3A_194 = arith.constant 0 : i32
        %cond3A_195 = arith.cmpi ne, %convert_element_type3A_193, %cond3A_194 : i32
        scf.if %cond3A_195 {
          %dma_wait3A_196 = arith.constant 0 : i32
          %dma_wait3A_197 = arith.constant 0 : i32
          %dma_wait3A_198 = tpu.memref_slice %arg4[%dma_wait3A_196, %dma_wait3A_197] : memref<66560x512xf32, #tpu.memory_space<hbm>> -> memref<64x512xf32, #tpu.memory_space<hbm>>
          %dma_wait3A_199 = arith.constant 0 : i32
          %dma_wait3A_200 = arith.constant 0 : i32
          %dma_wait3A_201 = tpu.memref_slice %arg4[%dma_wait3A_199, %dma_wait3A_200] : memref<66560x512xf32, #tpu.memory_space<hbm>> -> memref<64x512xf32, #tpu.memory_space<hbm>>
          tpu.wait_dma2 semaphore(%arg11 : memref<!tpu.dma_semaphore, #tpu.memory_space<semaphore_mem>>) src(%arg7 : memref<64x512xf32, #tpu.memory_space<vmem>>) dst(%dma_wait3A_201 : memref<64x512xf32, #tpu.memory_space<hbm>>)
          %add3A_202 = arith.constant 2 : i32
          %add3A_203 = arith.addi %add3A_167, %add3A_202 : i32
          %mul3A_204 = arith.constant 2 : i32
          %mul3A_205 = arith.muli %mul3A_204, %add3A_203 : i32
          %add3A_206 = arith.addi %mul3A_205, %select_n3A_30 : i32
          %mul3A_207 = arith.constant 64 : i32
          %mul3A_208 = arith.muli %add3A_206, %mul3A_207 : i32
          %add3A_209 = arith.addi %sub3A_42, %mul3A_208 : i32
          %min3A_210 = arith.constant 32704 : i32
          %min3A_211 = arith.minsi %add3A_209, %min3A_210 : i32
          %multiple_of3A_212 = tpu.assume_multiple %min3A_211, 8 : i32
          %dma_start3A_213 = arith.constant 0 : i32
          %dma_start3A_214 = tpu.memref_slice %arg2[%multiple_of3A_212, %dma_start3A_213] : memref<32768x512xf32, #tpu.memory_space<hbm>> -> memref<64x512xf32, #tpu.memory_space<hbm>>
          %dma_start3A_215 = arith.constant 0 : i32
          %dma_start3A_216 = tpu.memref_slice %arg2[%multiple_of3A_212, %dma_start3A_215] : memref<32768x512xf32, #tpu.memory_space<hbm>> -> memref<64x512xf32, #tpu.memory_space<hbm>>
          tpu.enqueue_dma source(%dma_start3A_216 : memref<64x512xf32, #tpu.memory_space<hbm>>) target(%arg7 : memref<64x512xf32, #tpu.memory_space<vmem>>) target_semaphore(%arg9 : memref<!tpu.dma_semaphore, #tpu.memory_space<semaphore_mem>>)
        } else {
        }
      } else {
      }
    }
    %while3A_144 = arith.constant 1 : i32
    scf.for %while3A_155 = %while3A_142 to %while3A_138 step %while3A_144  : i32 {
      %mul3A_156 = arith.constant 2 : i32
      %mul3A_157 = arith.muli %mul3A_156, %while3A_155 : i32
      %add3A_158 = arith.constant 0 : i32
      %add3A_159 = arith.addi %mul3A_157, %add3A_158 : i32
      %lt3A_160 = arith.cmpi slt, %add3A_159, %min3A_102 : i32
      %convert_element_type3A_161 = arith.extui %lt3A_160 : i1 to i32
      %cond3A_162 = arith.constant 0 : i32
      %cond3A_163 = arith.cmpi ne, %convert_element_type3A_161, %cond3A_162 : i32
      scf.if %cond3A_163 {
        %dma_wait3A = arith.constant 0 : i32
        %dma_wait3A_172 = arith.constant 0 : i32
        %dma_wait3A_173 = tpu.memref_slice %arg2[%dma_wait3A, %dma_wait3A_172] : memref<32768x512xf32, #tpu.memory_space<hbm>> -> memref<64x512xf32, #tpu.memory_space<hbm>>
        %dma_wait3A_174 = arith.constant 0 : i32
        %dma_wait3A_175 = arith.constant 0 : i32
        %dma_wait3A_176 = tpu.memref_slice %arg2[%dma_wait3A_174, %dma_wait3A_175] : memref<32768x512xf32, #tpu.memory_space<hbm>> -> memref<64x512xf32, #tpu.memory_space<hbm>>
        tpu.wait_dma2 semaphore(%arg8 : memref<!tpu.dma_semaphore, #tpu.memory_space<semaphore_mem>>) src(%dma_wait3A_176 : memref<64x512xf32, #tpu.memory_space<hbm>>) dst(%arg6 : memref<64x512xf32, #tpu.memory_space<vmem>>)
        %mul3A_177 = arith.constant 2 : i32
        %mul3A_178 = arith.muli %mul3A_177, %add3A_159 : i32
        %add3A_179 = arith.addi %mul3A_178, %select_n3A_30 : i32
        %mul3A_180 = arith.constant 64 : i32
        %mul3A_181 = arith.muli %add3A_179, %mul3A_180 : i32
        %add3A_182 = arith.addi %sub3A_42, %mul3A_181 : i32
        %min3A_183 = arith.constant 32704 : i32
        %min3A_184 = arith.minsi %add3A_182, %min3A_183 : i32
        %sub3A_185 = arith.subi %min3A_184, %sub3A_42 : i32
        %add3A_186 = arith.addi %mul3A_32, %sub3A_185 : i32
        %multiple_of3A = tpu.assume_multiple %add3A_186, 8 : i32
        %dma_start3A = arith.constant 0 : i32
        %dma_start3A_187 = tpu.memref_slice %arg4[%multiple_of3A, %dma_start3A] : memref<66560x512xf32, #tpu.memory_space<hbm>> -> memref<64x512xf32, #tpu.memory_space<hbm>>
        %dma_start3A_188 = arith.constant 0 : i32
        %dma_start3A_189 = tpu.memref_slice %arg4[%multiple_of3A, %dma_start3A_188] : memref<66560x512xf32, #tpu.memory_space<hbm>> -> memref<64x512xf32, #tpu.memory_space<hbm>>
        tpu.enqueue_dma source(%arg6 : memref<64x512xf32, #tpu.memory_space<vmem>>) target(%dma_start3A_189 : memref<64x512xf32, #tpu.memory_space<hbm>>) target_semaphore(%arg10 : memref<!tpu.dma_semaphore, #tpu.memory_space<semaphore_mem>>)
        %add3A_190 = arith.constant 2 : i32
        %add3A_191 = arith.addi %add3A_159, %add3A_190 : i32
        %lt3A_192 = arith.cmpi slt, %add3A_191, %min3A_102 : i32
        %convert_element_type3A_193 = arith.extui %lt3A_192 : i1 to i32
        %cond3A_194 = arith.constant 0 : i32
        %cond3A_195 = arith.cmpi ne, %convert_element_type3A_193, %cond3A_194 : i32
        scf.if %cond3A_195 {
          %dma_wait3A_196 = arith.constant 0 : i32
          %dma_wait3A_197 = arith.constant 0 : i32
          %dma_wait3A_198 = tpu.memref_slice %arg4[%dma_wait3A_196, %dma_wait3A_197] : memref<66560x512xf32, #tpu.memory_space<hbm>> -> memref<64x512xf32, #tpu.memory_space<hbm>>
          %dma_wait3A_199 = arith.constant 0 : i32
          %dma_wait3A_200 = arith.constant 0 : i32
          %dma_wait3A_201 = tpu.memref_slice %arg4[%dma_wait3A_199, %dma_wait3A_200] : memref<66560x512xf32, #tpu.memory_space<hbm>> -> memref<64x512xf32, #tpu.memory_space<hbm>>
          tpu.wait_dma2 semaphore(%arg10 : memref<!tpu.dma_semaphore, #tpu.memory_space<semaphore_mem>>) src(%arg6 : memref<64x512xf32, #tpu.memory_space<vmem>>) dst(%dma_wait3A_201 : memref<64x512xf32, #tpu.memory_space<hbm>>)
          %add3A_202 = arith.constant 2 : i32
          %add3A_203 = arith.addi %add3A_159, %add3A_202 : i32
          %mul3A_204 = arith.constant 2 : i32
          %mul3A_205 = arith.muli %mul3A_204, %add3A_203 : i32
          %add3A_206 = arith.addi %mul3A_205, %select_n3A_30 : i32
          %mul3A_207 = arith.constant 64 : i32
          %mul3A_208 = arith.muli %add3A_206, %mul3A_207 : i32
          %add3A_209 = arith.addi %sub3A_42, %mul3A_208 : i32
          %min3A_210 = arith.constant 32704 : i32
          %min3A_211 = arith.minsi %add3A_209, %min3A_210 : i32
          %multiple_of3A_212 = tpu.assume_multiple %min3A_211, 8 : i32
          %dma_start3A_213 = arith.constant 0 : i32
          %dma_start3A_214 = tpu.memref_slice %arg2[%multiple_of3A_212, %dma_start3A_213] : memref<32768x512xf32, #tpu.memory_space<hbm>> -> memref<64x512xf32, #tpu.memory_space<hbm>>
          %dma_start3A_215 = arith.constant 0 : i32
          %dma_start3A_216 = tpu.memref_slice %arg2[%multiple_of3A_212, %dma_start3A_215] : memref<32768x512xf32, #tpu.memory_space<hbm>> -> memref<64x512xf32, #tpu.memory_space<hbm>>
          tpu.enqueue_dma source(%dma_start3A_216 : memref<64x512xf32, #tpu.memory_space<hbm>>) target(%arg6 : memref<64x512xf32, #tpu.memory_space<vmem>>) target_semaphore(%arg8 : memref<!tpu.dma_semaphore, #tpu.memory_space<semaphore_mem>>)
        } else {
        }
      } else {
      }
      %mul3A_164 = arith.constant 2 : i32
      %mul3A_165 = arith.muli %mul3A_164, %while3A_155 : i32
      %add3A_166 = arith.constant 1 : i32
      %add3A_167 = arith.addi %mul3A_165, %add3A_166 : i32
      %lt3A_168 = arith.cmpi slt, %add3A_167, %min3A_102 : i32
      %convert_element_type3A_169 = arith.extui %lt3A_168 : i1 to i32
      %cond3A_170 = arith.constant 0 : i32
      %cond3A_171 = arith.cmpi ne, %convert_element_type3A_169, %cond3A_170 : i32
      scf.if %cond3A_171 {
        %dma_wait3A = arith.constant 0 : i32
        %dma_wait3A_172 = arith.constant 0 : i32
        %dma_wait3A_173 = tpu.memref_slice %arg2[%dma_wait3A, %dma_wait3A_172] : memref<32768x512xf32, #tpu.memory_space<hbm>> -> memref<64x512xf32, #tpu.memory_space<hbm>>
        %dma_wait3A_174 = arith.constant 0 : i32
        %dma_wait3A_175 = arith.constant 0 : i32
        %dma_wait3A_176 = tpu.memref_slice %arg2[%dma_wait3A_174, %dma_wait3A_175] : memref<32768x512xf32, #tpu.memory_space<hbm>> -> memref<64x512xf32, #tpu.memory_space<hbm>>
        tpu.wait_dma2 semaphore(%arg9 : memref<!tpu.dma_semaphore, #tpu.memory_space<semaphore_mem>>) src(%dma_wait3A_176 : memref<64x512xf32, #tpu.memory_space<hbm>>) dst(%arg7 : memref<64x512xf32, #tpu.memory_space<vmem>>)
        %mul3A_177 = arith.constant 2 : i32
        %mul3A_178 = arith.muli %mul3A_177, %add3A_167 : i32
        %add3A_179 = arith.addi %mul3A_178, %select_n3A_30 : i32
        %mul3A_180 = arith.constant 64 : i32
        %mul3A_181 = arith.muli %add3A_179, %mul3A_180 : i32
        %add3A_182 = arith.addi %sub3A_42, %mul3A_181 : i32
        %min3A_183 = arith.constant 32704 : i32
        %min3A_184 = arith.minsi %add3A_182, %min3A_183 : i32
        %sub3A_185 = arith.subi %min3A_184, %sub3A_42 : i32
        %add3A_186 = arith.addi %mul3A_32, %sub3A_185 : i32
        %multiple_of3A = tpu.assume_multiple %add3A_186, 8 : i32
        %dma_start3A = arith.constant 0 : i32
        %dma_start3A_187 = tpu.memref_slice %arg4[%multiple_of3A, %dma_start3A] : memref<66560x512xf32, #tpu.memory_space<hbm>> -> memref<64x512xf32, #tpu.memory_space<hbm>>
        %dma_start3A_188 = arith.constant 0 : i32
        %dma_start3A_189 = tpu.memref_slice %arg4[%multiple_of3A, %dma_start3A_188] : memref<66560x512xf32, #tpu.memory_space<hbm>> -> memref<64x512xf32, #tpu.memory_space<hbm>>
        tpu.enqueue_dma source(%arg7 : memref<64x512xf32, #tpu.memory_space<vmem>>) target(%dma_start3A_189 : memref<64x512xf32, #tpu.memory_space<hbm>>) target_semaphore(%arg11 : memref<!tpu.dma_semaphore, #tpu.memory_space<semaphore_mem>>)
        %add3A_190 = arith.constant 2 : i32
        %add3A_191 = arith.addi %add3A_167, %add3A_190 : i32
        %lt3A_192 = arith.cmpi slt, %add3A_191, %min3A_102 : i32
        %convert_element_type3A_193 = arith.extui %lt3A_192 : i1 to i32
        %cond3A_194 = arith.constant 0 : i32
        %cond3A_195 = arith.cmpi ne, %convert_element_type3A_193, %cond3A_194 : i32
        scf.if %cond3A_195 {
          %dma_wait3A_196 = arith.constant 0 : i32
          %dma_wait3A_197 = arith.constant 0 : i32
          %dma_wait3A_198 = tpu.memref_slice %arg4[%dma_wait3A_196, %dma_wait3A_197] : memref<66560x512xf32, #tpu.memory_space<hbm>> -> memref<64x512xf32, #tpu.memory_space<hbm>>
          %dma_wait3A_199 = arith.constant 0 : i32
          %dma_wait3A_200 = arith.constant 0 : i32
          %dma_wait3A_201 = tpu.memref_slice %arg4[%dma_wait3A_199, %dma_wait3A_200] : memref<66560x512xf32, #tpu.memory_space<hbm>> -> memref<64x512xf32, #tpu.memory_space<hbm>>
          tpu.wait_dma2 semaphore(%arg11 : memref<!tpu.dma_semaphore, #tpu.memory_space<semaphore_mem>>) src(%arg7 : memref<64x512xf32, #tpu.memory_space<vmem>>) dst(%dma_wait3A_201 : memref<64x512xf32, #tpu.memory_space<hbm>>)
          %add3A_202 = arith.constant 2 : i32
          %add3A_203 = arith.addi %add3A_167, %add3A_202 : i32
          %mul3A_204 = arith.constant 2 : i32
          %mul3A_205 = arith.muli %mul3A_204, %add3A_203 : i32
          %add3A_206 = arith.addi %mul3A_205, %select_n3A_30 : i32
          %mul3A_207 = arith.constant 64 : i32
          %mul3A_208 = arith.muli %add3A_206, %mul3A_207 : i32
          %add3A_209 = arith.addi %sub3A_42, %mul3A_208 : i32
          %min3A_210 = arith.constant 32704 : i32
          %min3A_211 = arith.minsi %add3A_209, %min3A_210 : i32
          %multiple_of3A_212 = tpu.assume_multiple %min3A_211, 8 : i32
          %dma_start3A_213 = arith.constant 0 : i32
          %dma_start3A_214 = tpu.memref_slice %arg2[%multiple_of3A_212, %dma_start3A_213] : memref<32768x512xf32, #tpu.memory_space<hbm>> -> memref<64x512xf32, #tpu.memory_space<hbm>>
          %dma_start3A_215 = arith.constant 0 : i32
          %dma_start3A_216 = tpu.memref_slice %arg2[%multiple_of3A_212, %dma_start3A_215] : memref<32768x512xf32, #tpu.memory_space<hbm>> -> memref<64x512xf32, #tpu.memory_space<hbm>>
          tpu.enqueue_dma source(%dma_start3A_216 : memref<64x512xf32, #tpu.memory_space<hbm>>) target(%arg7 : memref<64x512xf32, #tpu.memory_space<vmem>>) target_semaphore(%arg9 : memref<!tpu.dma_semaphore, #tpu.memory_space<semaphore_mem>>)
        } else {
        }
      } else {
      }
    }
    %gt3A_145 = arith.constant 0 : i32
    %gt3A_146 = arith.cmpi sgt, %min3A_102, %gt3A_145 : i32
    %convert_element_type3A_147 = arith.extui %gt3A_146 : i1 to i32
    %cond3A_148 = arith.constant 0 : i32
    %cond3A_149 = arith.cmpi ne, %convert_element_type3A_147, %cond3A_148 : i32
    scf.if %cond3A_149 {
      %dma_wait3A = arith.constant 0 : i32
      %dma_wait3A_155 = arith.constant 0 : i32
      %dma_wait3A_156 = tpu.memref_slice %arg4[%dma_wait3A, %dma_wait3A_155] : memref<66560x512xf32, #tpu.memory_space<hbm>> -> memref<64x512xf32, #tpu.memory_space<hbm>>
      %dma_wait3A_157 = arith.constant 0 : i32
      %dma_wait3A_158 = arith.constant 0 : i32
      %dma_wait3A_159 = tpu.memref_slice %arg4[%dma_wait3A_157, %dma_wait3A_158] : memref<66560x512xf32, #tpu.memory_space<hbm>> -> memref<64x512xf32, #tpu.memory_space<hbm>>
      tpu.wait_dma2 semaphore(%arg10 : memref<!tpu.dma_semaphore, #tpu.memory_space<semaphore_mem>>) src(%arg6 : memref<64x512xf32, #tpu.memory_space<vmem>>) dst(%dma_wait3A_159 : memref<64x512xf32, #tpu.memory_space<hbm>>)
    } else {
    }
    %gt3A_150 = arith.constant 1 : i32
    %gt3A_151 = arith.cmpi sgt, %min3A_102, %gt3A_150 : i32
    %convert_element_type3A_152 = arith.extui %gt3A_151 : i1 to i32
    %cond3A_153 = arith.constant 0 : i32
    %cond3A_154 = arith.cmpi ne, %convert_element_type3A_152, %cond3A_153 : i32
    scf.if %cond3A_154 {
      %dma_wait3A = arith.constant 0 : i32
      %dma_wait3A_155 = arith.constant 0 : i32
      %dma_wait3A_156 = tpu.memref_slice %arg4[%dma_wait3A, %dma_wait3A_155] : memref<66560x512xf32, #tpu.memory_space<hbm>> -> memref<64x512xf32, #tpu.memory_space<hbm>>
      %dma_wait3A_157 = arith.constant 0 : i32
      %dma_wait3A_158 = arith.constant 0 : i32
      %dma_wait3A_159 = tpu.memref_slice %arg4[%dma_wait3A_157, %dma_wait3A_158] : memref<66560x512xf32, #tpu.memory_space<hbm>> -> memref<64x512xf32, #tpu.memory_space<hbm>>
      tpu.wait_dma2 semaphore(%arg11 : memref<!tpu.dma_semaphore, #tpu.memory_space<semaphore_mem>>) src(%arg7 : memref<64x512xf32, #tpu.memory_space<vmem>>) dst(%dma_wait3A_159 : memref<64x512xf32, #tpu.memory_space<hbm>>)
    } else {
    }
    return
  }
}

module attributes {stable_mosaic.version = 14 : i64} {
  func.func @_tc_data(%arg0: memref<17xi32, #tpu.memory_space<smem>>, %arg1: memref<66560x512xf32, #tpu.memory_space<any>>, %arg2: memref<65536x512xf32, #tpu.memory_space<any>>, %arg3: memref<65536x512xf32, #tpu.memory_space<any>>, %arg4: memref<1032x512xf32, #tpu.memory_space<vmem>>, %arg5: memref<1032x512xf32, #tpu.memory_space<vmem>>, %arg6: memref<1032x512xf32, #tpu.memory_space<vmem>>, %arg7: memref<1032x512xf32, #tpu.memory_space<vmem>>, %arg8: memref<1032x512xf32, #tpu.memory_space<vmem>>, %arg9: memref<1032x512xf32, #tpu.memory_space<vmem>>, %arg10: memref<1032x512xf32, #tpu.memory_space<vmem>>, %arg11: memref<1032x512xf32, #tpu.memory_space<vmem>>, %arg12: memref<!tpu.dma_semaphore, #tpu.memory_space<semaphore_mem>>, %arg13: memref<!tpu.dma_semaphore, #tpu.memory_space<semaphore_mem>>, %arg14: memref<!tpu.dma_semaphore, #tpu.memory_space<semaphore_mem>>, %arg15: memref<!tpu.dma_semaphore, #tpu.memory_space<semaphore_mem>>, %arg16: memref<!tpu.dma_semaphore, #tpu.memory_space<semaphore_mem>>, %arg17: memref<!tpu.dma_semaphore, #tpu.memory_space<semaphore_mem>>, %arg18: memref<!tpu.dma_semaphore, #tpu.memory_space<semaphore_mem>>, %arg19: memref<!tpu.dma_semaphore, #tpu.memory_space<semaphore_mem>>) attributes {dimension_semantics = [], scalar_prefetch = 0 : i64, scratch_operands = 16 : i64, tpu.core_type = #tpu.core_type<tc>} {
    %rem3A = arith.constant 0 : i32
    %rem3A_0 = arith.constant 4 : i32
    %rem3A_1 = arith.remsi %rem3A, %rem3A_0 : i32
    %get3A = arith.constant 1 : index
    %get3A_2 = memref.load %arg0[%get3A] : memref<17xi32, #tpu.memory_space<smem>>
    %get3A_3 = arith.constant 0 : index
    %get3A_4 = memref.load %arg0[%get3A_3] : memref<17xi32, #tpu.memory_space<smem>>
    %sub3A = arith.subi %get3A_2, %get3A_4 : i32
    %jit3A = arith.constant 0 : i32
    %jit3A_5 = arith.constant 4096 : i32
    %max3A = arith.maxsi %jit3A, %sub3A : i32
    %min3A = arith.minsi %jit3A_5, %max3A : i32
    %add3A = arith.constant 1024 : i32
    %add3A_6 = arith.addi %min3A, %add3A : i32
    %sub3A_7 = arith.constant 1 : i32
    %sub3A_8 = arith.subi %add3A_6, %sub3A_7 : i32
    %jit3A_9 = arith.constant 1024 : i32
    %div3A = arith.divsi %sub3A_8, %jit3A_9 : i32
    %sign3A = arith.constant 0 : i32
    %sign3A_10 = arith.cmpi sgt, %sub3A_8, %sign3A : i32
    %sign3A_11 = arith.extui %sign3A_10 : i1 to i32
    %sign3A_12 = arith.constant 0 : i32
    %sign3A_13 = arith.cmpi slt, %sub3A_8, %sign3A_12 : i32
    %sign3A_14 = arith.extui %sign3A_13 : i1 to i32
    %sign3A_15 = arith.subi %sign3A_11, %sign3A_14 : i32
    %sign3A_16 = arith.constant 0 : i32
    %sign3A_17 = arith.cmpi sgt, %jit3A_9, %sign3A_16 : i32
    %sign3A_18 = arith.extui %sign3A_17 : i1 to i32
    %sign3A_19 = arith.constant 0 : i32
    %sign3A_20 = arith.cmpi slt, %jit3A_9, %sign3A_19 : i32
    %sign3A_21 = arith.extui %sign3A_20 : i1 to i32
    %sign3A_22 = arith.subi %sign3A_18, %sign3A_21 : i32
    %ne3A = arith.cmpi ne, %sign3A_15, %sign3A_22 : i32
    %rem3A_23 = arith.remsi %sub3A_8, %jit3A_9 : i32
    %ne3A_24 = arith.constant 0 : i32
    %ne3A_25 = arith.cmpi ne, %rem3A_23, %ne3A_24 : i32
    %and3A = arith.andi %ne3A, %ne3A_25 : i1
    %sub3A_26 = arith.constant 1 : i32
    %sub3A_27 = arith.subi %div3A, %sub3A_26 : i32
    %select_n3A = arith.select %and3A, %sub3A_27, %div3A : i32
    %lt3A = arith.cmpi slt, %rem3A_1, %select_n3A : i32
    %convert_element_type3A = arith.extui %lt3A : i1 to i32
    %cond3A = arith.constant 0 : i32
    %cond3A_28 = arith.cmpi ne, %convert_element_type3A, %cond3A : i32
    scf.if %cond3A_28 {
      %rem3A_449 = arith.constant 0 : i32
      %rem3A_450 = arith.constant 4 : i32
      %rem3A_451 = arith.remsi %rem3A_449, %rem3A_450 : i32
      %mul3A = arith.constant 1024 : i32
      %mul3A_452 = arith.muli %rem3A_451, %mul3A : i32
      %add3A_453 = arith.constant 0 : i32
      %add3A_454 = arith.addi %add3A_453, %mul3A_452 : i32
      %multiple_of3A = tpu.assume_multiple %add3A_454, 8 : i32
      %dma_start3A = arith.constant 0 : i32
      %dma_start3A_455 = tpu.memref_slice %arg1[%multiple_of3A, %dma_start3A] : memref<66560x512xf32, #tpu.memory_space<any>> -> memref<1032x512xf32, #tpu.memory_space<any>>
      tpu.enqueue_dma source(%dma_start3A_455 : memref<1032x512xf32, #tpu.memory_space<any>>) target(%arg4 : memref<1032x512xf32, #tpu.memory_space<vmem>>) target_semaphore(%arg12 : memref<!tpu.dma_semaphore, #tpu.memory_space<semaphore_mem>>)
    } else {
    }
    %rem3A_29 = arith.constant 1 : i32
    %rem3A_30 = arith.constant 4 : i32
    %rem3A_31 = arith.remsi %rem3A_29, %rem3A_30 : i32
    %get3A_32 = arith.constant 1 : index
    %get3A_33 = memref.load %arg0[%get3A_32] : memref<17xi32, #tpu.memory_space<smem>>
    %get3A_34 = arith.constant 0 : index
    %get3A_35 = memref.load %arg0[%get3A_34] : memref<17xi32, #tpu.memory_space<smem>>
    %sub3A_36 = arith.subi %get3A_33, %get3A_35 : i32
    %jit3A_37 = arith.constant 0 : i32
    %jit3A_38 = arith.constant 4096 : i32
    %max3A_39 = arith.maxsi %jit3A_37, %sub3A_36 : i32
    %min3A_40 = arith.minsi %jit3A_38, %max3A_39 : i32
    %add3A_41 = arith.constant 1024 : i32
    %add3A_42 = arith.addi %min3A_40, %add3A_41 : i32
    %sub3A_43 = arith.constant 1 : i32
    %sub3A_44 = arith.subi %add3A_42, %sub3A_43 : i32
    %jit3A_45 = arith.constant 1024 : i32
    %div3A_46 = arith.divsi %sub3A_44, %jit3A_45 : i32
    %sign3A_47 = arith.constant 0 : i32
    %sign3A_48 = arith.cmpi sgt, %sub3A_44, %sign3A_47 : i32
    %sign3A_49 = arith.extui %sign3A_48 : i1 to i32
    %sign3A_50 = arith.constant 0 : i32
    %sign3A_51 = arith.cmpi slt, %sub3A_44, %sign3A_50 : i32
    %sign3A_52 = arith.extui %sign3A_51 : i1 to i32
    %sign3A_53 = arith.subi %sign3A_49, %sign3A_52 : i32
    %sign3A_54 = arith.constant 0 : i32
    %sign3A_55 = arith.cmpi sgt, %jit3A_45, %sign3A_54 : i32
    %sign3A_56 = arith.extui %sign3A_55 : i1 to i32
    %sign3A_57 = arith.constant 0 : i32
    %sign3A_58 = arith.cmpi slt, %jit3A_45, %sign3A_57 : i32
    %sign3A_59 = arith.extui %sign3A_58 : i1 to i32
    %sign3A_60 = arith.subi %sign3A_56, %sign3A_59 : i32
    %ne3A_61 = arith.cmpi ne, %sign3A_53, %sign3A_60 : i32
    %rem3A_62 = arith.remsi %sub3A_44, %jit3A_45 : i32
    %ne3A_63 = arith.constant 0 : i32
    %ne3A_64 = arith.cmpi ne, %rem3A_62, %ne3A_63 : i32
    %and3A_65 = arith.andi %ne3A_61, %ne3A_64 : i1
    %sub3A_66 = arith.constant 1 : i32
    %sub3A_67 = arith.subi %div3A_46, %sub3A_66 : i32
    %select_n3A_68 = arith.select %and3A_65, %sub3A_67, %div3A_46 : i32
    %lt3A_69 = arith.cmpi slt, %rem3A_31, %select_n3A_68 : i32
    %convert_element_type3A_70 = arith.extui %lt3A_69 : i1 to i32
    %cond3A_71 = arith.constant 0 : i32
    %cond3A_72 = arith.cmpi ne, %convert_element_type3A_70, %cond3A_71 : i32
    scf.if %cond3A_72 {
      %rem3A_449 = arith.constant 1 : i32
      %rem3A_450 = arith.constant 4 : i32
      %rem3A_451 = arith.remsi %rem3A_449, %rem3A_450 : i32
      %mul3A = arith.constant 1024 : i32
      %mul3A_452 = arith.muli %rem3A_451, %mul3A : i32
      %add3A_453 = arith.constant 0 : i32
      %add3A_454 = arith.addi %add3A_453, %mul3A_452 : i32
      %multiple_of3A = tpu.assume_multiple %add3A_454, 8 : i32
      %dma_start3A = arith.constant 0 : i32
      %dma_start3A_455 = tpu.memref_slice %arg1[%multiple_of3A, %dma_start3A] : memref<66560x512xf32, #tpu.memory_space<any>> -> memref<1032x512xf32, #tpu.memory_space<any>>
      tpu.enqueue_dma source(%dma_start3A_455 : memref<1032x512xf32, #tpu.memory_space<any>>) target(%arg5 : memref<1032x512xf32, #tpu.memory_space<vmem>>) target_semaphore(%arg13 : memref<!tpu.dma_semaphore, #tpu.memory_space<semaphore_mem>>)
    } else {
    }
    %rem3A_73 = arith.constant 2 : i32
    %rem3A_74 = arith.constant 4 : i32
    %rem3A_75 = arith.remsi %rem3A_73, %rem3A_74 : i32
    %get3A_76 = arith.constant 1 : index
    %get3A_77 = memref.load %arg0[%get3A_76] : memref<17xi32, #tpu.memory_space<smem>>
    %get3A_78 = arith.constant 0 : index
    %get3A_79 = memref.load %arg0[%get3A_78] : memref<17xi32, #tpu.memory_space<smem>>
    %sub3A_80 = arith.subi %get3A_77, %get3A_79 : i32
    %jit3A_81 = arith.constant 0 : i32
    %jit3A_82 = arith.constant 4096 : i32
    %max3A_83 = arith.maxsi %jit3A_81, %sub3A_80 : i32
    %min3A_84 = arith.minsi %jit3A_82, %max3A_83 : i32
    %add3A_85 = arith.constant 1024 : i32
    %add3A_86 = arith.addi %min3A_84, %add3A_85 : i32
    %sub3A_87 = arith.constant 1 : i32
    %sub3A_88 = arith.subi %add3A_86, %sub3A_87 : i32
    %jit3A_89 = arith.constant 1024 : i32
    %div3A_90 = arith.divsi %sub3A_88, %jit3A_89 : i32
    %sign3A_91 = arith.constant 0 : i32
    %sign3A_92 = arith.cmpi sgt, %sub3A_88, %sign3A_91 : i32
    %sign3A_93 = arith.extui %sign3A_92 : i1 to i32
    %sign3A_94 = arith.constant 0 : i32
    %sign3A_95 = arith.cmpi slt, %sub3A_88, %sign3A_94 : i32
    %sign3A_96 = arith.extui %sign3A_95 : i1 to i32
    %sign3A_97 = arith.subi %sign3A_93, %sign3A_96 : i32
    %sign3A_98 = arith.constant 0 : i32
    %sign3A_99 = arith.cmpi sgt, %jit3A_89, %sign3A_98 : i32
    %sign3A_100 = arith.extui %sign3A_99 : i1 to i32
    %sign3A_101 = arith.constant 0 : i32
    %sign3A_102 = arith.cmpi slt, %jit3A_89, %sign3A_101 : i32
    %sign3A_103 = arith.extui %sign3A_102 : i1 to i32
    %sign3A_104 = arith.subi %sign3A_100, %sign3A_103 : i32
    %ne3A_105 = arith.cmpi ne, %sign3A_97, %sign3A_104 : i32
    %rem3A_106 = arith.remsi %sub3A_88, %jit3A_89 : i32
    %ne3A_107 = arith.constant 0 : i32
    %ne3A_108 = arith.cmpi ne, %rem3A_106, %ne3A_107 : i32
    %and3A_109 = arith.andi %ne3A_105, %ne3A_108 : i1
    %sub3A_110 = arith.constant 1 : i32
    %sub3A_111 = arith.subi %div3A_90, %sub3A_110 : i32
    %select_n3A_112 = arith.select %and3A_109, %sub3A_111, %div3A_90 : i32
    %lt3A_113 = arith.cmpi slt, %rem3A_75, %select_n3A_112 : i32
    %convert_element_type3A_114 = arith.extui %lt3A_113 : i1 to i32
    %cond3A_115 = arith.constant 0 : i32
    %cond3A_116 = arith.cmpi ne, %convert_element_type3A_114, %cond3A_115 : i32
    scf.if %cond3A_116 {
      %rem3A_449 = arith.constant 2 : i32
      %rem3A_450 = arith.constant 4 : i32
      %rem3A_451 = arith.remsi %rem3A_449, %rem3A_450 : i32
      %mul3A = arith.constant 1024 : i32
      %mul3A_452 = arith.muli %rem3A_451, %mul3A : i32
      %add3A_453 = arith.constant 0 : i32
      %add3A_454 = arith.addi %add3A_453, %mul3A_452 : i32
      %multiple_of3A = tpu.assume_multiple %add3A_454, 8 : i32
      %dma_start3A = arith.constant 0 : i32
      %dma_start3A_455 = tpu.memref_slice %arg1[%multiple_of3A, %dma_start3A] : memref<66560x512xf32, #tpu.memory_space<any>> -> memref<1032x512xf32, #tpu.memory_space<any>>
      tpu.enqueue_dma source(%dma_start3A_455 : memref<1032x512xf32, #tpu.memory_space<any>>) target(%arg6 : memref<1032x512xf32, #tpu.memory_space<vmem>>) target_semaphore(%arg14 : memref<!tpu.dma_semaphore, #tpu.memory_space<semaphore_mem>>)
    } else {
    }
    %rem3A_117 = arith.constant 3 : i32
    %rem3A_118 = arith.constant 4 : i32
    %rem3A_119 = arith.remsi %rem3A_117, %rem3A_118 : i32
    %get3A_120 = arith.constant 1 : index
    %get3A_121 = memref.load %arg0[%get3A_120] : memref<17xi32, #tpu.memory_space<smem>>
    %get3A_122 = arith.constant 0 : index
    %get3A_123 = memref.load %arg0[%get3A_122] : memref<17xi32, #tpu.memory_space<smem>>
    %sub3A_124 = arith.subi %get3A_121, %get3A_123 : i32
    %jit3A_125 = arith.constant 0 : i32
    %jit3A_126 = arith.constant 4096 : i32
    %max3A_127 = arith.maxsi %jit3A_125, %sub3A_124 : i32
    %min3A_128 = arith.minsi %jit3A_126, %max3A_127 : i32
    %add3A_129 = arith.constant 1024 : i32
    %add3A_130 = arith.addi %min3A_128, %add3A_129 : i32
    %sub3A_131 = arith.constant 1 : i32
    %sub3A_132 = arith.subi %add3A_130, %sub3A_131 : i32
    %jit3A_133 = arith.constant 1024 : i32
    %div3A_134 = arith.divsi %sub3A_132, %jit3A_133 : i32
    %sign3A_135 = arith.constant 0 : i32
    %sign3A_136 = arith.cmpi sgt, %sub3A_132, %sign3A_135 : i32
    %sign3A_137 = arith.extui %sign3A_136 : i1 to i32
    %sign3A_138 = arith.constant 0 : i32
    %sign3A_139 = arith.cmpi slt, %sub3A_132, %sign3A_138 : i32
    %sign3A_140 = arith.extui %sign3A_139 : i1 to i32
    %sign3A_141 = arith.subi %sign3A_137, %sign3A_140 : i32
    %sign3A_142 = arith.constant 0 : i32
    %sign3A_143 = arith.cmpi sgt, %jit3A_133, %sign3A_142 : i32
    %sign3A_144 = arith.extui %sign3A_143 : i1 to i32
    %sign3A_145 = arith.constant 0 : i32
    %sign3A_146 = arith.cmpi slt, %jit3A_133, %sign3A_145 : i32
    %sign3A_147 = arith.extui %sign3A_146 : i1 to i32
    %sign3A_148 = arith.subi %sign3A_144, %sign3A_147 : i32
    %ne3A_149 = arith.cmpi ne, %sign3A_141, %sign3A_148 : i32
    %rem3A_150 = arith.remsi %sub3A_132, %jit3A_133 : i32
    %ne3A_151 = arith.constant 0 : i32
    %ne3A_152 = arith.cmpi ne, %rem3A_150, %ne3A_151 : i32
    %and3A_153 = arith.andi %ne3A_149, %ne3A_152 : i1
    %sub3A_154 = arith.constant 1 : i32
    %sub3A_155 = arith.subi %div3A_134, %sub3A_154 : i32
    %select_n3A_156 = arith.select %and3A_153, %sub3A_155, %div3A_134 : i32
    %lt3A_157 = arith.cmpi slt, %rem3A_119, %select_n3A_156 : i32
    %convert_element_type3A_158 = arith.extui %lt3A_157 : i1 to i32
    %cond3A_159 = arith.constant 0 : i32
    %cond3A_160 = arith.cmpi ne, %convert_element_type3A_158, %cond3A_159 : i32
    scf.if %cond3A_160 {
      %rem3A_449 = arith.constant 3 : i32
      %rem3A_450 = arith.constant 4 : i32
      %rem3A_451 = arith.remsi %rem3A_449, %rem3A_450 : i32
      %mul3A = arith.constant 1024 : i32
      %mul3A_452 = arith.muli %rem3A_451, %mul3A : i32
      %add3A_453 = arith.constant 0 : i32
      %add3A_454 = arith.addi %add3A_453, %mul3A_452 : i32
      %multiple_of3A = tpu.assume_multiple %add3A_454, 8 : i32
      %dma_start3A = arith.constant 0 : i32
      %dma_start3A_455 = tpu.memref_slice %arg1[%multiple_of3A, %dma_start3A] : memref<66560x512xf32, #tpu.memory_space<any>> -> memref<1032x512xf32, #tpu.memory_space<any>>
      tpu.enqueue_dma source(%dma_start3A_455 : memref<1032x512xf32, #tpu.memory_space<any>>) target(%arg7 : memref<1032x512xf32, #tpu.memory_space<vmem>>) target_semaphore(%arg15 : memref<!tpu.dma_semaphore, #tpu.memory_space<semaphore_mem>>)
    } else {
    }
    %scan3A = arith.constant 0 : i32
    %scan3A_161 = arith.constant 16 : i32
    %scan3A_162 = arith.addi %scan3A, %scan3A_161 : i32
    %scan3A_163 = arith.constant 1 : i32
    scf.for %scan3A_449 = %scan3A to %scan3A_162 step %scan3A_163  : i32 {
      %mul3A = arith.constant 4 : i32
      %mul3A_450 = arith.muli %mul3A, %scan3A_449 : i32
      %add3A_451 = arith.constant 0 : i32
      %add3A_452 = arith.addi %mul3A_450, %add3A_451 : i32
      %ge3A = arith.constant 4 : i32
      %ge3A_453 = arith.cmpi sge, %add3A_452, %ge3A : i32
      %sub3A_454 = arith.constant 4 : i32
      %sub3A_455 = arith.subi %add3A_452, %sub3A_454 : i32
      %max3A_456 = arith.constant 0 : i32
      %max3A_457 = arith.maxsi %sub3A_455, %max3A_456 : i32
      %rem3A_458 = arith.constant 4 : i32
      %rem3A_459 = arith.remsi %max3A_457, %rem3A_458 : i32
      %jit3A_460 = arith.constant 4 : i32
      %div3A_461 = arith.divsi %max3A_457, %jit3A_460 : i32
      %sign3A_462 = arith.constant 0 : i32
      %sign3A_463 = arith.cmpi sgt, %max3A_457, %sign3A_462 : i32
      %sign3A_464 = arith.extui %sign3A_463 : i1 to i32
      %sign3A_465 = arith.constant 0 : i32
      %sign3A_466 = arith.cmpi slt, %max3A_457, %sign3A_465 : i32
      %sign3A_467 = arith.extui %sign3A_466 : i1 to i32
      %sign3A_468 = arith.subi %sign3A_464, %sign3A_467 : i32
      %sign3A_469 = arith.constant 0 : i32
      %sign3A_470 = arith.cmpi sgt, %jit3A_460, %sign3A_469 : i32
      %sign3A_471 = arith.extui %sign3A_470 : i1 to i32
      %sign3A_472 = arith.constant 0 : i32
      %sign3A_473 = arith.cmpi slt, %jit3A_460, %sign3A_472 : i32
      %sign3A_474 = arith.extui %sign3A_473 : i1 to i32
      %sign3A_475 = arith.subi %sign3A_471, %sign3A_474 : i32
      %ne3A_476 = arith.cmpi ne, %sign3A_468, %sign3A_475 : i32
      %rem3A_477 = arith.remsi %max3A_457, %jit3A_460 : i32
      %ne3A_478 = arith.constant 0 : i32
      %ne3A_479 = arith.cmpi ne, %rem3A_477, %ne3A_478 : i32
      %and3A_480 = arith.andi %ne3A_476, %ne3A_479 : i1
      %sub3A_481 = arith.constant 1 : i32
      %sub3A_482 = arith.subi %div3A_461, %sub3A_481 : i32
      %select_n3A_483 = arith.select %and3A_480, %sub3A_482, %div3A_461 : i32
      %add3A_484 = arith.constant 1 : i32
      %add3A_485 = arith.addi %select_n3A_483, %add3A_484 : i32
      %get3A_486 = arith.index_cast %add3A_485 : i32 to index
      %get3A_487 = memref.load %arg0[%get3A_486] : memref<17xi32, #tpu.memory_space<smem>>
      %get3A_488 = arith.index_cast %select_n3A_483 : i32 to index
      %get3A_489 = memref.load %arg0[%get3A_488] : memref<17xi32, #tpu.memory_space<smem>>
      %sub3A_490 = arith.subi %get3A_487, %get3A_489 : i32
      %jit3A_491 = arith.constant 0 : i32
      %jit3A_492 = arith.constant 4096 : i32
      %max3A_493 = arith.maxsi %jit3A_491, %sub3A_490 : i32
      %min3A_494 = arith.minsi %jit3A_492, %max3A_493 : i32
      %add3A_495 = arith.constant 1024 : i32
      %add3A_496 = arith.addi %min3A_494, %add3A_495 : i32
      %sub3A_497 = arith.constant 1 : i32
      %sub3A_498 = arith.subi %add3A_496, %sub3A_497 : i32
      %jit3A_499 = arith.constant 1024 : i32
      %div3A_500 = arith.divsi %sub3A_498, %jit3A_499 : i32
      %sign3A_501 = arith.constant 0 : i32
      %sign3A_502 = arith.cmpi sgt, %sub3A_498, %sign3A_501 : i32
      %sign3A_503 = arith.extui %sign3A_502 : i1 to i32
      %sign3A_504 = arith.constant 0 : i32
      %sign3A_505 = arith.cmpi slt, %sub3A_498, %sign3A_504 : i32
      %sign3A_506 = arith.extui %sign3A_505 : i1 to i32
      %sign3A_507 = arith.subi %sign3A_503, %sign3A_506 : i32
      %sign3A_508 = arith.constant 0 : i32
      %sign3A_509 = arith.cmpi sgt, %jit3A_499, %sign3A_508 : i32
      %sign3A_510 = arith.extui %sign3A_509 : i1 to i32
      %sign3A_511 = arith.constant 0 : i32
      %sign3A_512 = arith.cmpi slt, %jit3A_499, %sign3A_511 : i32
      %sign3A_513 = arith.extui %sign3A_512 : i1 to i32
      %sign3A_514 = arith.subi %sign3A_510, %sign3A_513 : i32
      %ne3A_515 = arith.cmpi ne, %sign3A_507, %sign3A_514 : i32
      %rem3A_516 = arith.remsi %sub3A_498, %jit3A_499 : i32
      %ne3A_517 = arith.constant 0 : i32
      %ne3A_518 = arith.cmpi ne, %rem3A_516, %ne3A_517 : i32
      %and3A_519 = arith.andi %ne3A_515, %ne3A_518 : i1
      %sub3A_520 = arith.constant 1 : i32
      %sub3A_521 = arith.subi %div3A_500, %sub3A_520 : i32
      %select_n3A_522 = arith.select %and3A_519, %sub3A_521, %div3A_500 : i32
      %lt3A_523 = arith.cmpi slt, %rem3A_459, %select_n3A_522 : i32
      %and3A_524 = arith.andi %ge3A_453, %lt3A_523 : i1
      %convert_element_type3A_525 = arith.extui %and3A_524 : i1 to i32
      %cond3A_526 = arith.constant 0 : i32
      %cond3A_527 = arith.cmpi ne, %convert_element_type3A_525, %cond3A_526 : i32
      scf.if %cond3A_527 {
        %dma_wait3A = arith.constant 0 : i32
        %dma_wait3A_1356 = arith.constant 0 : i32
        %dma_wait3A_1357 = tpu.memref_slice %arg3[%dma_wait3A, %dma_wait3A_1356] : memref<65536x512xf32, #tpu.memory_space<any>> -> memref<1024x512xf32, #tpu.memory_space<any>>
        %dma_wait3A_1358 = arith.constant 0 : i32
        %dma_wait3A_1359 = arith.constant 0 : i32
        %dma_wait3A_1360 = tpu.memref_slice %arg8[%dma_wait3A_1358, %dma_wait3A_1359] : memref<1032x512xf32, #tpu.memory_space<vmem>> -> memref<1024x512xf32, #tpu.memory_space<vmem>>
        tpu.wait_dma2 semaphore(%arg16 : memref<!tpu.dma_semaphore, #tpu.memory_space<semaphore_mem>>) src(%dma_wait3A_1360 : memref<1024x512xf32, #tpu.memory_space<vmem>>) dst(%dma_wait3A_1357 : memref<1024x512xf32, #tpu.memory_space<any>>)
      } else {
      }
      %rem3A_528 = arith.constant 4 : i32
      %rem3A_529 = arith.remsi %add3A_452, %rem3A_528 : i32
      %jit3A_530 = arith.constant 4 : i32
      %div3A_531 = arith.divsi %add3A_452, %jit3A_530 : i32
      %sign3A_532 = arith.constant 0 : i32
      %sign3A_533 = arith.cmpi sgt, %add3A_452, %sign3A_532 : i32
      %sign3A_534 = arith.extui %sign3A_533 : i1 to i32
      %sign3A_535 = arith.constant 0 : i32
      %sign3A_536 = arith.cmpi slt, %add3A_452, %sign3A_535 : i32
      %sign3A_537 = arith.extui %sign3A_536 : i1 to i32
      %sign3A_538 = arith.subi %sign3A_534, %sign3A_537 : i32
      %sign3A_539 = arith.constant 0 : i32
      %sign3A_540 = arith.cmpi sgt, %jit3A_530, %sign3A_539 : i32
      %sign3A_541 = arith.extui %sign3A_540 : i1 to i32
      %sign3A_542 = arith.constant 0 : i32
      %sign3A_543 = arith.cmpi slt, %jit3A_530, %sign3A_542 : i32
      %sign3A_544 = arith.extui %sign3A_543 : i1 to i32
      %sign3A_545 = arith.subi %sign3A_541, %sign3A_544 : i32
      %ne3A_546 = arith.cmpi ne, %sign3A_538, %sign3A_545 : i32
      %rem3A_547 = arith.remsi %add3A_452, %jit3A_530 : i32
      %ne3A_548 = arith.constant 0 : i32
      %ne3A_549 = arith.cmpi ne, %rem3A_547, %ne3A_548 : i32
      %and3A_550 = arith.andi %ne3A_546, %ne3A_549 : i1
      %sub3A_551 = arith.constant 1 : i32
      %sub3A_552 = arith.subi %div3A_531, %sub3A_551 : i32
      %select_n3A_553 = arith.select %and3A_550, %sub3A_552, %div3A_531 : i32
      %add3A_554 = arith.constant 1 : i32
      %add3A_555 = arith.addi %select_n3A_553, %add3A_554 : i32
      %get3A_556 = arith.index_cast %add3A_555 : i32 to index
      %get3A_557 = memref.load %arg0[%get3A_556] : memref<17xi32, #tpu.memory_space<smem>>
      %get3A_558 = arith.index_cast %select_n3A_553 : i32 to index
      %get3A_559 = memref.load %arg0[%get3A_558] : memref<17xi32, #tpu.memory_space<smem>>
      %sub3A_560 = arith.subi %get3A_557, %get3A_559 : i32
      %jit3A_561 = arith.constant 0 : i32
      %jit3A_562 = arith.constant 4096 : i32
      %max3A_563 = arith.maxsi %jit3A_561, %sub3A_560 : i32
      %min3A_564 = arith.minsi %jit3A_562, %max3A_563 : i32
      %add3A_565 = arith.constant 1024 : i32
      %add3A_566 = arith.addi %min3A_564, %add3A_565 : i32
      %sub3A_567 = arith.constant 1 : i32
      %sub3A_568 = arith.subi %add3A_566, %sub3A_567 : i32
      %jit3A_569 = arith.constant 1024 : i32
      %div3A_570 = arith.divsi %sub3A_568, %jit3A_569 : i32
      %sign3A_571 = arith.constant 0 : i32
      %sign3A_572 = arith.cmpi sgt, %sub3A_568, %sign3A_571 : i32
      %sign3A_573 = arith.extui %sign3A_572 : i1 to i32
      %sign3A_574 = arith.constant 0 : i32
      %sign3A_575 = arith.cmpi slt, %sub3A_568, %sign3A_574 : i32
      %sign3A_576 = arith.extui %sign3A_575 : i1 to i32
      %sign3A_577 = arith.subi %sign3A_573, %sign3A_576 : i32
      %sign3A_578 = arith.constant 0 : i32
      %sign3A_579 = arith.cmpi sgt, %jit3A_569, %sign3A_578 : i32
      %sign3A_580 = arith.extui %sign3A_579 : i1 to i32
      %sign3A_581 = arith.constant 0 : i32
      %sign3A_582 = arith.cmpi slt, %jit3A_569, %sign3A_581 : i32
      %sign3A_583 = arith.extui %sign3A_582 : i1 to i32
      %sign3A_584 = arith.subi %sign3A_580, %sign3A_583 : i32
      %ne3A_585 = arith.cmpi ne, %sign3A_577, %sign3A_584 : i32
      %rem3A_586 = arith.remsi %sub3A_568, %jit3A_569 : i32
      %ne3A_587 = arith.constant 0 : i32
      %ne3A_588 = arith.cmpi ne, %rem3A_586, %ne3A_587 : i32
      %and3A_589 = arith.andi %ne3A_585, %ne3A_588 : i1
      %sub3A_590 = arith.constant 1 : i32
      %sub3A_591 = arith.subi %div3A_570, %sub3A_590 : i32
      %select_n3A_592 = arith.select %and3A_589, %sub3A_591, %div3A_570 : i32
      %lt3A_593 = arith.cmpi slt, %rem3A_529, %select_n3A_592 : i32
      %convert_element_type3A_594 = arith.extui %lt3A_593 : i1 to i32
      %cond3A_595 = arith.constant 0 : i32
      %cond3A_596 = arith.cmpi ne, %convert_element_type3A_594, %cond3A_595 : i32
      scf.if %cond3A_596 {
        %dma_wait3A = arith.constant 0 : i32
        %dma_wait3A_1356 = arith.constant 0 : i32
        %dma_wait3A_1357 = tpu.memref_slice %arg1[%dma_wait3A, %dma_wait3A_1356] : memref<66560x512xf32, #tpu.memory_space<any>> -> memref<1032x512xf32, #tpu.memory_space<any>>
        tpu.wait_dma2 semaphore(%arg12 : memref<!tpu.dma_semaphore, #tpu.memory_space<semaphore_mem>>) src(%dma_wait3A_1357 : memref<1032x512xf32, #tpu.memory_space<any>>) dst(%arg4 : memref<1032x512xf32, #tpu.memory_space<vmem>>)
        %jit3A_1358 = arith.constant 4 : i32
        %div3A_1359 = arith.divsi %add3A_452, %jit3A_1358 : i32
        %sign3A_1360 = arith.constant 0 : i32
        %sign3A_1361 = arith.cmpi sgt, %add3A_452, %sign3A_1360 : i32
        %sign3A_1362 = arith.extui %sign3A_1361 : i1 to i32
        %sign3A_1363 = arith.constant 0 : i32
        %sign3A_1364 = arith.cmpi slt, %add3A_452, %sign3A_1363 : i32
        %sign3A_1365 = arith.extui %sign3A_1364 : i1 to i32
        %sign3A_1366 = arith.subi %sign3A_1362, %sign3A_1365 : i32
        %sign3A_1367 = arith.constant 0 : i32
        %sign3A_1368 = arith.cmpi sgt, %jit3A_1358, %sign3A_1367 : i32
        %sign3A_1369 = arith.extui %sign3A_1368 : i1 to i32
        %sign3A_1370 = arith.constant 0 : i32
        %sign3A_1371 = arith.cmpi slt, %jit3A_1358, %sign3A_1370 : i32
        %sign3A_1372 = arith.extui %sign3A_1371 : i1 to i32
        %sign3A_1373 = arith.subi %sign3A_1369, %sign3A_1372 : i32
        %ne3A_1374 = arith.cmpi ne, %sign3A_1366, %sign3A_1373 : i32
        %rem3A_1375 = arith.remsi %add3A_452, %jit3A_1358 : i32
        %ne3A_1376 = arith.constant 0 : i32
        %ne3A_1377 = arith.cmpi ne, %rem3A_1375, %ne3A_1376 : i32
        %and3A_1378 = arith.andi %ne3A_1374, %ne3A_1377 : i1
        %sub3A_1379 = arith.constant 1 : i32
        %sub3A_1380 = arith.subi %div3A_1359, %sub3A_1379 : i32
        %select_n3A_1381 = arith.select %and3A_1378, %sub3A_1380, %div3A_1359 : i32
        %rem3A_1382 = arith.constant 4 : i32
        %rem3A_1383 = arith.remsi %add3A_452, %rem3A_1382 : i32
        %add3A_1384 = arith.constant 1 : i32
        %add3A_1385 = arith.addi %select_n3A_1381, %add3A_1384 : i32
        %get3A_1386 = arith.index_cast %add3A_1385 : i32 to index
        %get3A_1387 = memref.load %arg0[%get3A_1386] : memref<17xi32, #tpu.memory_space<smem>>
        %get3A_1388 = arith.index_cast %select_n3A_1381 : i32 to index
        %get3A_1389 = memref.load %arg0[%get3A_1388] : memref<17xi32, #tpu.memory_space<smem>>
        %sub3A_1390 = arith.subi %get3A_1387, %get3A_1389 : i32
        %jit3A_1391 = arith.constant 0 : i32
        %jit3A_1392 = arith.constant 4096 : i32
        %max3A_1393 = arith.maxsi %jit3A_1391, %sub3A_1390 : i32
        %min3A_1394 = arith.minsi %jit3A_1392, %max3A_1393 : i32
        %get3A_1395 = arith.index_cast %select_n3A_1381 : i32 to index
        %get3A_1396 = memref.load %arg0[%get3A_1395] : memref<17xi32, #tpu.memory_space<smem>>
        %rem3A_1397 = arith.constant 8 : i32
        %rem3A_1398 = arith.remsi %get3A_1396, %rem3A_1397 : i32
        %eq3A = arith.constant 0 : i32
        %eq3A_1399 = arith.cmpi eq, %rem3A_1398, %eq3A : i32
        %convert_element_type3A_1400 = arith.extui %eq3A_1399 : i1 to i32
        %cond3A_1401 = arith.constant 0 : i32
        %cond3A_1402 = arith.cmpi ne, %convert_element_type3A_1400, %cond3A_1401 : i32
        scf.if %cond3A_1402 {
          %get3A_1451 = arith.constant 0 : index
          %get3A_1452 = arith.constant 0 : index
          %get3A_1453 = vector.load %arg4[%get3A_1451, %get3A_1452] : memref<1032x512xf32, #tpu.memory_space<vmem>>, vector<1032x512xf32>
          %swap3A = arith.constant 0 : index
          %swap3A_1454 = arith.constant 0 : index
          %swap3A_1455 = vector.load %arg8[%swap3A, %swap3A_1454] : memref<1032x512xf32, #tpu.memory_space<vmem>>, vector<1032x512xf32>
          tpu.vector_store %arg8[%swap3A, %swap3A_1454], %get3A_1453 {strides = array<i32>} : memref<1032x512xf32, #tpu.memory_space<vmem>>, vector<1032x512xf32>,
        } else {
        }
        %eq3A_1403 = arith.constant 1 : i32
        %eq3A_1404 = arith.cmpi eq, %rem3A_1398, %eq3A_1403 : i32
        %convert_element_type3A_1405 = arith.extui %eq3A_1404 : i1 to i32
        %cond3A_1406 = arith.constant 0 : i32
        %cond3A_1407 = arith.cmpi ne, %convert_element_type3A_1405, %cond3A_1406 : i32
        scf.if %cond3A_1407 {
          %get3A_1451 = arith.constant 0 : index
          %get3A_1452 = arith.constant 0 : index
          %get3A_1453 = vector.load %arg4[%get3A_1451, %get3A_1452] : memref<1032x512xf32, #tpu.memory_space<vmem>>, vector<1032x512xf32>
          %roll3A = arith.constant 1031 : i32
          %roll3A_1454 = tpu.dynamic_rotate %get3A_1453 by %roll3A dim 0 : vector<1032x512xf32>, i32 -> vector<1032x512xf32>
          %swap3A = arith.constant 0 : index
          %swap3A_1455 = arith.constant 0 : index
          %swap3A_1456 = vector.load %arg8[%swap3A, %swap3A_1455] : memref<1032x512xf32, #tpu.memory_space<vmem>>, vector<1032x512xf32>
          tpu.vector_store %arg8[%swap3A, %swap3A_1455], %roll3A_1454 {strides = array<i32>} : memref<1032x512xf32, #tpu.memory_space<vmem>>, vector<1032x512xf32>,
        } else {
        }
        %eq3A_1408 = arith.constant 2 : i32
        %eq3A_1409 = arith.cmpi eq, %rem3A_1398, %eq3A_1408 : i32
        %convert_element_type3A_1410 = arith.extui %eq3A_1409 : i1 to i32
        %cond3A_1411 = arith.constant 0 : i32
        %cond3A_1412 = arith.cmpi ne, %convert_element_type3A_1410, %cond3A_1411 : i32
        scf.if %cond3A_1412 {
          %get3A_1451 = arith.constant 0 : index
          %get3A_1452 = arith.constant 0 : index
          %get3A_1453 = vector.load %arg4[%get3A_1451, %get3A_1452] : memref<1032x512xf32, #tpu.memory_space<vmem>>, vector<1032x512xf32>
          %roll3A = arith.constant 1030 : i32
          %roll3A_1454 = tpu.dynamic_rotate %get3A_1453 by %roll3A dim 0 : vector<1032x512xf32>, i32 -> vector<1032x512xf32>
          %swap3A = arith.constant 0 : index
          %swap3A_1455 = arith.constant 0 : index
          %swap3A_1456 = vector.load %arg8[%swap3A, %swap3A_1455] : memref<1032x512xf32, #tpu.memory_space<vmem>>, vector<1032x512xf32>
          tpu.vector_store %arg8[%swap3A, %swap3A_1455], %roll3A_1454 {strides = array<i32>} : memref<1032x512xf32, #tpu.memory_space<vmem>>, vector<1032x512xf32>,
        } else {
        }
        %eq3A_1413 = arith.constant 3 : i32
        %eq3A_1414 = arith.cmpi eq, %rem3A_1398, %eq3A_1413 : i32
        %convert_element_type3A_1415 = arith.extui %eq3A_1414 : i1 to i32
        %cond3A_1416 = arith.constant 0 : i32
        %cond3A_1417 = arith.cmpi ne, %convert_element_type3A_1415, %cond3A_1416 : i32
        scf.if %cond3A_1417 {
          %get3A_1451 = arith.constant 0 : index
          %get3A_1452 = arith.constant 0 : index
          %get3A_1453 = vector.load %arg4[%get3A_1451, %get3A_1452] : memref<1032x512xf32, #tpu.memory_space<vmem>>, vector<1032x512xf32>
          %roll3A = arith.constant 1029 : i32
          %roll3A_1454 = tpu.dynamic_rotate %get3A_1453 by %roll3A dim 0 : vector<1032x512xf32>, i32 -> vector<1032x512xf32>
          %swap3A = arith.constant 0 : index
          %swap3A_1455 = arith.constant 0 : index
          %swap3A_1456 = vector.load %arg8[%swap3A, %swap3A_1455] : memref<1032x512xf32, #tpu.memory_space<vmem>>, vector<1032x512xf32>
          tpu.vector_store %arg8[%swap3A, %swap3A_1455], %roll3A_1454 {strides = array<i32>} : memref<1032x512xf32, #tpu.memory_space<vmem>>, vector<1032x512xf32>,
        } else {
        }
        %eq3A_1418 = arith.constant 4 : i32
        %eq3A_1419 = arith.cmpi eq, %rem3A_1398, %eq3A_1418 : i32
        %convert_element_type3A_1420 = arith.extui %eq3A_1419 : i1 to i32
        %cond3A_1421 = arith.constant 0 : i32
        %cond3A_1422 = arith.cmpi ne, %convert_element_type3A_1420, %cond3A_1421 : i32
        scf.if %cond3A_1422 {
          %get3A_1451 = arith.constant 0 : index
          %get3A_1452 = arith.constant 0 : index
          %get3A_1453 = vector.load %arg4[%get3A_1451, %get3A_1452] : memref<1032x512xf32, #tpu.memory_space<vmem>>, vector<1032x512xf32>
          %roll3A = arith.constant 1028 : i32
          %roll3A_1454 = tpu.dynamic_rotate %get3A_1453 by %roll3A dim 0 : vector<1032x512xf32>, i32 -> vector<1032x512xf32>
          %swap3A = arith.constant 0 : index
          %swap3A_1455 = arith.constant 0 : index
          %swap3A_1456 = vector.load %arg8[%swap3A, %swap3A_1455] : memref<1032x512xf32, #tpu.memory_space<vmem>>, vector<1032x512xf32>
          tpu.vector_store %arg8[%swap3A, %swap3A_1455], %roll3A_1454 {strides = array<i32>} : memref<1032x512xf32, #tpu.memory_space<vmem>>, vector<1032x512xf32>,
        } else {
        }
        %eq3A_1423 = arith.constant 5 : i32
        %eq3A_1424 = arith.cmpi eq, %rem3A_1398, %eq3A_1423 : i32
        %convert_element_type3A_1425 = arith.extui %eq3A_1424 : i1 to i32
        %cond3A_1426 = arith.constant 0 : i32
        %cond3A_1427 = arith.cmpi ne, %convert_element_type3A_1425, %cond3A_1426 : i32
        scf.if %cond3A_1427 {
          %get3A_1451 = arith.constant 0 : index
          %get3A_1452 = arith.constant 0 : index
          %get3A_1453 = vector.load %arg4[%get3A_1451, %get3A_1452] : memref<1032x512xf32, #tpu.memory_space<vmem>>, vector<1032x512xf32>
          %roll3A = arith.constant 1027 : i32
          %roll3A_1454 = tpu.dynamic_rotate %get3A_1453 by %roll3A dim 0 : vector<1032x512xf32>, i32 -> vector<1032x512xf32>
          %swap3A = arith.constant 0 : index
          %swap3A_1455 = arith.constant 0 : index
          %swap3A_1456 = vector.load %arg8[%swap3A, %swap3A_1455] : memref<1032x512xf32, #tpu.memory_space<vmem>>, vector<1032x512xf32>
          tpu.vector_store %arg8[%swap3A, %swap3A_1455], %roll3A_1454 {strides = array<i32>} : memref<1032x512xf32, #tpu.memory_space<vmem>>, vector<1032x512xf32>,
        } else {
        }
        %eq3A_1428 = arith.constant 6 : i32
        %eq3A_1429 = arith.cmpi eq, %rem3A_1398, %eq3A_1428 : i32
        %convert_element_type3A_1430 = arith.extui %eq3A_1429 : i1 to i32
        %cond3A_1431 = arith.constant 0 : i32
        %cond3A_1432 = arith.cmpi ne, %convert_element_type3A_1430, %cond3A_1431 : i32
        scf.if %cond3A_1432 {
          %get3A_1451 = arith.constant 0 : index
          %get3A_1452 = arith.constant 0 : index
          %get3A_1453 = vector.load %arg4[%get3A_1451, %get3A_1452] : memref<1032x512xf32, #tpu.memory_space<vmem>>, vector<1032x512xf32>
          %roll3A = arith.constant 1026 : i32
          %roll3A_1454 = tpu.dynamic_rotate %get3A_1453 by %roll3A dim 0 : vector<1032x512xf32>, i32 -> vector<1032x512xf32>
          %swap3A = arith.constant 0 : index
          %swap3A_1455 = arith.constant 0 : index
          %swap3A_1456 = vector.load %arg8[%swap3A, %swap3A_1455] : memref<1032x512xf32, #tpu.memory_space<vmem>>, vector<1032x512xf32>
          tpu.vector_store %arg8[%swap3A, %swap3A_1455], %roll3A_1454 {strides = array<i32>} : memref<1032x512xf32, #tpu.memory_space<vmem>>, vector<1032x512xf32>,
        } else {
        }
        %eq3A_1433 = arith.constant 7 : i32
        %eq3A_1434 = arith.cmpi eq, %rem3A_1398, %eq3A_1433 : i32
        %convert_element_type3A_1435 = arith.extui %eq3A_1434 : i1 to i32
        %cond3A_1436 = arith.constant 0 : i32
        %cond3A_1437 = arith.cmpi ne, %convert_element_type3A_1435, %cond3A_1436 : i32
        scf.if %cond3A_1437 {
          %get3A_1451 = arith.constant 0 : index
          %get3A_1452 = arith.constant 0 : index
          %get3A_1453 = vector.load %arg4[%get3A_1451, %get3A_1452] : memref<1032x512xf32, #tpu.memory_space<vmem>>, vector<1032x512xf32>
          %roll3A = arith.constant 1025 : i32
          %roll3A_1454 = tpu.dynamic_rotate %get3A_1453 by %roll3A dim 0 : vector<1032x512xf32>, i32 -> vector<1032x512xf32>
          %swap3A = arith.constant 0 : index
          %swap3A_1455 = arith.constant 0 : index
          %swap3A_1456 = vector.load %arg8[%swap3A, %swap3A_1455] : memref<1032x512xf32, #tpu.memory_space<vmem>>, vector<1032x512xf32>
          tpu.vector_store %arg8[%swap3A, %swap3A_1455], %roll3A_1454 {strides = array<i32>} : memref<1032x512xf32, #tpu.memory_space<vmem>>, vector<1032x512xf32>,
        } else {
        }
        %mul3A_1438 = arith.constant 1024 : i32
        %mul3A_1439 = arith.muli %rem3A_1383, %mul3A_1438 : i32
        %add3A_1440 = arith.constant 1024 : i32
        %add3A_1441 = arith.addi %mul3A_1439, %add3A_1440 : i32
        %gt3A = arith.cmpi sgt, %add3A_1441, %min3A_1394 : i32
        %convert_element_type3A_1442 = arith.extui %gt3A : i1 to i32
        %cond3A_1443 = arith.constant 0 : i32
        %cond3A_1444 = arith.cmpi ne, %convert_element_type3A_1442, %cond3A_1443 : i32
        scf.if %cond3A_1444 {
          %iota3A = tpu.iota {dimensions = array<i32: 0>} : vector<1032x512xi32>
          %mul3A_1451 = arith.constant 1024 : i32
          %mul3A_1452 = arith.muli %rem3A_1383, %mul3A_1451 : i32
          %add3A_1453 = vector.broadcast %mul3A_1452 : i32 to vector<1032x512xi32>
          %add3A_1454 = arith.addi %iota3A, %add3A_1453 : vector<1032x512xi32>
          %lt3A_1455 = vector.broadcast %min3A_1394 : i32 to vector<1032x512xi32>
          %lt3A_1456 = arith.cmpi slt, %add3A_1454, %lt3A_1455 : vector<1032x512xi32>
          %get3A_1457 = arith.constant 0 : index
          %get3A_1458 = arith.constant 0 : index
          %get3A_1459 = vector.load %arg8[%get3A_1457, %get3A_1458] : memref<1032x512xf32, #tpu.memory_space<vmem>>, vector<1032x512xf32>
          %jit3A_1460 = arith.constant 0.000000e+00 : f32
          %broadcast_in_dim3A = vector.broadcast %jit3A_1460 : f32 to vector<1032x512xf32>
          %select_n3A_1461 = arith.select %lt3A_1456, %get3A_1459, %broadcast_in_dim3A : vector<1032x512xi1>, vector<1032x512xf32>
          %swap3A = arith.constant 0 : index
          %swap3A_1462 = arith.constant 0 : index
          %swap3A_1463 = vector.load %arg8[%swap3A, %swap3A_1462] : memref<1032x512xf32, #tpu.memory_space<vmem>>, vector<1032x512xf32>
          tpu.vector_store %arg8[%swap3A, %swap3A_1462], %select_n3A_1461 {strides = array<i32>} : memref<1032x512xf32, #tpu.memory_space<vmem>>, vector<1032x512xf32>,
        } else {
        }
        %mul3A_1445 = arith.constant 1024 : i32
        %mul3A_1446 = arith.muli %add3A_452, %mul3A_1445 : i32
        %multiple_of3A = tpu.assume_multiple %mul3A_1446, 8 : i32
        %dma_start3A = arith.constant 0 : i32
        %dma_start3A_1447 = tpu.memref_slice %arg3[%multiple_of3A, %dma_start3A] : memref<65536x512xf32, #tpu.memory_space<any>> -> memref<1024x512xf32, #tpu.memory_space<any>>
        %dma_start3A_1448 = arith.constant 0 : i32
        %dma_start3A_1449 = arith.constant 0 : i32
        %dma_start3A_1450 = tpu.memref_slice %arg8[%dma_start3A_1448, %dma_start3A_1449] : memref<1032x512xf32, #tpu.memory_space<vmem>> -> memref<1024x512xf32, #tpu.memory_space<vmem>>
        tpu.enqueue_dma source(%dma_start3A_1450 : memref<1024x512xf32, #tpu.memory_space<vmem>>) target(%dma_start3A_1447 : memref<1024x512xf32, #tpu.memory_space<any>>) target_semaphore(%arg16 : memref<!tpu.dma_semaphore, #tpu.memory_space<semaphore_mem>>)
      } else {
      }
      %add3A_597 = arith.constant 4 : i32
      %add3A_598 = arith.addi %add3A_452, %add3A_597 : i32
      %min3A_599 = arith.constant 63 : i32
      %min3A_600 = arith.minsi %add3A_598, %min3A_599 : i32
      %add3A_601 = arith.constant 4 : i32
      %add3A_602 = arith.addi %add3A_452, %add3A_601 : i32
      %lt3A_603 = arith.constant 64 : i32
      %lt3A_604 = arith.cmpi slt, %add3A_602, %lt3A_603 : i32
      %rem3A_605 = arith.constant 4 : i32
      %rem3A_606 = arith.remsi %min3A_600, %rem3A_605 : i32
      %jit3A_607 = arith.constant 4 : i32
      %div3A_608 = arith.divsi %min3A_600, %jit3A_607 : i32
      %sign3A_609 = arith.constant 0 : i32
      %sign3A_610 = arith.cmpi sgt, %min3A_600, %sign3A_609 : i32
      %sign3A_611 = arith.extui %sign3A_610 : i1 to i32
      %sign3A_612 = arith.constant 0 : i32
      %sign3A_613 = arith.cmpi slt, %min3A_600, %sign3A_612 : i32
      %sign3A_614 = arith.extui %sign3A_613 : i1 to i32
      %sign3A_615 = arith.subi %sign3A_611, %sign3A_614 : i32
      %sign3A_616 = arith.constant 0 : i32
      %sign3A_617 = arith.cmpi sgt, %jit3A_607, %sign3A_616 : i32
      %sign3A_618 = arith.extui %sign3A_617 : i1 to i32
      %sign3A_619 = arith.constant 0 : i32
      %sign3A_620 = arith.cmpi slt, %jit3A_607, %sign3A_619 : i32
      %sign3A_621 = arith.extui %sign3A_620 : i1 to i32
      %sign3A_622 = arith.subi %sign3A_618, %sign3A_621 : i32
      %ne3A_623 = arith.cmpi ne, %sign3A_615, %sign3A_622 : i32
      %rem3A_624 = arith.remsi %min3A_600, %jit3A_607 : i32
      %ne3A_625 = arith.constant 0 : i32
      %ne3A_626 = arith.cmpi ne, %rem3A_624, %ne3A_625 : i32
      %and3A_627 = arith.andi %ne3A_623, %ne3A_626 : i1
      %sub3A_628 = arith.constant 1 : i32
      %sub3A_629 = arith.subi %div3A_608, %sub3A_628 : i32
      %select_n3A_630 = arith.select %and3A_627, %sub3A_629, %div3A_608 : i32
      %add3A_631 = arith.constant 1 : i32
      %add3A_632 = arith.addi %select_n3A_630, %add3A_631 : i32
      %get3A_633 = arith.index_cast %add3A_632 : i32 to index
      %get3A_634 = memref.load %arg0[%get3A_633] : memref<17xi32, #tpu.memory_space<smem>>
      %get3A_635 = arith.index_cast %select_n3A_630 : i32 to index
      %get3A_636 = memref.load %arg0[%get3A_635] : memref<17xi32, #tpu.memory_space<smem>>
      %sub3A_637 = arith.subi %get3A_634, %get3A_636 : i32
      %jit3A_638 = arith.constant 0 : i32
      %jit3A_639 = arith.constant 4096 : i32
      %max3A_640 = arith.maxsi %jit3A_638, %sub3A_637 : i32
      %min3A_641 = arith.minsi %jit3A_639, %max3A_640 : i32
      %add3A_642 = arith.constant 1024 : i32
      %add3A_643 = arith.addi %min3A_641, %add3A_642 : i32
      %sub3A_644 = arith.constant 1 : i32
      %sub3A_645 = arith.subi %add3A_643, %sub3A_644 : i32
      %jit3A_646 = arith.constant 1024 : i32
      %div3A_647 = arith.divsi %sub3A_645, %jit3A_646 : i32
      %sign3A_648 = arith.constant 0 : i32
      %sign3A_649 = arith.cmpi sgt, %sub3A_645, %sign3A_648 : i32
      %sign3A_650 = arith.extui %sign3A_649 : i1 to i32
      %sign3A_651 = arith.constant 0 : i32
      %sign3A_652 = arith.cmpi slt, %sub3A_645, %sign3A_651 : i32
      %sign3A_653 = arith.extui %sign3A_652 : i1 to i32
      %sign3A_654 = arith.subi %sign3A_650, %sign3A_653 : i32
      %sign3A_655 = arith.constant 0 : i32
      %sign3A_656 = arith.cmpi sgt, %jit3A_646, %sign3A_655 : i32
      %sign3A_657 = arith.extui %sign3A_656 : i1 to i32
      %sign3A_658 = arith.constant 0 : i32
      %sign3A_659 = arith.cmpi slt, %jit3A_646, %sign3A_658 : i32
      %sign3A_660 = arith.extui %sign3A_659 : i1 to i32
      %sign3A_661 = arith.subi %sign3A_657, %sign3A_660 : i32
      %ne3A_662 = arith.cmpi ne, %sign3A_654, %sign3A_661 : i32
      %rem3A_663 = arith.remsi %sub3A_645, %jit3A_646 : i32
      %ne3A_664 = arith.constant 0 : i32
      %ne3A_665 = arith.cmpi ne, %rem3A_663, %ne3A_664 : i32
      %and3A_666 = arith.andi %ne3A_662, %ne3A_665 : i1
      %sub3A_667 = arith.constant 1 : i32
      %sub3A_668 = arith.subi %div3A_647, %sub3A_667 : i32
      %select_n3A_669 = arith.select %and3A_666, %sub3A_668, %div3A_647 : i32
      %lt3A_670 = arith.cmpi slt, %rem3A_606, %select_n3A_669 : i32
      %and3A_671 = arith.andi %lt3A_604, %lt3A_670 : i1
      %convert_element_type3A_672 = arith.extui %and3A_671 : i1 to i32
      %cond3A_673 = arith.constant 0 : i32
      %cond3A_674 = arith.cmpi ne, %convert_element_type3A_672, %cond3A_673 : i32
      scf.if %cond3A_674 {
        %jit3A_1356 = arith.constant 4 : i32
        %div3A_1357 = arith.divsi %min3A_600, %jit3A_1356 : i32
        %sign3A_1358 = arith.constant 0 : i32
        %sign3A_1359 = arith.cmpi sgt, %min3A_600, %sign3A_1358 : i32
        %sign3A_1360 = arith.extui %sign3A_1359 : i1 to i32
        %sign3A_1361 = arith.constant 0 : i32
        %sign3A_1362 = arith.cmpi slt, %min3A_600, %sign3A_1361 : i32
        %sign3A_1363 = arith.extui %sign3A_1362 : i1 to i32
        %sign3A_1364 = arith.subi %sign3A_1360, %sign3A_1363 : i32
        %sign3A_1365 = arith.constant 0 : i32
        %sign3A_1366 = arith.cmpi sgt, %jit3A_1356, %sign3A_1365 : i32
        %sign3A_1367 = arith.extui %sign3A_1366 : i1 to i32
        %sign3A_1368 = arith.constant 0 : i32
        %sign3A_1369 = arith.cmpi slt, %jit3A_1356, %sign3A_1368 : i32
        %sign3A_1370 = arith.extui %sign3A_1369 : i1 to i32
        %sign3A_1371 = arith.subi %sign3A_1367, %sign3A_1370 : i32
        %ne3A_1372 = arith.cmpi ne, %sign3A_1364, %sign3A_1371 : i32
        %rem3A_1373 = arith.remsi %min3A_600, %jit3A_1356 : i32
        %ne3A_1374 = arith.constant 0 : i32
        %ne3A_1375 = arith.cmpi ne, %rem3A_1373, %ne3A_1374 : i32
        %and3A_1376 = arith.andi %ne3A_1372, %ne3A_1375 : i1
        %sub3A_1377 = arith.constant 1 : i32
        %sub3A_1378 = arith.subi %div3A_1357, %sub3A_1377 : i32
        %select_n3A_1379 = arith.select %and3A_1376, %sub3A_1378, %div3A_1357 : i32
        %mul3A_1380 = arith.constant 4160 : i32
        %mul3A_1381 = arith.muli %select_n3A_1379, %mul3A_1380 : i32
        %rem3A_1382 = arith.constant 4 : i32
        %rem3A_1383 = arith.remsi %min3A_600, %rem3A_1382 : i32
        %mul3A_1384 = arith.constant 1024 : i32
        %mul3A_1385 = arith.muli %rem3A_1383, %mul3A_1384 : i32
        %add3A_1386 = arith.addi %mul3A_1381, %mul3A_1385 : i32
        %multiple_of3A = tpu.assume_multiple %add3A_1386, 8 : i32
        %dma_start3A = arith.constant 0 : i32
        %dma_start3A_1387 = tpu.memref_slice %arg1[%multiple_of3A, %dma_start3A] : memref<66560x512xf32, #tpu.memory_space<any>> -> memref<1032x512xf32, #tpu.memory_space<any>>
        tpu.enqueue_dma source(%dma_start3A_1387 : memref<1032x512xf32, #tpu.memory_space<any>>) target(%arg4 : memref<1032x512xf32, #tpu.memory_space<vmem>>) target_semaphore(%arg12 : memref<!tpu.dma_semaphore, #tpu.memory_space<semaphore_mem>>)
      } else {
      }
      %mul3A_675 = arith.constant 4 : i32
      %mul3A_676 = arith.muli %mul3A_675, %scan3A_449 : i32
      %add3A_677 = arith.constant 1 : i32
      %add3A_678 = arith.addi %mul3A_676, %add3A_677 : i32
      %ge3A_679 = arith.constant 4 : i32
      %ge3A_680 = arith.cmpi sge, %add3A_678, %ge3A_679 : i32
      %sub3A_681 = arith.constant 4 : i32
      %sub3A_682 = arith.subi %add3A_678, %sub3A_681 : i32
      %max3A_683 = arith.constant 0 : i32
      %max3A_684 = arith.maxsi %sub3A_682, %max3A_683 : i32
      %rem3A_685 = arith.constant 4 : i32
      %rem3A_686 = arith.remsi %max3A_684, %rem3A_685 : i32
      %jit3A_687 = arith.constant 4 : i32
      %div3A_688 = arith.divsi %max3A_684, %jit3A_687 : i32
      %sign3A_689 = arith.constant 0 : i32
      %sign3A_690 = arith.cmpi sgt, %max3A_684, %sign3A_689 : i32
      %sign3A_691 = arith.extui %sign3A_690 : i1 to i32
      %sign3A_692 = arith.constant 0 : i32
      %sign3A_693 = arith.cmpi slt, %max3A_684, %sign3A_692 : i32
      %sign3A_694 = arith.extui %sign3A_693 : i1 to i32
      %sign3A_695 = arith.subi %sign3A_691, %sign3A_694 : i32
      %sign3A_696 = arith.constant 0 : i32
      %sign3A_697 = arith.cmpi sgt, %jit3A_687, %sign3A_696 : i32
      %sign3A_698 = arith.extui %sign3A_697 : i1 to i32
      %sign3A_699 = arith.constant 0 : i32
      %sign3A_700 = arith.cmpi slt, %jit3A_687, %sign3A_699 : i32
      %sign3A_701 = arith.extui %sign3A_700 : i1 to i32
      %sign3A_702 = arith.subi %sign3A_698, %sign3A_701 : i32
      %ne3A_703 = arith.cmpi ne, %sign3A_695, %sign3A_702 : i32
      %rem3A_704 = arith.remsi %max3A_684, %jit3A_687 : i32
      %ne3A_705 = arith.constant 0 : i32
      %ne3A_706 = arith.cmpi ne, %rem3A_704, %ne3A_705 : i32
      %and3A_707 = arith.andi %ne3A_703, %ne3A_706 : i1
      %sub3A_708 = arith.constant 1 : i32
      %sub3A_709 = arith.subi %div3A_688, %sub3A_708 : i32
      %select_n3A_710 = arith.select %and3A_707, %sub3A_709, %div3A_688 : i32
      %add3A_711 = arith.constant 1 : i32
      %add3A_712 = arith.addi %select_n3A_710, %add3A_711 : i32
      %get3A_713 = arith.index_cast %add3A_712 : i32 to index
      %get3A_714 = memref.load %arg0[%get3A_713] : memref<17xi32, #tpu.memory_space<smem>>
      %get3A_715 = arith.index_cast %select_n3A_710 : i32 to index
      %get3A_716 = memref.load %arg0[%get3A_715] : memref<17xi32, #tpu.memory_space<smem>>
      %sub3A_717 = arith.subi %get3A_714, %get3A_716 : i32
      %jit3A_718 = arith.constant 0 : i32
      %jit3A_719 = arith.constant 4096 : i32
      %max3A_720 = arith.maxsi %jit3A_718, %sub3A_717 : i32
      %min3A_721 = arith.minsi %jit3A_719, %max3A_720 : i32
      %add3A_722 = arith.constant 1024 : i32
      %add3A_723 = arith.addi %min3A_721, %add3A_722 : i32
      %sub3A_724 = arith.constant 1 : i32
      %sub3A_725 = arith.subi %add3A_723, %sub3A_724 : i32
      %jit3A_726 = arith.constant 1024 : i32
      %div3A_727 = arith.divsi %sub3A_725, %jit3A_726 : i32
      %sign3A_728 = arith.constant 0 : i32
      %sign3A_729 = arith.cmpi sgt, %sub3A_725, %sign3A_728 : i32
      %sign3A_730 = arith.extui %sign3A_729 : i1 to i32
      %sign3A_731 = arith.constant 0 : i32
      %sign3A_732 = arith.cmpi slt, %sub3A_725, %sign3A_731 : i32
      %sign3A_733 = arith.extui %sign3A_732 : i1 to i32
      %sign3A_734 = arith.subi %sign3A_730, %sign3A_733 : i32
      %sign3A_735 = arith.constant 0 : i32
      %sign3A_736 = arith.cmpi sgt, %jit3A_726, %sign3A_735 : i32
      %sign3A_737 = arith.extui %sign3A_736 : i1 to i32
      %sign3A_738 = arith.constant 0 : i32
      %sign3A_739 = arith.cmpi slt, %jit3A_726, %sign3A_738 : i32
      %sign3A_740 = arith.extui %sign3A_739 : i1 to i32
      %sign3A_741 = arith.subi %sign3A_737, %sign3A_740 : i32
      %ne3A_742 = arith.cmpi ne, %sign3A_734, %sign3A_741 : i32
      %rem3A_743 = arith.remsi %sub3A_725, %jit3A_726 : i32
      %ne3A_744 = arith.constant 0 : i32
      %ne3A_745 = arith.cmpi ne, %rem3A_743, %ne3A_744 : i32
      %and3A_746 = arith.andi %ne3A_742, %ne3A_745 : i1
      %sub3A_747 = arith.constant 1 : i32
      %sub3A_748 = arith.subi %div3A_727, %sub3A_747 : i32
      %select_n3A_749 = arith.select %and3A_746, %sub3A_748, %div3A_727 : i32
      %lt3A_750 = arith.cmpi slt, %rem3A_686, %select_n3A_749 : i32
      %and3A_751 = arith.andi %ge3A_680, %lt3A_750 : i1
      %convert_element_type3A_752 = arith.extui %and3A_751 : i1 to i32
      %cond3A_753 = arith.constant 0 : i32
      %cond3A_754 = arith.cmpi ne, %convert_element_type3A_752, %cond3A_753 : i32
      scf.if %cond3A_754 {
        %dma_wait3A = arith.constant 0 : i32
        %dma_wait3A_1356 = arith.constant 0 : i32
        %dma_wait3A_1357 = tpu.memref_slice %arg3[%dma_wait3A, %dma_wait3A_1356] : memref<65536x512xf32, #tpu.memory_space<any>> -> memref<1024x512xf32, #tpu.memory_space<any>>
        %dma_wait3A_1358 = arith.constant 0 : i32
        %dma_wait3A_1359 = arith.constant 0 : i32
        %dma_wait3A_1360 = tpu.memref_slice %arg9[%dma_wait3A_1358, %dma_wait3A_1359] : memref<1032x512xf32, #tpu.memory_space<vmem>> -> memref<1024x512xf32, #tpu.memory_space<vmem>>
        tpu.wait_dma2 semaphore(%arg17 : memref<!tpu.dma_semaphore, #tpu.memory_space<semaphore_mem>>) src(%dma_wait3A_1360 : memref<1024x512xf32, #tpu.memory_space<vmem>>) dst(%dma_wait3A_1357 : memref<1024x512xf32, #tpu.memory_space<any>>)
      } else {
      }
      %rem3A_755 = arith.constant 4 : i32
      %rem3A_756 = arith.remsi %add3A_678, %rem3A_755 : i32
      %jit3A_757 = arith.constant 4 : i32
      %div3A_758 = arith.divsi %add3A_678, %jit3A_757 : i32
      %sign3A_759 = arith.constant 0 : i32
      %sign3A_760 = arith.cmpi sgt, %add3A_678, %sign3A_759 : i32
      %sign3A_761 = arith.extui %sign3A_760 : i1 to i32
      %sign3A_762 = arith.constant 0 : i32
      %sign3A_763 = arith.cmpi slt, %add3A_678, %sign3A_762 : i32
      %sign3A_764 = arith.extui %sign3A_763 : i1 to i32
      %sign3A_765 = arith.subi %sign3A_761, %sign3A_764 : i32
      %sign3A_766 = arith.constant 0 : i32
      %sign3A_767 = arith.cmpi sgt, %jit3A_757, %sign3A_766 : i32
      %sign3A_768 = arith.extui %sign3A_767 : i1 to i32
      %sign3A_769 = arith.constant 0 : i32
      %sign3A_770 = arith.cmpi slt, %jit3A_757, %sign3A_769 : i32
      %sign3A_771 = arith.extui %sign3A_770 : i1 to i32
      %sign3A_772 = arith.subi %sign3A_768, %sign3A_771 : i32
      %ne3A_773 = arith.cmpi ne, %sign3A_765, %sign3A_772 : i32
      %rem3A_774 = arith.remsi %add3A_678, %jit3A_757 : i32
      %ne3A_775 = arith.constant 0 : i32
      %ne3A_776 = arith.cmpi ne, %rem3A_774, %ne3A_775 : i32
      %and3A_777 = arith.andi %ne3A_773, %ne3A_776 : i1
      %sub3A_778 = arith.constant 1 : i32
      %sub3A_779 = arith.subi %div3A_758, %sub3A_778 : i32
      %select_n3A_780 = arith.select %and3A_777, %sub3A_779, %div3A_758 : i32
      %add3A_781 = arith.constant 1 : i32
      %add3A_782 = arith.addi %select_n3A_780, %add3A_781 : i32
      %get3A_783 = arith.index_cast %add3A_782 : i32 to index
      %get3A_784 = memref.load %arg0[%get3A_783] : memref<17xi32, #tpu.memory_space<smem>>
      %get3A_785 = arith.index_cast %select_n3A_780 : i32 to index
      %get3A_786 = memref.load %arg0[%get3A_785] : memref<17xi32, #tpu.memory_space<smem>>
      %sub3A_787 = arith.subi %get3A_784, %get3A_786 : i32
      %jit3A_788 = arith.constant 0 : i32
      %jit3A_789 = arith.constant 4096 : i32
      %max3A_790 = arith.maxsi %jit3A_788, %sub3A_787 : i32
      %min3A_791 = arith.minsi %jit3A_789, %max3A_790 : i32
      %add3A_792 = arith.constant 1024 : i32
      %add3A_793 = arith.addi %min3A_791, %add3A_792 : i32
      %sub3A_794 = arith.constant 1 : i32
      %sub3A_795 = arith.subi %add3A_793, %sub3A_794 : i32
      %jit3A_796 = arith.constant 1024 : i32
      %div3A_797 = arith.divsi %sub3A_795, %jit3A_796 : i32
      %sign3A_798 = arith.constant 0 : i32
      %sign3A_799 = arith.cmpi sgt, %sub3A_795, %sign3A_798 : i32
      %sign3A_800 = arith.extui %sign3A_799 : i1 to i32
      %sign3A_801 = arith.constant 0 : i32
      %sign3A_802 = arith.cmpi slt, %sub3A_795, %sign3A_801 : i32
      %sign3A_803 = arith.extui %sign3A_802 : i1 to i32
      %sign3A_804 = arith.subi %sign3A_800, %sign3A_803 : i32
      %sign3A_805 = arith.constant 0 : i32
      %sign3A_806 = arith.cmpi sgt, %jit3A_796, %sign3A_805 : i32
      %sign3A_807 = arith.extui %sign3A_806 : i1 to i32
      %sign3A_808 = arith.constant 0 : i32
      %sign3A_809 = arith.cmpi slt, %jit3A_796, %sign3A_808 : i32
      %sign3A_810 = arith.extui %sign3A_809 : i1 to i32
      %sign3A_811 = arith.subi %sign3A_807, %sign3A_810 : i32
      %ne3A_812 = arith.cmpi ne, %sign3A_804, %sign3A_811 : i32
      %rem3A_813 = arith.remsi %sub3A_795, %jit3A_796 : i32
      %ne3A_814 = arith.constant 0 : i32
      %ne3A_815 = arith.cmpi ne, %rem3A_813, %ne3A_814 : i32
      %and3A_816 = arith.andi %ne3A_812, %ne3A_815 : i1
      %sub3A_817 = arith.constant 1 : i32
      %sub3A_818 = arith.subi %div3A_797, %sub3A_817 : i32
      %select_n3A_819 = arith.select %and3A_816, %sub3A_818, %div3A_797 : i32
      %lt3A_820 = arith.cmpi slt, %rem3A_756, %select_n3A_819 : i32
      %convert_element_type3A_821 = arith.extui %lt3A_820 : i1 to i32
      %cond3A_822 = arith.constant 0 : i32
      %cond3A_823 = arith.cmpi ne, %convert_element_type3A_821, %cond3A_822 : i32
      scf.if %cond3A_823 {
        %dma_wait3A = arith.constant 0 : i32
        %dma_wait3A_1356 = arith.constant 0 : i32
        %dma_wait3A_1357 = tpu.memref_slice %arg1[%dma_wait3A, %dma_wait3A_1356] : memref<66560x512xf32, #tpu.memory_space<any>> -> memref<1032x512xf32, #tpu.memory_space<any>>
        tpu.wait_dma2 semaphore(%arg13 : memref<!tpu.dma_semaphore, #tpu.memory_space<semaphore_mem>>) src(%dma_wait3A_1357 : memref<1032x512xf32, #tpu.memory_space<any>>) dst(%arg5 : memref<1032x512xf32, #tpu.memory_space<vmem>>)
        %jit3A_1358 = arith.constant 4 : i32
        %div3A_1359 = arith.divsi %add3A_678, %jit3A_1358 : i32
        %sign3A_1360 = arith.constant 0 : i32
        %sign3A_1361 = arith.cmpi sgt, %add3A_678, %sign3A_1360 : i32
        %sign3A_1362 = arith.extui %sign3A_1361 : i1 to i32
        %sign3A_1363 = arith.constant 0 : i32
        %sign3A_1364 = arith.cmpi slt, %add3A_678, %sign3A_1363 : i32
        %sign3A_1365 = arith.extui %sign3A_1364 : i1 to i32
        %sign3A_1366 = arith.subi %sign3A_1362, %sign3A_1365 : i32
        %sign3A_1367 = arith.constant 0 : i32
        %sign3A_1368 = arith.cmpi sgt, %jit3A_1358, %sign3A_1367 : i32
        %sign3A_1369 = arith.extui %sign3A_1368 : i1 to i32
        %sign3A_1370 = arith.constant 0 : i32
        %sign3A_1371 = arith.cmpi slt, %jit3A_1358, %sign3A_1370 : i32
        %sign3A_1372 = arith.extui %sign3A_1371 : i1 to i32
        %sign3A_1373 = arith.subi %sign3A_1369, %sign3A_1372 : i32
        %ne3A_1374 = arith.cmpi ne, %sign3A_1366, %sign3A_1373 : i32
        %rem3A_1375 = arith.remsi %add3A_678, %jit3A_1358 : i32
        %ne3A_1376 = arith.constant 0 : i32
        %ne3A_1377 = arith.cmpi ne, %rem3A_1375, %ne3A_1376 : i32
        %and3A_1378 = arith.andi %ne3A_1374, %ne3A_1377 : i1
        %sub3A_1379 = arith.constant 1 : i32
        %sub3A_1380 = arith.subi %div3A_1359, %sub3A_1379 : i32
        %select_n3A_1381 = arith.select %and3A_1378, %sub3A_1380, %div3A_1359 : i32
        %rem3A_1382 = arith.constant 4 : i32
        %rem3A_1383 = arith.remsi %add3A_678, %rem3A_1382 : i32
        %add3A_1384 = arith.constant 1 : i32
        %add3A_1385 = arith.addi %select_n3A_1381, %add3A_1384 : i32
        %get3A_1386 = arith.index_cast %add3A_1385 : i32 to index
        %get3A_1387 = memref.load %arg0[%get3A_1386] : memref<17xi32, #tpu.memory_space<smem>>
        %get3A_1388 = arith.index_cast %select_n3A_1381 : i32 to index
        %get3A_1389 = memref.load %arg0[%get3A_1388] : memref<17xi32, #tpu.memory_space<smem>>
        %sub3A_1390 = arith.subi %get3A_1387, %get3A_1389 : i32
        %jit3A_1391 = arith.constant 0 : i32
        %jit3A_1392 = arith.constant 4096 : i32
        %max3A_1393 = arith.maxsi %jit3A_1391, %sub3A_1390 : i32
        %min3A_1394 = arith.minsi %jit3A_1392, %max3A_1393 : i32
        %get3A_1395 = arith.index_cast %select_n3A_1381 : i32 to index
        %get3A_1396 = memref.load %arg0[%get3A_1395] : memref<17xi32, #tpu.memory_space<smem>>
        %rem3A_1397 = arith.constant 8 : i32
        %rem3A_1398 = arith.remsi %get3A_1396, %rem3A_1397 : i32
        %eq3A = arith.constant 0 : i32
        %eq3A_1399 = arith.cmpi eq, %rem3A_1398, %eq3A : i32
        %convert_element_type3A_1400 = arith.extui %eq3A_1399 : i1 to i32
        %cond3A_1401 = arith.constant 0 : i32
        %cond3A_1402 = arith.cmpi ne, %convert_element_type3A_1400, %cond3A_1401 : i32
        scf.if %cond3A_1402 {
          %get3A_1451 = arith.constant 0 : index
          %get3A_1452 = arith.constant 0 : index
          %get3A_1453 = vector.load %arg5[%get3A_1451, %get3A_1452] : memref<1032x512xf32, #tpu.memory_space<vmem>>, vector<1032x512xf32>
          %swap3A = arith.constant 0 : index
          %swap3A_1454 = arith.constant 0 : index
          %swap3A_1455 = vector.load %arg9[%swap3A, %swap3A_1454] : memref<1032x512xf32, #tpu.memory_space<vmem>>, vector<1032x512xf32>
          tpu.vector_store %arg9[%swap3A, %swap3A_1454], %get3A_1453 {strides = array<i32>} : memref<1032x512xf32, #tpu.memory_space<vmem>>, vector<1032x512xf32>,
        } else {
        }
        %eq3A_1403 = arith.constant 1 : i32
        %eq3A_1404 = arith.cmpi eq, %rem3A_1398, %eq3A_1403 : i32
        %convert_element_type3A_1405 = arith.extui %eq3A_1404 : i1 to i32
        %cond3A_1406 = arith.constant 0 : i32
        %cond3A_1407 = arith.cmpi ne, %convert_element_type3A_1405, %cond3A_1406 : i32
        scf.if %cond3A_1407 {
          %get3A_1451 = arith.constant 0 : index
          %get3A_1452 = arith.constant 0 : index
          %get3A_1453 = vector.load %arg5[%get3A_1451, %get3A_1452] : memref<1032x512xf32, #tpu.memory_space<vmem>>, vector<1032x512xf32>
          %roll3A = arith.constant 1031 : i32
          %roll3A_1454 = tpu.dynamic_rotate %get3A_1453 by %roll3A dim 0 : vector<1032x512xf32>, i32 -> vector<1032x512xf32>
          %swap3A = arith.constant 0 : index
          %swap3A_1455 = arith.constant 0 : index
          %swap3A_1456 = vector.load %arg9[%swap3A, %swap3A_1455] : memref<1032x512xf32, #tpu.memory_space<vmem>>, vector<1032x512xf32>
          tpu.vector_store %arg9[%swap3A, %swap3A_1455], %roll3A_1454 {strides = array<i32>} : memref<1032x512xf32, #tpu.memory_space<vmem>>, vector<1032x512xf32>,
        } else {
        }
        %eq3A_1408 = arith.constant 2 : i32
        %eq3A_1409 = arith.cmpi eq, %rem3A_1398, %eq3A_1408 : i32
        %convert_element_type3A_1410 = arith.extui %eq3A_1409 : i1 to i32
        %cond3A_1411 = arith.constant 0 : i32
        %cond3A_1412 = arith.cmpi ne, %convert_element_type3A_1410, %cond3A_1411 : i32
        scf.if %cond3A_1412 {
          %get3A_1451 = arith.constant 0 : index
          %get3A_1452 = arith.constant 0 : index
          %get3A_1453 = vector.load %arg5[%get3A_1451, %get3A_1452] : memref<1032x512xf32, #tpu.memory_space<vmem>>, vector<1032x512xf32>
          %roll3A = arith.constant 1030 : i32
          %roll3A_1454 = tpu.dynamic_rotate %get3A_1453 by %roll3A dim 0 : vector<1032x512xf32>, i32 -> vector<1032x512xf32>
          %swap3A = arith.constant 0 : index
          %swap3A_1455 = arith.constant 0 : index
          %swap3A_1456 = vector.load %arg9[%swap3A, %swap3A_1455] : memref<1032x512xf32, #tpu.memory_space<vmem>>, vector<1032x512xf32>
          tpu.vector_store %arg9[%swap3A, %swap3A_1455], %roll3A_1454 {strides = array<i32>} : memref<1032x512xf32, #tpu.memory_space<vmem>>, vector<1032x512xf32>,
        } else {
        }
        %eq3A_1413 = arith.constant 3 : i32
        %eq3A_1414 = arith.cmpi eq, %rem3A_1398, %eq3A_1413 : i32
        %convert_element_type3A_1415 = arith.extui %eq3A_1414 : i1 to i32
        %cond3A_1416 = arith.constant 0 : i32
        %cond3A_1417 = arith.cmpi ne, %convert_element_type3A_1415, %cond3A_1416 : i32
        scf.if %cond3A_1417 {
          %get3A_1451 = arith.constant 0 : index
          %get3A_1452 = arith.constant 0 : index
          %get3A_1453 = vector.load %arg5[%get3A_1451, %get3A_1452] : memref<1032x512xf32, #tpu.memory_space<vmem>>, vector<1032x512xf32>
          %roll3A = arith.constant 1029 : i32
          %roll3A_1454 = tpu.dynamic_rotate %get3A_1453 by %roll3A dim 0 : vector<1032x512xf32>, i32 -> vector<1032x512xf32>
          %swap3A = arith.constant 0 : index
          %swap3A_1455 = arith.constant 0 : index
          %swap3A_1456 = vector.load %arg9[%swap3A, %swap3A_1455] : memref<1032x512xf32, #tpu.memory_space<vmem>>, vector<1032x512xf32>
          tpu.vector_store %arg9[%swap3A, %swap3A_1455], %roll3A_1454 {strides = array<i32>} : memref<1032x512xf32, #tpu.memory_space<vmem>>, vector<1032x512xf32>,
        } else {
        }
        %eq3A_1418 = arith.constant 4 : i32
        %eq3A_1419 = arith.cmpi eq, %rem3A_1398, %eq3A_1418 : i32
        %convert_element_type3A_1420 = arith.extui %eq3A_1419 : i1 to i32
        %cond3A_1421 = arith.constant 0 : i32
        %cond3A_1422 = arith.cmpi ne, %convert_element_type3A_1420, %cond3A_1421 : i32
        scf.if %cond3A_1422 {
          %get3A_1451 = arith.constant 0 : index
          %get3A_1452 = arith.constant 0 : index
          %get3A_1453 = vector.load %arg5[%get3A_1451, %get3A_1452] : memref<1032x512xf32, #tpu.memory_space<vmem>>, vector<1032x512xf32>
          %roll3A = arith.constant 1028 : i32
          %roll3A_1454 = tpu.dynamic_rotate %get3A_1453 by %roll3A dim 0 : vector<1032x512xf32>, i32 -> vector<1032x512xf32>
          %swap3A = arith.constant 0 : index
          %swap3A_1455 = arith.constant 0 : index
          %swap3A_1456 = vector.load %arg9[%swap3A, %swap3A_1455] : memref<1032x512xf32, #tpu.memory_space<vmem>>, vector<1032x512xf32>
          tpu.vector_store %arg9[%swap3A, %swap3A_1455], %roll3A_1454 {strides = array<i32>} : memref<1032x512xf32, #tpu.memory_space<vmem>>, vector<1032x512xf32>,
        } else {
        }
        %eq3A_1423 = arith.constant 5 : i32
        %eq3A_1424 = arith.cmpi eq, %rem3A_1398, %eq3A_1423 : i32
        %convert_element_type3A_1425 = arith.extui %eq3A_1424 : i1 to i32
        %cond3A_1426 = arith.constant 0 : i32
        %cond3A_1427 = arith.cmpi ne, %convert_element_type3A_1425, %cond3A_1426 : i32
        scf.if %cond3A_1427 {
          %get3A_1451 = arith.constant 0 : index
          %get3A_1452 = arith.constant 0 : index
          %get3A_1453 = vector.load %arg5[%get3A_1451, %get3A_1452] : memref<1032x512xf32, #tpu.memory_space<vmem>>, vector<1032x512xf32>
          %roll3A = arith.constant 1027 : i32
          %roll3A_1454 = tpu.dynamic_rotate %get3A_1453 by %roll3A dim 0 : vector<1032x512xf32>, i32 -> vector<1032x512xf32>
          %swap3A = arith.constant 0 : index
          %swap3A_1455 = arith.constant 0 : index
          %swap3A_1456 = vector.load %arg9[%swap3A, %swap3A_1455] : memref<1032x512xf32, #tpu.memory_space<vmem>>, vector<1032x512xf32>
          tpu.vector_store %arg9[%swap3A, %swap3A_1455], %roll3A_1454 {strides = array<i32>} : memref<1032x512xf32, #tpu.memory_space<vmem>>, vector<1032x512xf32>,
        } else {
        }
        %eq3A_1428 = arith.constant 6 : i32
        %eq3A_1429 = arith.cmpi eq, %rem3A_1398, %eq3A_1428 : i32
        %convert_element_type3A_1430 = arith.extui %eq3A_1429 : i1 to i32
        %cond3A_1431 = arith.constant 0 : i32
        %cond3A_1432 = arith.cmpi ne, %convert_element_type3A_1430, %cond3A_1431 : i32
        scf.if %cond3A_1432 {
          %get3A_1451 = arith.constant 0 : index
          %get3A_1452 = arith.constant 0 : index
          %get3A_1453 = vector.load %arg5[%get3A_1451, %get3A_1452] : memref<1032x512xf32, #tpu.memory_space<vmem>>, vector<1032x512xf32>
          %roll3A = arith.constant 1026 : i32
          %roll3A_1454 = tpu.dynamic_rotate %get3A_1453 by %roll3A dim 0 : vector<1032x512xf32>, i32 -> vector<1032x512xf32>
          %swap3A = arith.constant 0 : index
          %swap3A_1455 = arith.constant 0 : index
          %swap3A_1456 = vector.load %arg9[%swap3A, %swap3A_1455] : memref<1032x512xf32, #tpu.memory_space<vmem>>, vector<1032x512xf32>
          tpu.vector_store %arg9[%swap3A, %swap3A_1455], %roll3A_1454 {strides = array<i32>} : memref<1032x512xf32, #tpu.memory_space<vmem>>, vector<1032x512xf32>,
        } else {
        }
        %eq3A_1433 = arith.constant 7 : i32
        %eq3A_1434 = arith.cmpi eq, %rem3A_1398, %eq3A_1433 : i32
        %convert_element_type3A_1435 = arith.extui %eq3A_1434 : i1 to i32
        %cond3A_1436 = arith.constant 0 : i32
        %cond3A_1437 = arith.cmpi ne, %convert_element_type3A_1435, %cond3A_1436 : i32
        scf.if %cond3A_1437 {
          %get3A_1451 = arith.constant 0 : index
          %get3A_1452 = arith.constant 0 : index
          %get3A_1453 = vector.load %arg5[%get3A_1451, %get3A_1452] : memref<1032x512xf32, #tpu.memory_space<vmem>>, vector<1032x512xf32>
          %roll3A = arith.constant 1025 : i32
          %roll3A_1454 = tpu.dynamic_rotate %get3A_1453 by %roll3A dim 0 : vector<1032x512xf32>, i32 -> vector<1032x512xf32>
          %swap3A = arith.constant 0 : index
          %swap3A_1455 = arith.constant 0 : index
          %swap3A_1456 = vector.load %arg9[%swap3A, %swap3A_1455] : memref<1032x512xf32, #tpu.memory_space<vmem>>, vector<1032x512xf32>
          tpu.vector_store %arg9[%swap3A, %swap3A_1455], %roll3A_1454 {strides = array<i32>} : memref<1032x512xf32, #tpu.memory_space<vmem>>, vector<1032x512xf32>,
        } else {
        }
        %mul3A_1438 = arith.constant 1024 : i32
        %mul3A_1439 = arith.muli %rem3A_1383, %mul3A_1438 : i32
        %add3A_1440 = arith.constant 1024 : i32
        %add3A_1441 = arith.addi %mul3A_1439, %add3A_1440 : i32
        %gt3A = arith.cmpi sgt, %add3A_1441, %min3A_1394 : i32
        %convert_element_type3A_1442 = arith.extui %gt3A : i1 to i32
        %cond3A_1443 = arith.constant 0 : i32
        %cond3A_1444 = arith.cmpi ne, %convert_element_type3A_1442, %cond3A_1443 : i32
        scf.if %cond3A_1444 {
          %iota3A = tpu.iota {dimensions = array<i32: 0>} : vector<1032x512xi32>
          %mul3A_1451 = arith.constant 1024 : i32
          %mul3A_1452 = arith.muli %rem3A_1383, %mul3A_1451 : i32
          %add3A_1453 = vector.broadcast %mul3A_1452 : i32 to vector<1032x512xi32>
          %add3A_1454 = arith.addi %iota3A, %add3A_1453 : vector<1032x512xi32>
          %lt3A_1455 = vector.broadcast %min3A_1394 : i32 to vector<1032x512xi32>
          %lt3A_1456 = arith.cmpi slt, %add3A_1454, %lt3A_1455 : vector<1032x512xi32>
          %get3A_1457 = arith.constant 0 : index
          %get3A_1458 = arith.constant 0 : index
          %get3A_1459 = vector.load %arg9[%get3A_1457, %get3A_1458] : memref<1032x512xf32, #tpu.memory_space<vmem>>, vector<1032x512xf32>
          %jit3A_1460 = arith.constant 0.000000e+00 : f32
          %broadcast_in_dim3A = vector.broadcast %jit3A_1460 : f32 to vector<1032x512xf32>
          %select_n3A_1461 = arith.select %lt3A_1456, %get3A_1459, %broadcast_in_dim3A : vector<1032x512xi1>, vector<1032x512xf32>
          %swap3A = arith.constant 0 : index
          %swap3A_1462 = arith.constant 0 : index
          %swap3A_1463 = vector.load %arg9[%swap3A, %swap3A_1462] : memref<1032x512xf32, #tpu.memory_space<vmem>>, vector<1032x512xf32>
          tpu.vector_store %arg9[%swap3A, %swap3A_1462], %select_n3A_1461 {strides = array<i32>} : memref<1032x512xf32, #tpu.memory_space<vmem>>, vector<1032x512xf32>,
        } else {
        }
        %mul3A_1445 = arith.constant 1024 : i32
        %mul3A_1446 = arith.muli %add3A_678, %mul3A_1445 : i32
        %multiple_of3A = tpu.assume_multiple %mul3A_1446, 8 : i32
        %dma_start3A = arith.constant 0 : i32
        %dma_start3A_1447 = tpu.memref_slice %arg3[%multiple_of3A, %dma_start3A] : memref<65536x512xf32, #tpu.memory_space<any>> -> memref<1024x512xf32, #tpu.memory_space<any>>
        %dma_start3A_1448 = arith.constant 0 : i32
        %dma_start3A_1449 = arith.constant 0 : i32
        %dma_start3A_1450 = tpu.memref_slice %arg9[%dma_start3A_1448, %dma_start3A_1449] : memref<1032x512xf32, #tpu.memory_space<vmem>> -> memref<1024x512xf32, #tpu.memory_space<vmem>>
        tpu.enqueue_dma source(%dma_start3A_1450 : memref<1024x512xf32, #tpu.memory_space<vmem>>) target(%dma_start3A_1447 : memref<1024x512xf32, #tpu.memory_space<any>>) target_semaphore(%arg17 : memref<!tpu.dma_semaphore, #tpu.memory_space<semaphore_mem>>)
      } else {
      }
      %add3A_824 = arith.constant 4 : i32
      %add3A_825 = arith.addi %add3A_678, %add3A_824 : i32
      %min3A_826 = arith.constant 63 : i32
      %min3A_827 = arith.minsi %add3A_825, %min3A_826 : i32
      %add3A_828 = arith.constant 4 : i32
      %add3A_829 = arith.addi %add3A_678, %add3A_828 : i32
      %lt3A_830 = arith.constant 64 : i32
      %lt3A_831 = arith.cmpi slt, %add3A_829, %lt3A_830 : i32
      %rem3A_832 = arith.constant 4 : i32
      %rem3A_833 = arith.remsi %min3A_827, %rem3A_832 : i32
      %jit3A_834 = arith.constant 4 : i32
      %div3A_835 = arith.divsi %min3A_827, %jit3A_834 : i32
      %sign3A_836 = arith.constant 0 : i32
      %sign3A_837 = arith.cmpi sgt, %min3A_827, %sign3A_836 : i32
      %sign3A_838 = arith.extui %sign3A_837 : i1 to i32
      %sign3A_839 = arith.constant 0 : i32
      %sign3A_840 = arith.cmpi slt, %min3A_827, %sign3A_839 : i32
      %sign3A_841 = arith.extui %sign3A_840 : i1 to i32
      %sign3A_842 = arith.subi %sign3A_838, %sign3A_841 : i32
      %sign3A_843 = arith.constant 0 : i32
      %sign3A_844 = arith.cmpi sgt, %jit3A_834, %sign3A_843 : i32
      %sign3A_845 = arith.extui %sign3A_844 : i1 to i32
      %sign3A_846 = arith.constant 0 : i32
      %sign3A_847 = arith.cmpi slt, %jit3A_834, %sign3A_846 : i32
      %sign3A_848 = arith.extui %sign3A_847 : i1 to i32
      %sign3A_849 = arith.subi %sign3A_845, %sign3A_848 : i32
      %ne3A_850 = arith.cmpi ne, %sign3A_842, %sign3A_849 : i32
      %rem3A_851 = arith.remsi %min3A_827, %jit3A_834 : i32
      %ne3A_852 = arith.constant 0 : i32
      %ne3A_853 = arith.cmpi ne, %rem3A_851, %ne3A_852 : i32
      %and3A_854 = arith.andi %ne3A_850, %ne3A_853 : i1
      %sub3A_855 = arith.constant 1 : i32
      %sub3A_856 = arith.subi %div3A_835, %sub3A_855 : i32
      %select_n3A_857 = arith.select %and3A_854, %sub3A_856, %div3A_835 : i32
      %add3A_858 = arith.constant 1 : i32
      %add3A_859 = arith.addi %select_n3A_857, %add3A_858 : i32
      %get3A_860 = arith.index_cast %add3A_859 : i32 to index
      %get3A_861 = memref.load %arg0[%get3A_860] : memref<17xi32, #tpu.memory_space<smem>>
      %get3A_862 = arith.index_cast %select_n3A_857 : i32 to index
      %get3A_863 = memref.load %arg0[%get3A_862] : memref<17xi32, #tpu.memory_space<smem>>
      %sub3A_864 = arith.subi %get3A_861, %get3A_863 : i32
      %jit3A_865 = arith.constant 0 : i32
      %jit3A_866 = arith.constant 4096 : i32
      %max3A_867 = arith.maxsi %jit3A_865, %sub3A_864 : i32
      %min3A_868 = arith.minsi %jit3A_866, %max3A_867 : i32
      %add3A_869 = arith.constant 1024 : i32
      %add3A_870 = arith.addi %min3A_868, %add3A_869 : i32
      %sub3A_871 = arith.constant 1 : i32
      %sub3A_872 = arith.subi %add3A_870, %sub3A_871 : i32
      %jit3A_873 = arith.constant 1024 : i32
      %div3A_874 = arith.divsi %sub3A_872, %jit3A_873 : i32
      %sign3A_875 = arith.constant 0 : i32
      %sign3A_876 = arith.cmpi sgt, %sub3A_872, %sign3A_875 : i32
      %sign3A_877 = arith.extui %sign3A_876 : i1 to i32
      %sign3A_878 = arith.constant 0 : i32
      %sign3A_879 = arith.cmpi slt, %sub3A_872, %sign3A_878 : i32
      %sign3A_880 = arith.extui %sign3A_879 : i1 to i32
      %sign3A_881 = arith.subi %sign3A_877, %sign3A_880 : i32
      %sign3A_882 = arith.constant 0 : i32
      %sign3A_883 = arith.cmpi sgt, %jit3A_873, %sign3A_882 : i32
      %sign3A_884 = arith.extui %sign3A_883 : i1 to i32
      %sign3A_885 = arith.constant 0 : i32
      %sign3A_886 = arith.cmpi slt, %jit3A_873, %sign3A_885 : i32
      %sign3A_887 = arith.extui %sign3A_886 : i1 to i32
      %sign3A_888 = arith.subi %sign3A_884, %sign3A_887 : i32
      %ne3A_889 = arith.cmpi ne, %sign3A_881, %sign3A_888 : i32
      %rem3A_890 = arith.remsi %sub3A_872, %jit3A_873 : i32
      %ne3A_891 = arith.constant 0 : i32
      %ne3A_892 = arith.cmpi ne, %rem3A_890, %ne3A_891 : i32
      %and3A_893 = arith.andi %ne3A_889, %ne3A_892 : i1
      %sub3A_894 = arith.constant 1 : i32
      %sub3A_895 = arith.subi %div3A_874, %sub3A_894 : i32
      %select_n3A_896 = arith.select %and3A_893, %sub3A_895, %div3A_874 : i32
      %lt3A_897 = arith.cmpi slt, %rem3A_833, %select_n3A_896 : i32
      %and3A_898 = arith.andi %lt3A_831, %lt3A_897 : i1
      %convert_element_type3A_899 = arith.extui %and3A_898 : i1 to i32
      %cond3A_900 = arith.constant 0 : i32
      %cond3A_901 = arith.cmpi ne, %convert_element_type3A_899, %cond3A_900 : i32
      scf.if %cond3A_901 {
        %jit3A_1356 = arith.constant 4 : i32
        %div3A_1357 = arith.divsi %min3A_827, %jit3A_1356 : i32
        %sign3A_1358 = arith.constant 0 : i32
        %sign3A_1359 = arith.cmpi sgt, %min3A_827, %sign3A_1358 : i32
        %sign3A_1360 = arith.extui %sign3A_1359 : i1 to i32
        %sign3A_1361 = arith.constant 0 : i32
        %sign3A_1362 = arith.cmpi slt, %min3A_827, %sign3A_1361 : i32
        %sign3A_1363 = arith.extui %sign3A_1362 : i1 to i32
        %sign3A_1364 = arith.subi %sign3A_1360, %sign3A_1363 : i32
        %sign3A_1365 = arith.constant 0 : i32
        %sign3A_1366 = arith.cmpi sgt, %jit3A_1356, %sign3A_1365 : i32
        %sign3A_1367 = arith.extui %sign3A_1366 : i1 to i32
        %sign3A_1368 = arith.constant 0 : i32
        %sign3A_1369 = arith.cmpi slt, %jit3A_1356, %sign3A_1368 : i32
        %sign3A_1370 = arith.extui %sign3A_1369 : i1 to i32
        %sign3A_1371 = arith.subi %sign3A_1367, %sign3A_1370 : i32
        %ne3A_1372 = arith.cmpi ne, %sign3A_1364, %sign3A_1371 : i32
        %rem3A_1373 = arith.remsi %min3A_827, %jit3A_1356 : i32
        %ne3A_1374 = arith.constant 0 : i32
        %ne3A_1375 = arith.cmpi ne, %rem3A_1373, %ne3A_1374 : i32
        %and3A_1376 = arith.andi %ne3A_1372, %ne3A_1375 : i1
        %sub3A_1377 = arith.constant 1 : i32
        %sub3A_1378 = arith.subi %div3A_1357, %sub3A_1377 : i32
        %select_n3A_1379 = arith.select %and3A_1376, %sub3A_1378, %div3A_1357 : i32
        %mul3A_1380 = arith.constant 4160 : i32
        %mul3A_1381 = arith.muli %select_n3A_1379, %mul3A_1380 : i32
        %rem3A_1382 = arith.constant 4 : i32
        %rem3A_1383 = arith.remsi %min3A_827, %rem3A_1382 : i32
        %mul3A_1384 = arith.constant 1024 : i32
        %mul3A_1385 = arith.muli %rem3A_1383, %mul3A_1384 : i32
        %add3A_1386 = arith.addi %mul3A_1381, %mul3A_1385 : i32
        %multiple_of3A = tpu.assume_multiple %add3A_1386, 8 : i32
        %dma_start3A = arith.constant 0 : i32
        %dma_start3A_1387 = tpu.memref_slice %arg1[%multiple_of3A, %dma_start3A] : memref<66560x512xf32, #tpu.memory_space<any>> -> memref<1032x512xf32, #tpu.memory_space<any>>
        tpu.enqueue_dma source(%dma_start3A_1387 : memref<1032x512xf32, #tpu.memory_space<any>>) target(%arg5 : memref<1032x512xf32, #tpu.memory_space<vmem>>) target_semaphore(%arg13 : memref<!tpu.dma_semaphore, #tpu.memory_space<semaphore_mem>>)
      } else {
      }
      %mul3A_902 = arith.constant 4 : i32
      %mul3A_903 = arith.muli %mul3A_902, %scan3A_449 : i32
      %add3A_904 = arith.constant 2 : i32
      %add3A_905 = arith.addi %mul3A_903, %add3A_904 : i32
      %ge3A_906 = arith.constant 4 : i32
      %ge3A_907 = arith.cmpi sge, %add3A_905, %ge3A_906 : i32
      %sub3A_908 = arith.constant 4 : i32
      %sub3A_909 = arith.subi %add3A_905, %sub3A_908 : i32
      %max3A_910 = arith.constant 0 : i32
      %max3A_911 = arith.maxsi %sub3A_909, %max3A_910 : i32
      %rem3A_912 = arith.constant 4 : i32
      %rem3A_913 = arith.remsi %max3A_911, %rem3A_912 : i32
      %jit3A_914 = arith.constant 4 : i32
      %div3A_915 = arith.divsi %max3A_911, %jit3A_914 : i32
      %sign3A_916 = arith.constant 0 : i32
      %sign3A_917 = arith.cmpi sgt, %max3A_911, %sign3A_916 : i32
      %sign3A_918 = arith.extui %sign3A_917 : i1 to i32
      %sign3A_919 = arith.constant 0 : i32
      %sign3A_920 = arith.cmpi slt, %max3A_911, %sign3A_919 : i32
      %sign3A_921 = arith.extui %sign3A_920 : i1 to i32
      %sign3A_922 = arith.subi %sign3A_918, %sign3A_921 : i32
      %sign3A_923 = arith.constant 0 : i32
      %sign3A_924 = arith.cmpi sgt, %jit3A_914, %sign3A_923 : i32
      %sign3A_925 = arith.extui %sign3A_924 : i1 to i32
      %sign3A_926 = arith.constant 0 : i32
      %sign3A_927 = arith.cmpi slt, %jit3A_914, %sign3A_926 : i32
      %sign3A_928 = arith.extui %sign3A_927 : i1 to i32
      %sign3A_929 = arith.subi %sign3A_925, %sign3A_928 : i32
      %ne3A_930 = arith.cmpi ne, %sign3A_922, %sign3A_929 : i32
      %rem3A_931 = arith.remsi %max3A_911, %jit3A_914 : i32
      %ne3A_932 = arith.constant 0 : i32
      %ne3A_933 = arith.cmpi ne, %rem3A_931, %ne3A_932 : i32
      %and3A_934 = arith.andi %ne3A_930, %ne3A_933 : i1
      %sub3A_935 = arith.constant 1 : i32
      %sub3A_936 = arith.subi %div3A_915, %sub3A_935 : i32
      %select_n3A_937 = arith.select %and3A_934, %sub3A_936, %div3A_915 : i32
      %add3A_938 = arith.constant 1 : i32
      %add3A_939 = arith.addi %select_n3A_937, %add3A_938 : i32
      %get3A_940 = arith.index_cast %add3A_939 : i32 to index
      %get3A_941 = memref.load %arg0[%get3A_940] : memref<17xi32, #tpu.memory_space<smem>>
      %get3A_942 = arith.index_cast %select_n3A_937 : i32 to index
      %get3A_943 = memref.load %arg0[%get3A_942] : memref<17xi32, #tpu.memory_space<smem>>
      %sub3A_944 = arith.subi %get3A_941, %get3A_943 : i32
      %jit3A_945 = arith.constant 0 : i32
      %jit3A_946 = arith.constant 4096 : i32
      %max3A_947 = arith.maxsi %jit3A_945, %sub3A_944 : i32
      %min3A_948 = arith.minsi %jit3A_946, %max3A_947 : i32
      %add3A_949 = arith.constant 1024 : i32
      %add3A_950 = arith.addi %min3A_948, %add3A_949 : i32
      %sub3A_951 = arith.constant 1 : i32
      %sub3A_952 = arith.subi %add3A_950, %sub3A_951 : i32
      %jit3A_953 = arith.constant 1024 : i32
      %div3A_954 = arith.divsi %sub3A_952, %jit3A_953 : i32
      %sign3A_955 = arith.constant 0 : i32
      %sign3A_956 = arith.cmpi sgt, %sub3A_952, %sign3A_955 : i32
      %sign3A_957 = arith.extui %sign3A_956 : i1 to i32
      %sign3A_958 = arith.constant 0 : i32
      %sign3A_959 = arith.cmpi slt, %sub3A_952, %sign3A_958 : i32
      %sign3A_960 = arith.extui %sign3A_959 : i1 to i32
      %sign3A_961 = arith.subi %sign3A_957, %sign3A_960 : i32
      %sign3A_962 = arith.constant 0 : i32
      %sign3A_963 = arith.cmpi sgt, %jit3A_953, %sign3A_962 : i32
      %sign3A_964 = arith.extui %sign3A_963 : i1 to i32
      %sign3A_965 = arith.constant 0 : i32
      %sign3A_966 = arith.cmpi slt, %jit3A_953, %sign3A_965 : i32
      %sign3A_967 = arith.extui %sign3A_966 : i1 to i32
      %sign3A_968 = arith.subi %sign3A_964, %sign3A_967 : i32
      %ne3A_969 = arith.cmpi ne, %sign3A_961, %sign3A_968 : i32
      %rem3A_970 = arith.remsi %sub3A_952, %jit3A_953 : i32
      %ne3A_971 = arith.constant 0 : i32
      %ne3A_972 = arith.cmpi ne, %rem3A_970, %ne3A_971 : i32
      %and3A_973 = arith.andi %ne3A_969, %ne3A_972 : i1
      %sub3A_974 = arith.constant 1 : i32
      %sub3A_975 = arith.subi %div3A_954, %sub3A_974 : i32
      %select_n3A_976 = arith.select %and3A_973, %sub3A_975, %div3A_954 : i32
      %lt3A_977 = arith.cmpi slt, %rem3A_913, %select_n3A_976 : i32
      %and3A_978 = arith.andi %ge3A_907, %lt3A_977 : i1
      %convert_element_type3A_979 = arith.extui %and3A_978 : i1 to i32
      %cond3A_980 = arith.constant 0 : i32
      %cond3A_981 = arith.cmpi ne, %convert_element_type3A_979, %cond3A_980 : i32
      scf.if %cond3A_981 {
        %dma_wait3A = arith.constant 0 : i32
        %dma_wait3A_1356 = arith.constant 0 : i32
        %dma_wait3A_1357 = tpu.memref_slice %arg3[%dma_wait3A, %dma_wait3A_1356] : memref<65536x512xf32, #tpu.memory_space<any>> -> memref<1024x512xf32, #tpu.memory_space<any>>
        %dma_wait3A_1358 = arith.constant 0 : i32
        %dma_wait3A_1359 = arith.constant 0 : i32
        %dma_wait3A_1360 = tpu.memref_slice %arg10[%dma_wait3A_1358, %dma_wait3A_1359] : memref<1032x512xf32, #tpu.memory_space<vmem>> -> memref<1024x512xf32, #tpu.memory_space<vmem>>
        tpu.wait_dma2 semaphore(%arg18 : memref<!tpu.dma_semaphore, #tpu.memory_space<semaphore_mem>>) src(%dma_wait3A_1360 : memref<1024x512xf32, #tpu.memory_space<vmem>>) dst(%dma_wait3A_1357 : memref<1024x512xf32, #tpu.memory_space<any>>)
      } else {
      }
      %rem3A_982 = arith.constant 4 : i32
      %rem3A_983 = arith.remsi %add3A_905, %rem3A_982 : i32
      %jit3A_984 = arith.constant 4 : i32
      %div3A_985 = arith.divsi %add3A_905, %jit3A_984 : i32
      %sign3A_986 = arith.constant 0 : i32
      %sign3A_987 = arith.cmpi sgt, %add3A_905, %sign3A_986 : i32
      %sign3A_988 = arith.extui %sign3A_987 : i1 to i32
      %sign3A_989 = arith.constant 0 : i32
      %sign3A_990 = arith.cmpi slt, %add3A_905, %sign3A_989 : i32
      %sign3A_991 = arith.extui %sign3A_990 : i1 to i32
      %sign3A_992 = arith.subi %sign3A_988, %sign3A_991 : i32
      %sign3A_993 = arith.constant 0 : i32
      %sign3A_994 = arith.cmpi sgt, %jit3A_984, %sign3A_993 : i32
      %sign3A_995 = arith.extui %sign3A_994 : i1 to i32
      %sign3A_996 = arith.constant 0 : i32
      %sign3A_997 = arith.cmpi slt, %jit3A_984, %sign3A_996 : i32
      %sign3A_998 = arith.extui %sign3A_997 : i1 to i32
      %sign3A_999 = arith.subi %sign3A_995, %sign3A_998 : i32
      %ne3A_1000 = arith.cmpi ne, %sign3A_992, %sign3A_999 : i32
      %rem3A_1001 = arith.remsi %add3A_905, %jit3A_984 : i32
      %ne3A_1002 = arith.constant 0 : i32
      %ne3A_1003 = arith.cmpi ne, %rem3A_1001, %ne3A_1002 : i32
      %and3A_1004 = arith.andi %ne3A_1000, %ne3A_1003 : i1
      %sub3A_1005 = arith.constant 1 : i32
      %sub3A_1006 = arith.subi %div3A_985, %sub3A_1005 : i32
      %select_n3A_1007 = arith.select %and3A_1004, %sub3A_1006, %div3A_985 : i32
      %add3A_1008 = arith.constant 1 : i32
      %add3A_1009 = arith.addi %select_n3A_1007, %add3A_1008 : i32
      %get3A_1010 = arith.index_cast %add3A_1009 : i32 to index
      %get3A_1011 = memref.load %arg0[%get3A_1010] : memref<17xi32, #tpu.memory_space<smem>>
      %get3A_1012 = arith.index_cast %select_n3A_1007 : i32 to index
      %get3A_1013 = memref.load %arg0[%get3A_1012] : memref<17xi32, #tpu.memory_space<smem>>
      %sub3A_1014 = arith.subi %get3A_1011, %get3A_1013 : i32
      %jit3A_1015 = arith.constant 0 : i32
      %jit3A_1016 = arith.constant 4096 : i32
      %max3A_1017 = arith.maxsi %jit3A_1015, %sub3A_1014 : i32
      %min3A_1018 = arith.minsi %jit3A_1016, %max3A_1017 : i32
      %add3A_1019 = arith.constant 1024 : i32
      %add3A_1020 = arith.addi %min3A_1018, %add3A_1019 : i32
      %sub3A_1021 = arith.constant 1 : i32
      %sub3A_1022 = arith.subi %add3A_1020, %sub3A_1021 : i32
      %jit3A_1023 = arith.constant 1024 : i32
      %div3A_1024 = arith.divsi %sub3A_1022, %jit3A_1023 : i32
      %sign3A_1025 = arith.constant 0 : i32
      %sign3A_1026 = arith.cmpi sgt, %sub3A_1022, %sign3A_1025 : i32
      %sign3A_1027 = arith.extui %sign3A_1026 : i1 to i32
      %sign3A_1028 = arith.constant 0 : i32
      %sign3A_1029 = arith.cmpi slt, %sub3A_1022, %sign3A_1028 : i32
      %sign3A_1030 = arith.extui %sign3A_1029 : i1 to i32
      %sign3A_1031 = arith.subi %sign3A_1027, %sign3A_1030 : i32
      %sign3A_1032 = arith.constant 0 : i32
      %sign3A_1033 = arith.cmpi sgt, %jit3A_1023, %sign3A_1032 : i32
      %sign3A_1034 = arith.extui %sign3A_1033 : i1 to i32
      %sign3A_1035 = arith.constant 0 : i32
      %sign3A_1036 = arith.cmpi slt, %jit3A_1023, %sign3A_1035 : i32
      %sign3A_1037 = arith.extui %sign3A_1036 : i1 to i32
      %sign3A_1038 = arith.subi %sign3A_1034, %sign3A_1037 : i32
      %ne3A_1039 = arith.cmpi ne, %sign3A_1031, %sign3A_1038 : i32
      %rem3A_1040 = arith.remsi %sub3A_1022, %jit3A_1023 : i32
      %ne3A_1041 = arith.constant 0 : i32
      %ne3A_1042 = arith.cmpi ne, %rem3A_1040, %ne3A_1041 : i32
      %and3A_1043 = arith.andi %ne3A_1039, %ne3A_1042 : i1
      %sub3A_1044 = arith.constant 1 : i32
      %sub3A_1045 = arith.subi %div3A_1024, %sub3A_1044 : i32
      %select_n3A_1046 = arith.select %and3A_1043, %sub3A_1045, %div3A_1024 : i32
      %lt3A_1047 = arith.cmpi slt, %rem3A_983, %select_n3A_1046 : i32
      %convert_element_type3A_1048 = arith.extui %lt3A_1047 : i1 to i32
      %cond3A_1049 = arith.constant 0 : i32
      %cond3A_1050 = arith.cmpi ne, %convert_element_type3A_1048, %cond3A_1049 : i32
      scf.if %cond3A_1050 {
        %dma_wait3A = arith.constant 0 : i32
        %dma_wait3A_1356 = arith.constant 0 : i32
        %dma_wait3A_1357 = tpu.memref_slice %arg1[%dma_wait3A, %dma_wait3A_1356] : memref<66560x512xf32, #tpu.memory_space<any>> -> memref<1032x512xf32, #tpu.memory_space<any>>
        tpu.wait_dma2 semaphore(%arg14 : memref<!tpu.dma_semaphore, #tpu.memory_space<semaphore_mem>>) src(%dma_wait3A_1357 : memref<1032x512xf32, #tpu.memory_space<any>>) dst(%arg6 : memref<1032x512xf32, #tpu.memory_space<vmem>>)
        %jit3A_1358 = arith.constant 4 : i32
        %div3A_1359 = arith.divsi %add3A_905, %jit3A_1358 : i32
        %sign3A_1360 = arith.constant 0 : i32
        %sign3A_1361 = arith.cmpi sgt, %add3A_905, %sign3A_1360 : i32
        %sign3A_1362 = arith.extui %sign3A_1361 : i1 to i32
        %sign3A_1363 = arith.constant 0 : i32
        %sign3A_1364 = arith.cmpi slt, %add3A_905, %sign3A_1363 : i32
        %sign3A_1365 = arith.extui %sign3A_1364 : i1 to i32
        %sign3A_1366 = arith.subi %sign3A_1362, %sign3A_1365 : i32
        %sign3A_1367 = arith.constant 0 : i32
        %sign3A_1368 = arith.cmpi sgt, %jit3A_1358, %sign3A_1367 : i32
        %sign3A_1369 = arith.extui %sign3A_1368 : i1 to i32
        %sign3A_1370 = arith.constant 0 : i32
        %sign3A_1371 = arith.cmpi slt, %jit3A_1358, %sign3A_1370 : i32
        %sign3A_1372 = arith.extui %sign3A_1371 : i1 to i32
        %sign3A_1373 = arith.subi %sign3A_1369, %sign3A_1372 : i32
        %ne3A_1374 = arith.cmpi ne, %sign3A_1366, %sign3A_1373 : i32
        %rem3A_1375 = arith.remsi %add3A_905, %jit3A_1358 : i32
        %ne3A_1376 = arith.constant 0 : i32
        %ne3A_1377 = arith.cmpi ne, %rem3A_1375, %ne3A_1376 : i32
        %and3A_1378 = arith.andi %ne3A_1374, %ne3A_1377 : i1
        %sub3A_1379 = arith.constant 1 : i32
        %sub3A_1380 = arith.subi %div3A_1359, %sub3A_1379 : i32
        %select_n3A_1381 = arith.select %and3A_1378, %sub3A_1380, %div3A_1359 : i32
        %rem3A_1382 = arith.constant 4 : i32
        %rem3A_1383 = arith.remsi %add3A_905, %rem3A_1382 : i32
        %add3A_1384 = arith.constant 1 : i32
        %add3A_1385 = arith.addi %select_n3A_1381, %add3A_1384 : i32
        %get3A_1386 = arith.index_cast %add3A_1385 : i32 to index
        %get3A_1387 = memref.load %arg0[%get3A_1386] : memref<17xi32, #tpu.memory_space<smem>>
        %get3A_1388 = arith.index_cast %select_n3A_1381 : i32 to index
        %get3A_1389 = memref.load %arg0[%get3A_1388] : memref<17xi32, #tpu.memory_space<smem>>
        %sub3A_1390 = arith.subi %get3A_1387, %get3A_1389 : i32
        %jit3A_1391 = arith.constant 0 : i32
        %jit3A_1392 = arith.constant 4096 : i32
        %max3A_1393 = arith.maxsi %jit3A_1391, %sub3A_1390 : i32
        %min3A_1394 = arith.minsi %jit3A_1392, %max3A_1393 : i32
        %get3A_1395 = arith.index_cast %select_n3A_1381 : i32 to index
        %get3A_1396 = memref.load %arg0[%get3A_1395] : memref<17xi32, #tpu.memory_space<smem>>
        %rem3A_1397 = arith.constant 8 : i32
        %rem3A_1398 = arith.remsi %get3A_1396, %rem3A_1397 : i32
        %eq3A = arith.constant 0 : i32
        %eq3A_1399 = arith.cmpi eq, %rem3A_1398, %eq3A : i32
        %convert_element_type3A_1400 = arith.extui %eq3A_1399 : i1 to i32
        %cond3A_1401 = arith.constant 0 : i32
        %cond3A_1402 = arith.cmpi ne, %convert_element_type3A_1400, %cond3A_1401 : i32
        scf.if %cond3A_1402 {
          %get3A_1451 = arith.constant 0 : index
          %get3A_1452 = arith.constant 0 : index
          %get3A_1453 = vector.load %arg6[%get3A_1451, %get3A_1452] : memref<1032x512xf32, #tpu.memory_space<vmem>>, vector<1032x512xf32>
          %swap3A = arith.constant 0 : index
          %swap3A_1454 = arith.constant 0 : index
          %swap3A_1455 = vector.load %arg10[%swap3A, %swap3A_1454] : memref<1032x512xf32, #tpu.memory_space<vmem>>, vector<1032x512xf32>
          tpu.vector_store %arg10[%swap3A, %swap3A_1454], %get3A_1453 {strides = array<i32>} : memref<1032x512xf32, #tpu.memory_space<vmem>>, vector<1032x512xf32>,
        } else {
        }
        %eq3A_1403 = arith.constant 1 : i32
        %eq3A_1404 = arith.cmpi eq, %rem3A_1398, %eq3A_1403 : i32
        %convert_element_type3A_1405 = arith.extui %eq3A_1404 : i1 to i32
        %cond3A_1406 = arith.constant 0 : i32
        %cond3A_1407 = arith.cmpi ne, %convert_element_type3A_1405, %cond3A_1406 : i32
        scf.if %cond3A_1407 {
          %get3A_1451 = arith.constant 0 : index
          %get3A_1452 = arith.constant 0 : index
          %get3A_1453 = vector.load %arg6[%get3A_1451, %get3A_1452] : memref<1032x512xf32, #tpu.memory_space<vmem>>, vector<1032x512xf32>
          %roll3A = arith.constant 1031 : i32
          %roll3A_1454 = tpu.dynamic_rotate %get3A_1453 by %roll3A dim 0 : vector<1032x512xf32>, i32 -> vector<1032x512xf32>
          %swap3A = arith.constant 0 : index
          %swap3A_1455 = arith.constant 0 : index
          %swap3A_1456 = vector.load %arg10[%swap3A, %swap3A_1455] : memref<1032x512xf32, #tpu.memory_space<vmem>>, vector<1032x512xf32>
          tpu.vector_store %arg10[%swap3A, %swap3A_1455], %roll3A_1454 {strides = array<i32>} : memref<1032x512xf32, #tpu.memory_space<vmem>>, vector<1032x512xf32>,
        } else {
        }
        %eq3A_1408 = arith.constant 2 : i32
        %eq3A_1409 = arith.cmpi eq, %rem3A_1398, %eq3A_1408 : i32
        %convert_element_type3A_1410 = arith.extui %eq3A_1409 : i1 to i32
        %cond3A_1411 = arith.constant 0 : i32
        %cond3A_1412 = arith.cmpi ne, %convert_element_type3A_1410, %cond3A_1411 : i32
        scf.if %cond3A_1412 {
          %get3A_1451 = arith.constant 0 : index
          %get3A_1452 = arith.constant 0 : index
          %get3A_1453 = vector.load %arg6[%get3A_1451, %get3A_1452] : memref<1032x512xf32, #tpu.memory_space<vmem>>, vector<1032x512xf32>
          %roll3A = arith.constant 1030 : i32
          %roll3A_1454 = tpu.dynamic_rotate %get3A_1453 by %roll3A dim 0 : vector<1032x512xf32>, i32 -> vector<1032x512xf32>
          %swap3A = arith.constant 0 : index
          %swap3A_1455 = arith.constant 0 : index
          %swap3A_1456 = vector.load %arg10[%swap3A, %swap3A_1455] : memref<1032x512xf32, #tpu.memory_space<vmem>>, vector<1032x512xf32>
          tpu.vector_store %arg10[%swap3A, %swap3A_1455], %roll3A_1454 {strides = array<i32>} : memref<1032x512xf32, #tpu.memory_space<vmem>>, vector<1032x512xf32>,
        } else {
        }
        %eq3A_1413 = arith.constant 3 : i32
        %eq3A_1414 = arith.cmpi eq, %rem3A_1398, %eq3A_1413 : i32
        %convert_element_type3A_1415 = arith.extui %eq3A_1414 : i1 to i32
        %cond3A_1416 = arith.constant 0 : i32
        %cond3A_1417 = arith.cmpi ne, %convert_element_type3A_1415, %cond3A_1416 : i32
        scf.if %cond3A_1417 {
          %get3A_1451 = arith.constant 0 : index
          %get3A_1452 = arith.constant 0 : index
          %get3A_1453 = vector.load %arg6[%get3A_1451, %get3A_1452] : memref<1032x512xf32, #tpu.memory_space<vmem>>, vector<1032x512xf32>
          %roll3A = arith.constant 1029 : i32
          %roll3A_1454 = tpu.dynamic_rotate %get3A_1453 by %roll3A dim 0 : vector<1032x512xf32>, i32 -> vector<1032x512xf32>
          %swap3A = arith.constant 0 : index
          %swap3A_1455 = arith.constant 0 : index
          %swap3A_1456 = vector.load %arg10[%swap3A, %swap3A_1455] : memref<1032x512xf32, #tpu.memory_space<vmem>>, vector<1032x512xf32>
          tpu.vector_store %arg10[%swap3A, %swap3A_1455], %roll3A_1454 {strides = array<i32>} : memref<1032x512xf32, #tpu.memory_space<vmem>>, vector<1032x512xf32>,
        } else {
        }
        %eq3A_1418 = arith.constant 4 : i32
        %eq3A_1419 = arith.cmpi eq, %rem3A_1398, %eq3A_1418 : i32
        %convert_element_type3A_1420 = arith.extui %eq3A_1419 : i1 to i32
        %cond3A_1421 = arith.constant 0 : i32
        %cond3A_1422 = arith.cmpi ne, %convert_element_type3A_1420, %cond3A_1421 : i32
        scf.if %cond3A_1422 {
          %get3A_1451 = arith.constant 0 : index
          %get3A_1452 = arith.constant 0 : index
          %get3A_1453 = vector.load %arg6[%get3A_1451, %get3A_1452] : memref<1032x512xf32, #tpu.memory_space<vmem>>, vector<1032x512xf32>
          %roll3A = arith.constant 1028 : i32
          %roll3A_1454 = tpu.dynamic_rotate %get3A_1453 by %roll3A dim 0 : vector<1032x512xf32>, i32 -> vector<1032x512xf32>
          %swap3A = arith.constant 0 : index
          %swap3A_1455 = arith.constant 0 : index
          %swap3A_1456 = vector.load %arg10[%swap3A, %swap3A_1455] : memref<1032x512xf32, #tpu.memory_space<vmem>>, vector<1032x512xf32>
          tpu.vector_store %arg10[%swap3A, %swap3A_1455], %roll3A_1454 {strides = array<i32>} : memref<1032x512xf32, #tpu.memory_space<vmem>>, vector<1032x512xf32>,
        } else {
        }
        %eq3A_1423 = arith.constant 5 : i32
        %eq3A_1424 = arith.cmpi eq, %rem3A_1398, %eq3A_1423 : i32
        %convert_element_type3A_1425 = arith.extui %eq3A_1424 : i1 to i32
        %cond3A_1426 = arith.constant 0 : i32
        %cond3A_1427 = arith.cmpi ne, %convert_element_type3A_1425, %cond3A_1426 : i32
        scf.if %cond3A_1427 {
          %get3A_1451 = arith.constant 0 : index
          %get3A_1452 = arith.constant 0 : index
          %get3A_1453 = vector.load %arg6[%get3A_1451, %get3A_1452] : memref<1032x512xf32, #tpu.memory_space<vmem>>, vector<1032x512xf32>
          %roll3A = arith.constant 1027 : i32
          %roll3A_1454 = tpu.dynamic_rotate %get3A_1453 by %roll3A dim 0 : vector<1032x512xf32>, i32 -> vector<1032x512xf32>
          %swap3A = arith.constant 0 : index
          %swap3A_1455 = arith.constant 0 : index
          %swap3A_1456 = vector.load %arg10[%swap3A, %swap3A_1455] : memref<1032x512xf32, #tpu.memory_space<vmem>>, vector<1032x512xf32>
          tpu.vector_store %arg10[%swap3A, %swap3A_1455], %roll3A_1454 {strides = array<i32>} : memref<1032x512xf32, #tpu.memory_space<vmem>>, vector<1032x512xf32>,
        } else {
        }
        %eq3A_1428 = arith.constant 6 : i32
        %eq3A_1429 = arith.cmpi eq, %rem3A_1398, %eq3A_1428 : i32
        %convert_element_type3A_1430 = arith.extui %eq3A_1429 : i1 to i32
        %cond3A_1431 = arith.constant 0 : i32
        %cond3A_1432 = arith.cmpi ne, %convert_element_type3A_1430, %cond3A_1431 : i32
        scf.if %cond3A_1432 {
          %get3A_1451 = arith.constant 0 : index
          %get3A_1452 = arith.constant 0 : index
          %get3A_1453 = vector.load %arg6[%get3A_1451, %get3A_1452] : memref<1032x512xf32, #tpu.memory_space<vmem>>, vector<1032x512xf32>
          %roll3A = arith.constant 1026 : i32
          %roll3A_1454 = tpu.dynamic_rotate %get3A_1453 by %roll3A dim 0 : vector<1032x512xf32>, i32 -> vector<1032x512xf32>
          %swap3A = arith.constant 0 : index
          %swap3A_1455 = arith.constant 0 : index
          %swap3A_1456 = vector.load %arg10[%swap3A, %swap3A_1455] : memref<1032x512xf32, #tpu.memory_space<vmem>>, vector<1032x512xf32>
          tpu.vector_store %arg10[%swap3A, %swap3A_1455], %roll3A_1454 {strides = array<i32>} : memref<1032x512xf32, #tpu.memory_space<vmem>>, vector<1032x512xf32>,
        } else {
        }
        %eq3A_1433 = arith.constant 7 : i32
        %eq3A_1434 = arith.cmpi eq, %rem3A_1398, %eq3A_1433 : i32
        %convert_element_type3A_1435 = arith.extui %eq3A_1434 : i1 to i32
        %cond3A_1436 = arith.constant 0 : i32
        %cond3A_1437 = arith.cmpi ne, %convert_element_type3A_1435, %cond3A_1436 : i32
        scf.if %cond3A_1437 {
          %get3A_1451 = arith.constant 0 : index
          %get3A_1452 = arith.constant 0 : index
          %get3A_1453 = vector.load %arg6[%get3A_1451, %get3A_1452] : memref<1032x512xf32, #tpu.memory_space<vmem>>, vector<1032x512xf32>
          %roll3A = arith.constant 1025 : i32
          %roll3A_1454 = tpu.dynamic_rotate %get3A_1453 by %roll3A dim 0 : vector<1032x512xf32>, i32 -> vector<1032x512xf32>
          %swap3A = arith.constant 0 : index
          %swap3A_1455 = arith.constant 0 : index
          %swap3A_1456 = vector.load %arg10[%swap3A, %swap3A_1455] : memref<1032x512xf32, #tpu.memory_space<vmem>>, vector<1032x512xf32>
          tpu.vector_store %arg10[%swap3A, %swap3A_1455], %roll3A_1454 {strides = array<i32>} : memref<1032x512xf32, #tpu.memory_space<vmem>>, vector<1032x512xf32>,
        } else {
        }
        %mul3A_1438 = arith.constant 1024 : i32
        %mul3A_1439 = arith.muli %rem3A_1383, %mul3A_1438 : i32
        %add3A_1440 = arith.constant 1024 : i32
        %add3A_1441 = arith.addi %mul3A_1439, %add3A_1440 : i32
        %gt3A = arith.cmpi sgt, %add3A_1441, %min3A_1394 : i32
        %convert_element_type3A_1442 = arith.extui %gt3A : i1 to i32
        %cond3A_1443 = arith.constant 0 : i32
        %cond3A_1444 = arith.cmpi ne, %convert_element_type3A_1442, %cond3A_1443 : i32
        scf.if %cond3A_1444 {
          %iota3A = tpu.iota {dimensions = array<i32: 0>} : vector<1032x512xi32>
          %mul3A_1451 = arith.constant 1024 : i32
          %mul3A_1452 = arith.muli %rem3A_1383, %mul3A_1451 : i32
          %add3A_1453 = vector.broadcast %mul3A_1452 : i32 to vector<1032x512xi32>
          %add3A_1454 = arith.addi %iota3A, %add3A_1453 : vector<1032x512xi32>
          %lt3A_1455 = vector.broadcast %min3A_1394 : i32 to vector<1032x512xi32>
          %lt3A_1456 = arith.cmpi slt, %add3A_1454, %lt3A_1455 : vector<1032x512xi32>
          %get3A_1457 = arith.constant 0 : index
          %get3A_1458 = arith.constant 0 : index
          %get3A_1459 = vector.load %arg10[%get3A_1457, %get3A_1458] : memref<1032x512xf32, #tpu.memory_space<vmem>>, vector<1032x512xf32>
          %jit3A_1460 = arith.constant 0.000000e+00 : f32
          %broadcast_in_dim3A = vector.broadcast %jit3A_1460 : f32 to vector<1032x512xf32>
          %select_n3A_1461 = arith.select %lt3A_1456, %get3A_1459, %broadcast_in_dim3A : vector<1032x512xi1>, vector<1032x512xf32>
          %swap3A = arith.constant 0 : index
          %swap3A_1462 = arith.constant 0 : index
          %swap3A_1463 = vector.load %arg10[%swap3A, %swap3A_1462] : memref<1032x512xf32, #tpu.memory_space<vmem>>, vector<1032x512xf32>
          tpu.vector_store %arg10[%swap3A, %swap3A_1462], %select_n3A_1461 {strides = array<i32>} : memref<1032x512xf32, #tpu.memory_space<vmem>>, vector<1032x512xf32>,
        } else {
        }
        %mul3A_1445 = arith.constant 1024 : i32
        %mul3A_1446 = arith.muli %add3A_905, %mul3A_1445 : i32
        %multiple_of3A = tpu.assume_multiple %mul3A_1446, 8 : i32
        %dma_start3A = arith.constant 0 : i32
        %dma_start3A_1447 = tpu.memref_slice %arg3[%multiple_of3A, %dma_start3A] : memref<65536x512xf32, #tpu.memory_space<any>> -> memref<1024x512xf32, #tpu.memory_space<any>>
        %dma_start3A_1448 = arith.constant 0 : i32
        %dma_start3A_1449 = arith.constant 0 : i32
        %dma_start3A_1450 = tpu.memref_slice %arg10[%dma_start3A_1448, %dma_start3A_1449] : memref<1032x512xf32, #tpu.memory_space<vmem>> -> memref<1024x512xf32, #tpu.memory_space<vmem>>
        tpu.enqueue_dma source(%dma_start3A_1450 : memref<1024x512xf32, #tpu.memory_space<vmem>>) target(%dma_start3A_1447 : memref<1024x512xf32, #tpu.memory_space<any>>) target_semaphore(%arg18 : memref<!tpu.dma_semaphore, #tpu.memory_space<semaphore_mem>>)
      } else {
      }
      %add3A_1051 = arith.constant 4 : i32
      %add3A_1052 = arith.addi %add3A_905, %add3A_1051 : i32
      %min3A_1053 = arith.constant 63 : i32
      %min3A_1054 = arith.minsi %add3A_1052, %min3A_1053 : i32
      %add3A_1055 = arith.constant 4 : i32
      %add3A_1056 = arith.addi %add3A_905, %add3A_1055 : i32
      %lt3A_1057 = arith.constant 64 : i32
      %lt3A_1058 = arith.cmpi slt, %add3A_1056, %lt3A_1057 : i32
      %rem3A_1059 = arith.constant 4 : i32
      %rem3A_1060 = arith.remsi %min3A_1054, %rem3A_1059 : i32
      %jit3A_1061 = arith.constant 4 : i32
      %div3A_1062 = arith.divsi %min3A_1054, %jit3A_1061 : i32
      %sign3A_1063 = arith.constant 0 : i32
      %sign3A_1064 = arith.cmpi sgt, %min3A_1054, %sign3A_1063 : i32
      %sign3A_1065 = arith.extui %sign3A_1064 : i1 to i32
      %sign3A_1066 = arith.constant 0 : i32
      %sign3A_1067 = arith.cmpi slt, %min3A_1054, %sign3A_1066 : i32
      %sign3A_1068 = arith.extui %sign3A_1067 : i1 to i32
      %sign3A_1069 = arith.subi %sign3A_1065, %sign3A_1068 : i32
      %sign3A_1070 = arith.constant 0 : i32
      %sign3A_1071 = arith.cmpi sgt, %jit3A_1061, %sign3A_1070 : i32
      %sign3A_1072 = arith.extui %sign3A_1071 : i1 to i32
      %sign3A_1073 = arith.constant 0 : i32
      %sign3A_1074 = arith.cmpi slt, %jit3A_1061, %sign3A_1073 : i32
      %sign3A_1075 = arith.extui %sign3A_1074 : i1 to i32
      %sign3A_1076 = arith.subi %sign3A_1072, %sign3A_1075 : i32
      %ne3A_1077 = arith.cmpi ne, %sign3A_1069, %sign3A_1076 : i32
      %rem3A_1078 = arith.remsi %min3A_1054, %jit3A_1061 : i32
      %ne3A_1079 = arith.constant 0 : i32
      %ne3A_1080 = arith.cmpi ne, %rem3A_1078, %ne3A_1079 : i32
      %and3A_1081 = arith.andi %ne3A_1077, %ne3A_1080 : i1
      %sub3A_1082 = arith.constant 1 : i32
      %sub3A_1083 = arith.subi %div3A_1062, %sub3A_1082 : i32
      %select_n3A_1084 = arith.select %and3A_1081, %sub3A_1083, %div3A_1062 : i32
      %add3A_1085 = arith.constant 1 : i32
      %add3A_1086 = arith.addi %select_n3A_1084, %add3A_1085 : i32
      %get3A_1087 = arith.index_cast %add3A_1086 : i32 to index
      %get3A_1088 = memref.load %arg0[%get3A_1087] : memref<17xi32, #tpu.memory_space<smem>>
      %get3A_1089 = arith.index_cast %select_n3A_1084 : i32 to index
      %get3A_1090 = memref.load %arg0[%get3A_1089] : memref<17xi32, #tpu.memory_space<smem>>
      %sub3A_1091 = arith.subi %get3A_1088, %get3A_1090 : i32
      %jit3A_1092 = arith.constant 0 : i32
      %jit3A_1093 = arith.constant 4096 : i32
      %max3A_1094 = arith.maxsi %jit3A_1092, %sub3A_1091 : i32
      %min3A_1095 = arith.minsi %jit3A_1093, %max3A_1094 : i32
      %add3A_1096 = arith.constant 1024 : i32
      %add3A_1097 = arith.addi %min3A_1095, %add3A_1096 : i32
      %sub3A_1098 = arith.constant 1 : i32
      %sub3A_1099 = arith.subi %add3A_1097, %sub3A_1098 : i32
      %jit3A_1100 = arith.constant 1024 : i32
      %div3A_1101 = arith.divsi %sub3A_1099, %jit3A_1100 : i32
      %sign3A_1102 = arith.constant 0 : i32
      %sign3A_1103 = arith.cmpi sgt, %sub3A_1099, %sign3A_1102 : i32
      %sign3A_1104 = arith.extui %sign3A_1103 : i1 to i32
      %sign3A_1105 = arith.constant 0 : i32
      %sign3A_1106 = arith.cmpi slt, %sub3A_1099, %sign3A_1105 : i32
      %sign3A_1107 = arith.extui %sign3A_1106 : i1 to i32
      %sign3A_1108 = arith.subi %sign3A_1104, %sign3A_1107 : i32
      %sign3A_1109 = arith.constant 0 : i32
      %sign3A_1110 = arith.cmpi sgt, %jit3A_1100, %sign3A_1109 : i32
      %sign3A_1111 = arith.extui %sign3A_1110 : i1 to i32
      %sign3A_1112 = arith.constant 0 : i32
      %sign3A_1113 = arith.cmpi slt, %jit3A_1100, %sign3A_1112 : i32
      %sign3A_1114 = arith.extui %sign3A_1113 : i1 to i32
      %sign3A_1115 = arith.subi %sign3A_1111, %sign3A_1114 : i32
      %ne3A_1116 = arith.cmpi ne, %sign3A_1108, %sign3A_1115 : i32
      %rem3A_1117 = arith.remsi %sub3A_1099, %jit3A_1100 : i32
      %ne3A_1118 = arith.constant 0 : i32
      %ne3A_1119 = arith.cmpi ne, %rem3A_1117, %ne3A_1118 : i32
      %and3A_1120 = arith.andi %ne3A_1116, %ne3A_1119 : i1
      %sub3A_1121 = arith.constant 1 : i32
      %sub3A_1122 = arith.subi %div3A_1101, %sub3A_1121 : i32
      %select_n3A_1123 = arith.select %and3A_1120, %sub3A_1122, %div3A_1101 : i32
      %lt3A_1124 = arith.cmpi slt, %rem3A_1060, %select_n3A_1123 : i32
      %and3A_1125 = arith.andi %lt3A_1058, %lt3A_1124 : i1
      %convert_element_type3A_1126 = arith.extui %and3A_1125 : i1 to i32
      %cond3A_1127 = arith.constant 0 : i32
      %cond3A_1128 = arith.cmpi ne, %convert_element_type3A_1126, %cond3A_1127 : i32
      scf.if %cond3A_1128 {
        %jit3A_1356 = arith.constant 4 : i32
        %div3A_1357 = arith.divsi %min3A_1054, %jit3A_1356 : i32
        %sign3A_1358 = arith.constant 0 : i32
        %sign3A_1359 = arith.cmpi sgt, %min3A_1054, %sign3A_1358 : i32
        %sign3A_1360 = arith.extui %sign3A_1359 : i1 to i32
        %sign3A_1361 = arith.constant 0 : i32
        %sign3A_1362 = arith.cmpi slt, %min3A_1054, %sign3A_1361 : i32
        %sign3A_1363 = arith.extui %sign3A_1362 : i1 to i32
        %sign3A_1364 = arith.subi %sign3A_1360, %sign3A_1363 : i32
        %sign3A_1365 = arith.constant 0 : i32
        %sign3A_1366 = arith.cmpi sgt, %jit3A_1356, %sign3A_1365 : i32
        %sign3A_1367 = arith.extui %sign3A_1366 : i1 to i32
        %sign3A_1368 = arith.constant 0 : i32
        %sign3A_1369 = arith.cmpi slt, %jit3A_1356, %sign3A_1368 : i32
        %sign3A_1370 = arith.extui %sign3A_1369 : i1 to i32
        %sign3A_1371 = arith.subi %sign3A_1367, %sign3A_1370 : i32
        %ne3A_1372 = arith.cmpi ne, %sign3A_1364, %sign3A_1371 : i32
        %rem3A_1373 = arith.remsi %min3A_1054, %jit3A_1356 : i32
        %ne3A_1374 = arith.constant 0 : i32
        %ne3A_1375 = arith.cmpi ne, %rem3A_1373, %ne3A_1374 : i32
        %and3A_1376 = arith.andi %ne3A_1372, %ne3A_1375 : i1
        %sub3A_1377 = arith.constant 1 : i32
        %sub3A_1378 = arith.subi %div3A_1357, %sub3A_1377 : i32
        %select_n3A_1379 = arith.select %and3A_1376, %sub3A_1378, %div3A_1357 : i32
        %mul3A_1380 = arith.constant 4160 : i32
        %mul3A_1381 = arith.muli %select_n3A_1379, %mul3A_1380 : i32
        %rem3A_1382 = arith.constant 4 : i32
        %rem3A_1383 = arith.remsi %min3A_1054, %rem3A_1382 : i32
        %mul3A_1384 = arith.constant 1024 : i32
        %mul3A_1385 = arith.muli %rem3A_1383, %mul3A_1384 : i32
        %add3A_1386 = arith.addi %mul3A_1381, %mul3A_1385 : i32
        %multiple_of3A = tpu.assume_multiple %add3A_1386, 8 : i32
        %dma_start3A = arith.constant 0 : i32
        %dma_start3A_1387 = tpu.memref_slice %arg1[%multiple_of3A, %dma_start3A] : memref<66560x512xf32, #tpu.memory_space<any>> -> memref<1032x512xf32, #tpu.memory_space<any>>
        tpu.enqueue_dma source(%dma_start3A_1387 : memref<1032x512xf32, #tpu.memory_space<any>>) target(%arg6 : memref<1032x512xf32, #tpu.memory_space<vmem>>) target_semaphore(%arg14 : memref<!tpu.dma_semaphore, #tpu.memory_space<semaphore_mem>>)
      } else {
      }
      %mul3A_1129 = arith.constant 4 : i32
      %mul3A_1130 = arith.muli %mul3A_1129, %scan3A_449 : i32
      %add3A_1131 = arith.constant 3 : i32
      %add3A_1132 = arith.addi %mul3A_1130, %add3A_1131 : i32
      %ge3A_1133 = arith.constant 4 : i32
      %ge3A_1134 = arith.cmpi sge, %add3A_1132, %ge3A_1133 : i32
      %sub3A_1135 = arith.constant 4 : i32
      %sub3A_1136 = arith.subi %add3A_1132, %sub3A_1135 : i32
      %max3A_1137 = arith.constant 0 : i32
      %max3A_1138 = arith.maxsi %sub3A_1136, %max3A_1137 : i32
      %rem3A_1139 = arith.constant 4 : i32
      %rem3A_1140 = arith.remsi %max3A_1138, %rem3A_1139 : i32
      %jit3A_1141 = arith.constant 4 : i32
      %div3A_1142 = arith.divsi %max3A_1138, %jit3A_1141 : i32
      %sign3A_1143 = arith.constant 0 : i32
      %sign3A_1144 = arith.cmpi sgt, %max3A_1138, %sign3A_1143 : i32
      %sign3A_1145 = arith.extui %sign3A_1144 : i1 to i32
      %sign3A_1146 = arith.constant 0 : i32
      %sign3A_1147 = arith.cmpi slt, %max3A_1138, %sign3A_1146 : i32
      %sign3A_1148 = arith.extui %sign3A_1147 : i1 to i32
      %sign3A_1149 = arith.subi %sign3A_1145, %sign3A_1148 : i32
      %sign3A_1150 = arith.constant 0 : i32
      %sign3A_1151 = arith.cmpi sgt, %jit3A_1141, %sign3A_1150 : i32
      %sign3A_1152 = arith.extui %sign3A_1151 : i1 to i32
      %sign3A_1153 = arith.constant 0 : i32
      %sign3A_1154 = arith.cmpi slt, %jit3A_1141, %sign3A_1153 : i32
      %sign3A_1155 = arith.extui %sign3A_1154 : i1 to i32
      %sign3A_1156 = arith.subi %sign3A_1152, %sign3A_1155 : i32
      %ne3A_1157 = arith.cmpi ne, %sign3A_1149, %sign3A_1156 : i32
      %rem3A_1158 = arith.remsi %max3A_1138, %jit3A_1141 : i32
      %ne3A_1159 = arith.constant 0 : i32
      %ne3A_1160 = arith.cmpi ne, %rem3A_1158, %ne3A_1159 : i32
      %and3A_1161 = arith.andi %ne3A_1157, %ne3A_1160 : i1
      %sub3A_1162 = arith.constant 1 : i32
      %sub3A_1163 = arith.subi %div3A_1142, %sub3A_1162 : i32
      %select_n3A_1164 = arith.select %and3A_1161, %sub3A_1163, %div3A_1142 : i32
      %add3A_1165 = arith.constant 1 : i32
      %add3A_1166 = arith.addi %select_n3A_1164, %add3A_1165 : i32
      %get3A_1167 = arith.index_cast %add3A_1166 : i32 to index
      %get3A_1168 = memref.load %arg0[%get3A_1167] : memref<17xi32, #tpu.memory_space<smem>>
      %get3A_1169 = arith.index_cast %select_n3A_1164 : i32 to index
      %get3A_1170 = memref.load %arg0[%get3A_1169] : memref<17xi32, #tpu.memory_space<smem>>
      %sub3A_1171 = arith.subi %get3A_1168, %get3A_1170 : i32
      %jit3A_1172 = arith.constant 0 : i32
      %jit3A_1173 = arith.constant 4096 : i32
      %max3A_1174 = arith.maxsi %jit3A_1172, %sub3A_1171 : i32
      %min3A_1175 = arith.minsi %jit3A_1173, %max3A_1174 : i32
      %add3A_1176 = arith.constant 1024 : i32
      %add3A_1177 = arith.addi %min3A_1175, %add3A_1176 : i32
      %sub3A_1178 = arith.constant 1 : i32
      %sub3A_1179 = arith.subi %add3A_1177, %sub3A_1178 : i32
      %jit3A_1180 = arith.constant 1024 : i32
      %div3A_1181 = arith.divsi %sub3A_1179, %jit3A_1180 : i32
      %sign3A_1182 = arith.constant 0 : i32
      %sign3A_1183 = arith.cmpi sgt, %sub3A_1179, %sign3A_1182 : i32
      %sign3A_1184 = arith.extui %sign3A_1183 : i1 to i32
      %sign3A_1185 = arith.constant 0 : i32
      %sign3A_1186 = arith.cmpi slt, %sub3A_1179, %sign3A_1185 : i32
      %sign3A_1187 = arith.extui %sign3A_1186 : i1 to i32
      %sign3A_1188 = arith.subi %sign3A_1184, %sign3A_1187 : i32
      %sign3A_1189 = arith.constant 0 : i32
      %sign3A_1190 = arith.cmpi sgt, %jit3A_1180, %sign3A_1189 : i32
      %sign3A_1191 = arith.extui %sign3A_1190 : i1 to i32
      %sign3A_1192 = arith.constant 0 : i32
      %sign3A_1193 = arith.cmpi slt, %jit3A_1180, %sign3A_1192 : i32
      %sign3A_1194 = arith.extui %sign3A_1193 : i1 to i32
      %sign3A_1195 = arith.subi %sign3A_1191, %sign3A_1194 : i32
      %ne3A_1196 = arith.cmpi ne, %sign3A_1188, %sign3A_1195 : i32
      %rem3A_1197 = arith.remsi %sub3A_1179, %jit3A_1180 : i32
      %ne3A_1198 = arith.constant 0 : i32
      %ne3A_1199 = arith.cmpi ne, %rem3A_1197, %ne3A_1198 : i32
      %and3A_1200 = arith.andi %ne3A_1196, %ne3A_1199 : i1
      %sub3A_1201 = arith.constant 1 : i32
      %sub3A_1202 = arith.subi %div3A_1181, %sub3A_1201 : i32
      %select_n3A_1203 = arith.select %and3A_1200, %sub3A_1202, %div3A_1181 : i32
      %lt3A_1204 = arith.cmpi slt, %rem3A_1140, %select_n3A_1203 : i32
      %and3A_1205 = arith.andi %ge3A_1134, %lt3A_1204 : i1
      %convert_element_type3A_1206 = arith.extui %and3A_1205 : i1 to i32
      %cond3A_1207 = arith.constant 0 : i32
      %cond3A_1208 = arith.cmpi ne, %convert_element_type3A_1206, %cond3A_1207 : i32
      scf.if %cond3A_1208 {
        %dma_wait3A = arith.constant 0 : i32
        %dma_wait3A_1356 = arith.constant 0 : i32
        %dma_wait3A_1357 = tpu.memref_slice %arg3[%dma_wait3A, %dma_wait3A_1356] : memref<65536x512xf32, #tpu.memory_space<any>> -> memref<1024x512xf32, #tpu.memory_space<any>>
        %dma_wait3A_1358 = arith.constant 0 : i32
        %dma_wait3A_1359 = arith.constant 0 : i32
        %dma_wait3A_1360 = tpu.memref_slice %arg11[%dma_wait3A_1358, %dma_wait3A_1359] : memref<1032x512xf32, #tpu.memory_space<vmem>> -> memref<1024x512xf32, #tpu.memory_space<vmem>>
        tpu.wait_dma2 semaphore(%arg19 : memref<!tpu.dma_semaphore, #tpu.memory_space<semaphore_mem>>) src(%dma_wait3A_1360 : memref<1024x512xf32, #tpu.memory_space<vmem>>) dst(%dma_wait3A_1357 : memref<1024x512xf32, #tpu.memory_space<any>>)
      } else {
      }
      %rem3A_1209 = arith.constant 4 : i32
      %rem3A_1210 = arith.remsi %add3A_1132, %rem3A_1209 : i32
      %jit3A_1211 = arith.constant 4 : i32
      %div3A_1212 = arith.divsi %add3A_1132, %jit3A_1211 : i32
      %sign3A_1213 = arith.constant 0 : i32
      %sign3A_1214 = arith.cmpi sgt, %add3A_1132, %sign3A_1213 : i32
      %sign3A_1215 = arith.extui %sign3A_1214 : i1 to i32
      %sign3A_1216 = arith.constant 0 : i32
      %sign3A_1217 = arith.cmpi slt, %add3A_1132, %sign3A_1216 : i32
      %sign3A_1218 = arith.extui %sign3A_1217 : i1 to i32
      %sign3A_1219 = arith.subi %sign3A_1215, %sign3A_1218 : i32
      %sign3A_1220 = arith.constant 0 : i32
      %sign3A_1221 = arith.cmpi sgt, %jit3A_1211, %sign3A_1220 : i32
      %sign3A_1222 = arith.extui %sign3A_1221 : i1 to i32
      %sign3A_1223 = arith.constant 0 : i32
      %sign3A_1224 = arith.cmpi slt, %jit3A_1211, %sign3A_1223 : i32
      %sign3A_1225 = arith.extui %sign3A_1224 : i1 to i32
      %sign3A_1226 = arith.subi %sign3A_1222, %sign3A_1225 : i32
      %ne3A_1227 = arith.cmpi ne, %sign3A_1219, %sign3A_1226 : i32
      %rem3A_1228 = arith.remsi %add3A_1132, %jit3A_1211 : i32
      %ne3A_1229 = arith.constant 0 : i32
      %ne3A_1230 = arith.cmpi ne, %rem3A_1228, %ne3A_1229 : i32
      %and3A_1231 = arith.andi %ne3A_1227, %ne3A_1230 : i1
      %sub3A_1232 = arith.constant 1 : i32
      %sub3A_1233 = arith.subi %div3A_1212, %sub3A_1232 : i32
      %select_n3A_1234 = arith.select %and3A_1231, %sub3A_1233, %div3A_1212 : i32
      %add3A_1235 = arith.constant 1 : i32
      %add3A_1236 = arith.addi %select_n3A_1234, %add3A_1235 : i32
      %get3A_1237 = arith.index_cast %add3A_1236 : i32 to index
      %get3A_1238 = memref.load %arg0[%get3A_1237] : memref<17xi32, #tpu.memory_space<smem>>
      %get3A_1239 = arith.index_cast %select_n3A_1234 : i32 to index
      %get3A_1240 = memref.load %arg0[%get3A_1239] : memref<17xi32, #tpu.memory_space<smem>>
      %sub3A_1241 = arith.subi %get3A_1238, %get3A_1240 : i32
      %jit3A_1242 = arith.constant 0 : i32
      %jit3A_1243 = arith.constant 4096 : i32
      %max3A_1244 = arith.maxsi %jit3A_1242, %sub3A_1241 : i32
      %min3A_1245 = arith.minsi %jit3A_1243, %max3A_1244 : i32
      %add3A_1246 = arith.constant 1024 : i32
      %add3A_1247 = arith.addi %min3A_1245, %add3A_1246 : i32
      %sub3A_1248 = arith.constant 1 : i32
      %sub3A_1249 = arith.subi %add3A_1247, %sub3A_1248 : i32
      %jit3A_1250 = arith.constant 1024 : i32
      %div3A_1251 = arith.divsi %sub3A_1249, %jit3A_1250 : i32
      %sign3A_1252 = arith.constant 0 : i32
      %sign3A_1253 = arith.cmpi sgt, %sub3A_1249, %sign3A_1252 : i32
      %sign3A_1254 = arith.extui %sign3A_1253 : i1 to i32
      %sign3A_1255 = arith.constant 0 : i32
      %sign3A_1256 = arith.cmpi slt, %sub3A_1249, %sign3A_1255 : i32
      %sign3A_1257 = arith.extui %sign3A_1256 : i1 to i32
      %sign3A_1258 = arith.subi %sign3A_1254, %sign3A_1257 : i32
      %sign3A_1259 = arith.constant 0 : i32
      %sign3A_1260 = arith.cmpi sgt, %jit3A_1250, %sign3A_1259 : i32
      %sign3A_1261 = arith.extui %sign3A_1260 : i1 to i32
      %sign3A_1262 = arith.constant 0 : i32
      %sign3A_1263 = arith.cmpi slt, %jit3A_1250, %sign3A_1262 : i32
      %sign3A_1264 = arith.extui %sign3A_1263 : i1 to i32
      %sign3A_1265 = arith.subi %sign3A_1261, %sign3A_1264 : i32
      %ne3A_1266 = arith.cmpi ne, %sign3A_1258, %sign3A_1265 : i32
      %rem3A_1267 = arith.remsi %sub3A_1249, %jit3A_1250 : i32
      %ne3A_1268 = arith.constant 0 : i32
      %ne3A_1269 = arith.cmpi ne, %rem3A_1267, %ne3A_1268 : i32
      %and3A_1270 = arith.andi %ne3A_1266, %ne3A_1269 : i1
      %sub3A_1271 = arith.constant 1 : i32
      %sub3A_1272 = arith.subi %div3A_1251, %sub3A_1271 : i32
      %select_n3A_1273 = arith.select %and3A_1270, %sub3A_1272, %div3A_1251 : i32
      %lt3A_1274 = arith.cmpi slt, %rem3A_1210, %select_n3A_1273 : i32
      %convert_element_type3A_1275 = arith.extui %lt3A_1274 : i1 to i32
      %cond3A_1276 = arith.constant 0 : i32
      %cond3A_1277 = arith.cmpi ne, %convert_element_type3A_1275, %cond3A_1276 : i32
      scf.if %cond3A_1277 {
        %dma_wait3A = arith.constant 0 : i32
        %dma_wait3A_1356 = arith.constant 0 : i32
        %dma_wait3A_1357 = tpu.memref_slice %arg1[%dma_wait3A, %dma_wait3A_1356] : memref<66560x512xf32, #tpu.memory_space<any>> -> memref<1032x512xf32, #tpu.memory_space<any>>
        tpu.wait_dma2 semaphore(%arg15 : memref<!tpu.dma_semaphore, #tpu.memory_space<semaphore_mem>>) src(%dma_wait3A_1357 : memref<1032x512xf32, #tpu.memory_space<any>>) dst(%arg7 : memref<1032x512xf32, #tpu.memory_space<vmem>>)
        %jit3A_1358 = arith.constant 4 : i32
        %div3A_1359 = arith.divsi %add3A_1132, %jit3A_1358 : i32
        %sign3A_1360 = arith.constant 0 : i32
        %sign3A_1361 = arith.cmpi sgt, %add3A_1132, %sign3A_1360 : i32
        %sign3A_1362 = arith.extui %sign3A_1361 : i1 to i32
        %sign3A_1363 = arith.constant 0 : i32
        %sign3A_1364 = arith.cmpi slt, %add3A_1132, %sign3A_1363 : i32
        %sign3A_1365 = arith.extui %sign3A_1364 : i1 to i32
        %sign3A_1366 = arith.subi %sign3A_1362, %sign3A_1365 : i32
        %sign3A_1367 = arith.constant 0 : i32
        %sign3A_1368 = arith.cmpi sgt, %jit3A_1358, %sign3A_1367 : i32
        %sign3A_1369 = arith.extui %sign3A_1368 : i1 to i32
        %sign3A_1370 = arith.constant 0 : i32
        %sign3A_1371 = arith.cmpi slt, %jit3A_1358, %sign3A_1370 : i32
        %sign3A_1372 = arith.extui %sign3A_1371 : i1 to i32
        %sign3A_1373 = arith.subi %sign3A_1369, %sign3A_1372 : i32
        %ne3A_1374 = arith.cmpi ne, %sign3A_1366, %sign3A_1373 : i32
        %rem3A_1375 = arith.remsi %add3A_1132, %jit3A_1358 : i32
        %ne3A_1376 = arith.constant 0 : i32
        %ne3A_1377 = arith.cmpi ne, %rem3A_1375, %ne3A_1376 : i32
        %and3A_1378 = arith.andi %ne3A_1374, %ne3A_1377 : i1
        %sub3A_1379 = arith.constant 1 : i32
        %sub3A_1380 = arith.subi %div3A_1359, %sub3A_1379 : i32
        %select_n3A_1381 = arith.select %and3A_1378, %sub3A_1380, %div3A_1359 : i32
        %rem3A_1382 = arith.constant 4 : i32
        %rem3A_1383 = arith.remsi %add3A_1132, %rem3A_1382 : i32
        %add3A_1384 = arith.constant 1 : i32
        %add3A_1385 = arith.addi %select_n3A_1381, %add3A_1384 : i32
        %get3A_1386 = arith.index_cast %add3A_1385 : i32 to index
        %get3A_1387 = memref.load %arg0[%get3A_1386] : memref<17xi32, #tpu.memory_space<smem>>
        %get3A_1388 = arith.index_cast %select_n3A_1381 : i32 to index
        %get3A_1389 = memref.load %arg0[%get3A_1388] : memref<17xi32, #tpu.memory_space<smem>>
        %sub3A_1390 = arith.subi %get3A_1387, %get3A_1389 : i32
        %jit3A_1391 = arith.constant 0 : i32
        %jit3A_1392 = arith.constant 4096 : i32
        %max3A_1393 = arith.maxsi %jit3A_1391, %sub3A_1390 : i32
        %min3A_1394 = arith.minsi %jit3A_1392, %max3A_1393 : i32
        %get3A_1395 = arith.index_cast %select_n3A_1381 : i32 to index
        %get3A_1396 = memref.load %arg0[%get3A_1395] : memref<17xi32, #tpu.memory_space<smem>>
        %rem3A_1397 = arith.constant 8 : i32
        %rem3A_1398 = arith.remsi %get3A_1396, %rem3A_1397 : i32
        %eq3A = arith.constant 0 : i32
        %eq3A_1399 = arith.cmpi eq, %rem3A_1398, %eq3A : i32
        %convert_element_type3A_1400 = arith.extui %eq3A_1399 : i1 to i32
        %cond3A_1401 = arith.constant 0 : i32
        %cond3A_1402 = arith.cmpi ne, %convert_element_type3A_1400, %cond3A_1401 : i32
        scf.if %cond3A_1402 {
          %get3A_1451 = arith.constant 0 : index
          %get3A_1452 = arith.constant 0 : index
          %get3A_1453 = vector.load %arg7[%get3A_1451, %get3A_1452] : memref<1032x512xf32, #tpu.memory_space<vmem>>, vector<1032x512xf32>
          %swap3A = arith.constant 0 : index
          %swap3A_1454 = arith.constant 0 : index
          %swap3A_1455 = vector.load %arg11[%swap3A, %swap3A_1454] : memref<1032x512xf32, #tpu.memory_space<vmem>>, vector<1032x512xf32>
          tpu.vector_store %arg11[%swap3A, %swap3A_1454], %get3A_1453 {strides = array<i32>} : memref<1032x512xf32, #tpu.memory_space<vmem>>, vector<1032x512xf32>,
        } else {
        }
        %eq3A_1403 = arith.constant 1 : i32
        %eq3A_1404 = arith.cmpi eq, %rem3A_1398, %eq3A_1403 : i32
        %convert_element_type3A_1405 = arith.extui %eq3A_1404 : i1 to i32
        %cond3A_1406 = arith.constant 0 : i32
        %cond3A_1407 = arith.cmpi ne, %convert_element_type3A_1405, %cond3A_1406 : i32
        scf.if %cond3A_1407 {
          %get3A_1451 = arith.constant 0 : index
          %get3A_1452 = arith.constant 0 : index
          %get3A_1453 = vector.load %arg7[%get3A_1451, %get3A_1452] : memref<1032x512xf32, #tpu.memory_space<vmem>>, vector<1032x512xf32>
          %roll3A = arith.constant 1031 : i32
          %roll3A_1454 = tpu.dynamic_rotate %get3A_1453 by %roll3A dim 0 : vector<1032x512xf32>, i32 -> vector<1032x512xf32>
          %swap3A = arith.constant 0 : index
          %swap3A_1455 = arith.constant 0 : index
          %swap3A_1456 = vector.load %arg11[%swap3A, %swap3A_1455] : memref<1032x512xf32, #tpu.memory_space<vmem>>, vector<1032x512xf32>
          tpu.vector_store %arg11[%swap3A, %swap3A_1455], %roll3A_1454 {strides = array<i32>} : memref<1032x512xf32, #tpu.memory_space<vmem>>, vector<1032x512xf32>,
        } else {
        }
        %eq3A_1408 = arith.constant 2 : i32
        %eq3A_1409 = arith.cmpi eq, %rem3A_1398, %eq3A_1408 : i32
        %convert_element_type3A_1410 = arith.extui %eq3A_1409 : i1 to i32
        %cond3A_1411 = arith.constant 0 : i32
        %cond3A_1412 = arith.cmpi ne, %convert_element_type3A_1410, %cond3A_1411 : i32
        scf.if %cond3A_1412 {
          %get3A_1451 = arith.constant 0 : index
          %get3A_1452 = arith.constant 0 : index
          %get3A_1453 = vector.load %arg7[%get3A_1451, %get3A_1452] : memref<1032x512xf32, #tpu.memory_space<vmem>>, vector<1032x512xf32>
          %roll3A = arith.constant 1030 : i32
          %roll3A_1454 = tpu.dynamic_rotate %get3A_1453 by %roll3A dim 0 : vector<1032x512xf32>, i32 -> vector<1032x512xf32>
          %swap3A = arith.constant 0 : index
          %swap3A_1455 = arith.constant 0 : index
          %swap3A_1456 = vector.load %arg11[%swap3A, %swap3A_1455] : memref<1032x512xf32, #tpu.memory_space<vmem>>, vector<1032x512xf32>
          tpu.vector_store %arg11[%swap3A, %swap3A_1455], %roll3A_1454 {strides = array<i32>} : memref<1032x512xf32, #tpu.memory_space<vmem>>, vector<1032x512xf32>,
        } else {
        }
        %eq3A_1413 = arith.constant 3 : i32
        %eq3A_1414 = arith.cmpi eq, %rem3A_1398, %eq3A_1413 : i32
        %convert_element_type3A_1415 = arith.extui %eq3A_1414 : i1 to i32
        %cond3A_1416 = arith.constant 0 : i32
        %cond3A_1417 = arith.cmpi ne, %convert_element_type3A_1415, %cond3A_1416 : i32
        scf.if %cond3A_1417 {
          %get3A_1451 = arith.constant 0 : index
          %get3A_1452 = arith.constant 0 : index
          %get3A_1453 = vector.load %arg7[%get3A_1451, %get3A_1452] : memref<1032x512xf32, #tpu.memory_space<vmem>>, vector<1032x512xf32>
          %roll3A = arith.constant 1029 : i32
          %roll3A_1454 = tpu.dynamic_rotate %get3A_1453 by %roll3A dim 0 : vector<1032x512xf32>, i32 -> vector<1032x512xf32>
          %swap3A = arith.constant 0 : index
          %swap3A_1455 = arith.constant 0 : index
          %swap3A_1456 = vector.load %arg11[%swap3A, %swap3A_1455] : memref<1032x512xf32, #tpu.memory_space<vmem>>, vector<1032x512xf32>
          tpu.vector_store %arg11[%swap3A, %swap3A_1455], %roll3A_1454 {strides = array<i32>} : memref<1032x512xf32, #tpu.memory_space<vmem>>, vector<1032x512xf32>,
        } else {
        }
        %eq3A_1418 = arith.constant 4 : i32
        %eq3A_1419 = arith.cmpi eq, %rem3A_1398, %eq3A_1418 : i32
        %convert_element_type3A_1420 = arith.extui %eq3A_1419 : i1 to i32
        %cond3A_1421 = arith.constant 0 : i32
        %cond3A_1422 = arith.cmpi ne, %convert_element_type3A_1420, %cond3A_1421 : i32
        scf.if %cond3A_1422 {
          %get3A_1451 = arith.constant 0 : index
          %get3A_1452 = arith.constant 0 : index
          %get3A_1453 = vector.load %arg7[%get3A_1451, %get3A_1452] : memref<1032x512xf32, #tpu.memory_space<vmem>>, vector<1032x512xf32>
          %roll3A = arith.constant 1028 : i32
          %roll3A_1454 = tpu.dynamic_rotate %get3A_1453 by %roll3A dim 0 : vector<1032x512xf32>, i32 -> vector<1032x512xf32>
          %swap3A = arith.constant 0 : index
          %swap3A_1455 = arith.constant 0 : index
          %swap3A_1456 = vector.load %arg11[%swap3A, %swap3A_1455] : memref<1032x512xf32, #tpu.memory_space<vmem>>, vector<1032x512xf32>
          tpu.vector_store %arg11[%swap3A, %swap3A_1455], %roll3A_1454 {strides = array<i32>} : memref<1032x512xf32, #tpu.memory_space<vmem>>, vector<1032x512xf32>,
        } else {
        }
        %eq3A_1423 = arith.constant 5 : i32
        %eq3A_1424 = arith.cmpi eq, %rem3A_1398, %eq3A_1423 : i32
        %convert_element_type3A_1425 = arith.extui %eq3A_1424 : i1 to i32
        %cond3A_1426 = arith.constant 0 : i32
        %cond3A_1427 = arith.cmpi ne, %convert_element_type3A_1425, %cond3A_1426 : i32
        scf.if %cond3A_1427 {
          %get3A_1451 = arith.constant 0 : index
          %get3A_1452 = arith.constant 0 : index
          %get3A_1453 = vector.load %arg7[%get3A_1451, %get3A_1452] : memref<1032x512xf32, #tpu.memory_space<vmem>>, vector<1032x512xf32>
          %roll3A = arith.constant 1027 : i32
          %roll3A_1454 = tpu.dynamic_rotate %get3A_1453 by %roll3A dim 0 : vector<1032x512xf32>, i32 -> vector<1032x512xf32>
          %swap3A = arith.constant 0 : index
          %swap3A_1455 = arith.constant 0 : index
          %swap3A_1456 = vector.load %arg11[%swap3A, %swap3A_1455] : memref<1032x512xf32, #tpu.memory_space<vmem>>, vector<1032x512xf32>
          tpu.vector_store %arg11[%swap3A, %swap3A_1455], %roll3A_1454 {strides = array<i32>} : memref<1032x512xf32, #tpu.memory_space<vmem>>, vector<1032x512xf32>,
        } else {
        }
        %eq3A_1428 = arith.constant 6 : i32
        %eq3A_1429 = arith.cmpi eq, %rem3A_1398, %eq3A_1428 : i32
        %convert_element_type3A_1430 = arith.extui %eq3A_1429 : i1 to i32
        %cond3A_1431 = arith.constant 0 : i32
        %cond3A_1432 = arith.cmpi ne, %convert_element_type3A_1430, %cond3A_1431 : i32
        scf.if %cond3A_1432 {
          %get3A_1451 = arith.constant 0 : index
          %get3A_1452 = arith.constant 0 : index
          %get3A_1453 = vector.load %arg7[%get3A_1451, %get3A_1452] : memref<1032x512xf32, #tpu.memory_space<vmem>>, vector<1032x512xf32>
          %roll3A = arith.constant 1026 : i32
          %roll3A_1454 = tpu.dynamic_rotate %get3A_1453 by %roll3A dim 0 : vector<1032x512xf32>, i32 -> vector<1032x512xf32>
          %swap3A = arith.constant 0 : index
          %swap3A_1455 = arith.constant 0 : index
          %swap3A_1456 = vector.load %arg11[%swap3A, %swap3A_1455] : memref<1032x512xf32, #tpu.memory_space<vmem>>, vector<1032x512xf32>
          tpu.vector_store %arg11[%swap3A, %swap3A_1455], %roll3A_1454 {strides = array<i32>} : memref<1032x512xf32, #tpu.memory_space<vmem>>, vector<1032x512xf32>,
        } else {
        }
        %eq3A_1433 = arith.constant 7 : i32
        %eq3A_1434 = arith.cmpi eq, %rem3A_1398, %eq3A_1433 : i32
        %convert_element_type3A_1435 = arith.extui %eq3A_1434 : i1 to i32
        %cond3A_1436 = arith.constant 0 : i32
        %cond3A_1437 = arith.cmpi ne, %convert_element_type3A_1435, %cond3A_1436 : i32
        scf.if %cond3A_1437 {
          %get3A_1451 = arith.constant 0 : index
          %get3A_1452 = arith.constant 0 : index
          %get3A_1453 = vector.load %arg7[%get3A_1451, %get3A_1452] : memref<1032x512xf32, #tpu.memory_space<vmem>>, vector<1032x512xf32>
          %roll3A = arith.constant 1025 : i32
          %roll3A_1454 = tpu.dynamic_rotate %get3A_1453 by %roll3A dim 0 : vector<1032x512xf32>, i32 -> vector<1032x512xf32>
          %swap3A = arith.constant 0 : index
          %swap3A_1455 = arith.constant 0 : index
          %swap3A_1456 = vector.load %arg11[%swap3A, %swap3A_1455] : memref<1032x512xf32, #tpu.memory_space<vmem>>, vector<1032x512xf32>
          tpu.vector_store %arg11[%swap3A, %swap3A_1455], %roll3A_1454 {strides = array<i32>} : memref<1032x512xf32, #tpu.memory_space<vmem>>, vector<1032x512xf32>,
        } else {
        }
        %mul3A_1438 = arith.constant 1024 : i32
        %mul3A_1439 = arith.muli %rem3A_1383, %mul3A_1438 : i32
        %add3A_1440 = arith.constant 1024 : i32
        %add3A_1441 = arith.addi %mul3A_1439, %add3A_1440 : i32
        %gt3A = arith.cmpi sgt, %add3A_1441, %min3A_1394 : i32
        %convert_element_type3A_1442 = arith.extui %gt3A : i1 to i32
        %cond3A_1443 = arith.constant 0 : i32
        %cond3A_1444 = arith.cmpi ne, %convert_element_type3A_1442, %cond3A_1443 : i32
        scf.if %cond3A_1444 {
          %iota3A = tpu.iota {dimensions = array<i32: 0>} : vector<1032x512xi32>
          %mul3A_1451 = arith.constant 1024 : i32
          %mul3A_1452 = arith.muli %rem3A_1383, %mul3A_1451 : i32
          %add3A_1453 = vector.broadcast %mul3A_1452 : i32 to vector<1032x512xi32>
          %add3A_1454 = arith.addi %iota3A, %add3A_1453 : vector<1032x512xi32>
          %lt3A_1455 = vector.broadcast %min3A_1394 : i32 to vector<1032x512xi32>
          %lt3A_1456 = arith.cmpi slt, %add3A_1454, %lt3A_1455 : vector<1032x512xi32>
          %get3A_1457 = arith.constant 0 : index
          %get3A_1458 = arith.constant 0 : index
          %get3A_1459 = vector.load %arg11[%get3A_1457, %get3A_1458] : memref<1032x512xf32, #tpu.memory_space<vmem>>, vector<1032x512xf32>
          %jit3A_1460 = arith.constant 0.000000e+00 : f32
          %broadcast_in_dim3A = vector.broadcast %jit3A_1460 : f32 to vector<1032x512xf32>
          %select_n3A_1461 = arith.select %lt3A_1456, %get3A_1459, %broadcast_in_dim3A : vector<1032x512xi1>, vector<1032x512xf32>
          %swap3A = arith.constant 0 : index
          %swap3A_1462 = arith.constant 0 : index
          %swap3A_1463 = vector.load %arg11[%swap3A, %swap3A_1462] : memref<1032x512xf32, #tpu.memory_space<vmem>>, vector<1032x512xf32>
          tpu.vector_store %arg11[%swap3A, %swap3A_1462], %select_n3A_1461 {strides = array<i32>} : memref<1032x512xf32, #tpu.memory_space<vmem>>, vector<1032x512xf32>,
        } else {
        }
        %mul3A_1445 = arith.constant 1024 : i32
        %mul3A_1446 = arith.muli %add3A_1132, %mul3A_1445 : i32
        %multiple_of3A = tpu.assume_multiple %mul3A_1446, 8 : i32
        %dma_start3A = arith.constant 0 : i32
        %dma_start3A_1447 = tpu.memref_slice %arg3[%multiple_of3A, %dma_start3A] : memref<65536x512xf32, #tpu.memory_space<any>> -> memref<1024x512xf32, #tpu.memory_space<any>>
        %dma_start3A_1448 = arith.constant 0 : i32
        %dma_start3A_1449 = arith.constant 0 : i32
        %dma_start3A_1450 = tpu.memref_slice %arg11[%dma_start3A_1448, %dma_start3A_1449] : memref<1032x512xf32, #tpu.memory_space<vmem>> -> memref<1024x512xf32, #tpu.memory_space<vmem>>
        tpu.enqueue_dma source(%dma_start3A_1450 : memref<1024x512xf32, #tpu.memory_space<vmem>>) target(%dma_start3A_1447 : memref<1024x512xf32, #tpu.memory_space<any>>) target_semaphore(%arg19 : memref<!tpu.dma_semaphore, #tpu.memory_space<semaphore_mem>>)
      } else {
      }
      %add3A_1278 = arith.constant 4 : i32
      %add3A_1279 = arith.addi %add3A_1132, %add3A_1278 : i32
      %min3A_1280 = arith.constant 63 : i32
      %min3A_1281 = arith.minsi %add3A_1279, %min3A_1280 : i32
      %add3A_1282 = arith.constant 4 : i32
      %add3A_1283 = arith.addi %add3A_1132, %add3A_1282 : i32
      %lt3A_1284 = arith.constant 64 : i32
      %lt3A_1285 = arith.cmpi slt, %add3A_1283, %lt3A_1284 : i32
      %rem3A_1286 = arith.constant 4 : i32
      %rem3A_1287 = arith.remsi %min3A_1281, %rem3A_1286 : i32
      %jit3A_1288 = arith.constant 4 : i32
      %div3A_1289 = arith.divsi %min3A_1281, %jit3A_1288 : i32
      %sign3A_1290 = arith.constant 0 : i32
      %sign3A_1291 = arith.cmpi sgt, %min3A_1281, %sign3A_1290 : i32
      %sign3A_1292 = arith.extui %sign3A_1291 : i1 to i32
      %sign3A_1293 = arith.constant 0 : i32
      %sign3A_1294 = arith.cmpi slt, %min3A_1281, %sign3A_1293 : i32
      %sign3A_1295 = arith.extui %sign3A_1294 : i1 to i32
      %sign3A_1296 = arith.subi %sign3A_1292, %sign3A_1295 : i32
      %sign3A_1297 = arith.constant 0 : i32
      %sign3A_1298 = arith.cmpi sgt, %jit3A_1288, %sign3A_1297 : i32
      %sign3A_1299 = arith.extui %sign3A_1298 : i1 to i32
      %sign3A_1300 = arith.constant 0 : i32
      %sign3A_1301 = arith.cmpi slt, %jit3A_1288, %sign3A_1300 : i32
      %sign3A_1302 = arith.extui %sign3A_1301 : i1 to i32
      %sign3A_1303 = arith.subi %sign3A_1299, %sign3A_1302 : i32
      %ne3A_1304 = arith.cmpi ne, %sign3A_1296, %sign3A_1303 : i32
      %rem3A_1305 = arith.remsi %min3A_1281, %jit3A_1288 : i32
      %ne3A_1306 = arith.constant 0 : i32
      %ne3A_1307 = arith.cmpi ne, %rem3A_1305, %ne3A_1306 : i32
      %and3A_1308 = arith.andi %ne3A_1304, %ne3A_1307 : i1
      %sub3A_1309 = arith.constant 1 : i32
      %sub3A_1310 = arith.subi %div3A_1289, %sub3A_1309 : i32
      %select_n3A_1311 = arith.select %and3A_1308, %sub3A_1310, %div3A_1289 : i32
      %add3A_1312 = arith.constant 1 : i32
      %add3A_1313 = arith.addi %select_n3A_1311, %add3A_1312 : i32
      %get3A_1314 = arith.index_cast %add3A_1313 : i32 to index
      %get3A_1315 = memref.load %arg0[%get3A_1314] : memref<17xi32, #tpu.memory_space<smem>>
      %get3A_1316 = arith.index_cast %select_n3A_1311 : i32 to index
      %get3A_1317 = memref.load %arg0[%get3A_1316] : memref<17xi32, #tpu.memory_space<smem>>
      %sub3A_1318 = arith.subi %get3A_1315, %get3A_1317 : i32
      %jit3A_1319 = arith.constant 0 : i32
      %jit3A_1320 = arith.constant 4096 : i32
      %max3A_1321 = arith.maxsi %jit3A_1319, %sub3A_1318 : i32
      %min3A_1322 = arith.minsi %jit3A_1320, %max3A_1321 : i32
      %add3A_1323 = arith.constant 1024 : i32
      %add3A_1324 = arith.addi %min3A_1322, %add3A_1323 : i32
      %sub3A_1325 = arith.constant 1 : i32
      %sub3A_1326 = arith.subi %add3A_1324, %sub3A_1325 : i32
      %jit3A_1327 = arith.constant 1024 : i32
      %div3A_1328 = arith.divsi %sub3A_1326, %jit3A_1327 : i32
      %sign3A_1329 = arith.constant 0 : i32
      %sign3A_1330 = arith.cmpi sgt, %sub3A_1326, %sign3A_1329 : i32
      %sign3A_1331 = arith.extui %sign3A_1330 : i1 to i32
      %sign3A_1332 = arith.constant 0 : i32
      %sign3A_1333 = arith.cmpi slt, %sub3A_1326, %sign3A_1332 : i32
      %sign3A_1334 = arith.extui %sign3A_1333 : i1 to i32
      %sign3A_1335 = arith.subi %sign3A_1331, %sign3A_1334 : i32
      %sign3A_1336 = arith.constant 0 : i32
      %sign3A_1337 = arith.cmpi sgt, %jit3A_1327, %sign3A_1336 : i32
      %sign3A_1338 = arith.extui %sign3A_1337 : i1 to i32
      %sign3A_1339 = arith.constant 0 : i32
      %sign3A_1340 = arith.cmpi slt, %jit3A_1327, %sign3A_1339 : i32
      %sign3A_1341 = arith.extui %sign3A_1340 : i1 to i32
      %sign3A_1342 = arith.subi %sign3A_1338, %sign3A_1341 : i32
      %ne3A_1343 = arith.cmpi ne, %sign3A_1335, %sign3A_1342 : i32
      %rem3A_1344 = arith.remsi %sub3A_1326, %jit3A_1327 : i32
      %ne3A_1345 = arith.constant 0 : i32
      %ne3A_1346 = arith.cmpi ne, %rem3A_1344, %ne3A_1345 : i32
      %and3A_1347 = arith.andi %ne3A_1343, %ne3A_1346 : i1
      %sub3A_1348 = arith.constant 1 : i32
      %sub3A_1349 = arith.subi %div3A_1328, %sub3A_1348 : i32
      %select_n3A_1350 = arith.select %and3A_1347, %sub3A_1349, %div3A_1328 : i32
      %lt3A_1351 = arith.cmpi slt, %rem3A_1287, %select_n3A_1350 : i32
      %and3A_1352 = arith.andi %lt3A_1285, %lt3A_1351 : i1
      %convert_element_type3A_1353 = arith.extui %and3A_1352 : i1 to i32
      %cond3A_1354 = arith.constant 0 : i32
      %cond3A_1355 = arith.cmpi ne, %convert_element_type3A_1353, %cond3A_1354 : i32
      scf.if %cond3A_1355 {
        %jit3A_1356 = arith.constant 4 : i32
        %div3A_1357 = arith.divsi %min3A_1281, %jit3A_1356 : i32
        %sign3A_1358 = arith.constant 0 : i32
        %sign3A_1359 = arith.cmpi sgt, %min3A_1281, %sign3A_1358 : i32
        %sign3A_1360 = arith.extui %sign3A_1359 : i1 to i32
        %sign3A_1361 = arith.constant 0 : i32
        %sign3A_1362 = arith.cmpi slt, %min3A_1281, %sign3A_1361 : i32
        %sign3A_1363 = arith.extui %sign3A_1362 : i1 to i32
        %sign3A_1364 = arith.subi %sign3A_1360, %sign3A_1363 : i32
        %sign3A_1365 = arith.constant 0 : i32
        %sign3A_1366 = arith.cmpi sgt, %jit3A_1356, %sign3A_1365 : i32
        %sign3A_1367 = arith.extui %sign3A_1366 : i1 to i32
        %sign3A_1368 = arith.constant 0 : i32
        %sign3A_1369 = arith.cmpi slt, %jit3A_1356, %sign3A_1368 : i32
        %sign3A_1370 = arith.extui %sign3A_1369 : i1 to i32
        %sign3A_1371 = arith.subi %sign3A_1367, %sign3A_1370 : i32
        %ne3A_1372 = arith.cmpi ne, %sign3A_1364, %sign3A_1371 : i32
        %rem3A_1373 = arith.remsi %min3A_1281, %jit3A_1356 : i32
        %ne3A_1374 = arith.constant 0 : i32
        %ne3A_1375 = arith.cmpi ne, %rem3A_1373, %ne3A_1374 : i32
        %and3A_1376 = arith.andi %ne3A_1372, %ne3A_1375 : i1
        %sub3A_1377 = arith.constant 1 : i32
        %sub3A_1378 = arith.subi %div3A_1357, %sub3A_1377 : i32
        %select_n3A_1379 = arith.select %and3A_1376, %sub3A_1378, %div3A_1357 : i32
        %mul3A_1380 = arith.constant 4160 : i32
        %mul3A_1381 = arith.muli %select_n3A_1379, %mul3A_1380 : i32
        %rem3A_1382 = arith.constant 4 : i32
        %rem3A_1383 = arith.remsi %min3A_1281, %rem3A_1382 : i32
        %mul3A_1384 = arith.constant 1024 : i32
        %mul3A_1385 = arith.muli %rem3A_1383, %mul3A_1384 : i32
        %add3A_1386 = arith.addi %mul3A_1381, %mul3A_1385 : i32
        %multiple_of3A = tpu.assume_multiple %add3A_1386, 8 : i32
        %dma_start3A = arith.constant 0 : i32
        %dma_start3A_1387 = tpu.memref_slice %arg1[%multiple_of3A, %dma_start3A] : memref<66560x512xf32, #tpu.memory_space<any>> -> memref<1032x512xf32, #tpu.memory_space<any>>
        tpu.enqueue_dma source(%dma_start3A_1387 : memref<1032x512xf32, #tpu.memory_space<any>>) target(%arg7 : memref<1032x512xf32, #tpu.memory_space<vmem>>) target_semaphore(%arg15 : memref<!tpu.dma_semaphore, #tpu.memory_space<semaphore_mem>>)
      } else {
      }
    }
    %scan3A_164 = arith.constant 16 : i32
    %rem3A_165 = arith.constant 60 : i32
    %rem3A_166 = arith.constant 4 : i32
    %rem3A_167 = arith.remsi %rem3A_165, %rem3A_166 : i32
    %jit3A_168 = arith.constant 60 : i32
    %jit3A_169 = arith.constant 4 : i32
    %div3A_170 = arith.divsi %jit3A_168, %jit3A_169 : i32
    %sign3A_171 = arith.constant 0 : i32
    %sign3A_172 = arith.cmpi sgt, %jit3A_168, %sign3A_171 : i32
    %sign3A_173 = arith.extui %sign3A_172 : i1 to i32
    %sign3A_174 = arith.constant 0 : i32
    %sign3A_175 = arith.cmpi slt, %jit3A_168, %sign3A_174 : i32
    %sign3A_176 = arith.extui %sign3A_175 : i1 to i32
    %sign3A_177 = arith.subi %sign3A_173, %sign3A_176 : i32
    %sign3A_178 = arith.constant 0 : i32
    %sign3A_179 = arith.cmpi sgt, %jit3A_169, %sign3A_178 : i32
    %sign3A_180 = arith.extui %sign3A_179 : i1 to i32
    %sign3A_181 = arith.constant 0 : i32
    %sign3A_182 = arith.cmpi slt, %jit3A_169, %sign3A_181 : i32
    %sign3A_183 = arith.extui %sign3A_182 : i1 to i32
    %sign3A_184 = arith.subi %sign3A_180, %sign3A_183 : i32
    %ne3A_185 = arith.cmpi ne, %sign3A_177, %sign3A_184 : i32
    %rem3A_186 = arith.remsi %jit3A_168, %jit3A_169 : i32
    %ne3A_187 = arith.constant 0 : i32
    %ne3A_188 = arith.cmpi ne, %rem3A_186, %ne3A_187 : i32
    %and3A_189 = arith.andi %ne3A_185, %ne3A_188 : i1
    %sub3A_190 = arith.constant 1 : i32
    %sub3A_191 = arith.subi %div3A_170, %sub3A_190 : i32
    %select_n3A_192 = arith.select %and3A_189, %sub3A_191, %div3A_170 : i32
    %add3A_193 = arith.constant 1 : i32
    %add3A_194 = arith.addi %select_n3A_192, %add3A_193 : i32
    %get3A_195 = arith.index_cast %add3A_194 : i32 to index
    %get3A_196 = memref.load %arg0[%get3A_195] : memref<17xi32, #tpu.memory_space<smem>>
    %get3A_197 = arith.index_cast %select_n3A_192 : i32 to index
    %get3A_198 = memref.load %arg0[%get3A_197] : memref<17xi32, #tpu.memory_space<smem>>
    %sub3A_199 = arith.subi %get3A_196, %get3A_198 : i32
    %jit3A_200 = arith.constant 0 : i32
    %jit3A_201 = arith.constant 4096 : i32
    %max3A_202 = arith.maxsi %jit3A_200, %sub3A_199 : i32
    %min3A_203 = arith.minsi %jit3A_201, %max3A_202 : i32
    %add3A_204 = arith.constant 1024 : i32
    %add3A_205 = arith.addi %min3A_203, %add3A_204 : i32
    %sub3A_206 = arith.constant 1 : i32
    %sub3A_207 = arith.subi %add3A_205, %sub3A_206 : i32
    %jit3A_208 = arith.constant 1024 : i32
    %div3A_209 = arith.divsi %sub3A_207, %jit3A_208 : i32
    %sign3A_210 = arith.constant 0 : i32
    %sign3A_211 = arith.cmpi sgt, %sub3A_207, %sign3A_210 : i32
    %sign3A_212 = arith.extui %sign3A_211 : i1 to i32
    %sign3A_213 = arith.constant 0 : i32
    %sign3A_214 = arith.cmpi slt, %sub3A_207, %sign3A_213 : i32
    %sign3A_215 = arith.extui %sign3A_214 : i1 to i32
    %sign3A_216 = arith.subi %sign3A_212, %sign3A_215 : i32
    %sign3A_217 = arith.constant 0 : i32
    %sign3A_218 = arith.cmpi sgt, %jit3A_208, %sign3A_217 : i32
    %sign3A_219 = arith.extui %sign3A_218 : i1 to i32
    %sign3A_220 = arith.constant 0 : i32
    %sign3A_221 = arith.cmpi slt, %jit3A_208, %sign3A_220 : i32
    %sign3A_222 = arith.extui %sign3A_221 : i1 to i32
    %sign3A_223 = arith.subi %sign3A_219, %sign3A_222 : i32
    %ne3A_224 = arith.cmpi ne, %sign3A_216, %sign3A_223 : i32
    %rem3A_225 = arith.remsi %sub3A_207, %jit3A_208 : i32
    %ne3A_226 = arith.constant 0 : i32
    %ne3A_227 = arith.cmpi ne, %rem3A_225, %ne3A_226 : i32
    %and3A_228 = arith.andi %ne3A_224, %ne3A_227 : i1
    %sub3A_229 = arith.constant 1 : i32
    %sub3A_230 = arith.subi %div3A_209, %sub3A_229 : i32
    %select_n3A_231 = arith.select %and3A_228, %sub3A_230, %div3A_209 : i32
    %lt3A_232 = arith.cmpi slt, %rem3A_167, %select_n3A_231 : i32
    %convert_element_type3A_233 = arith.extui %lt3A_232 : i1 to i32
    %cond3A_234 = arith.constant 0 : i32
    %cond3A_235 = arith.cmpi ne, %convert_element_type3A_233, %cond3A_234 : i32
    scf.if %cond3A_235 {
      %dma_wait3A = arith.constant 0 : i32
      %dma_wait3A_449 = arith.constant 0 : i32
      %dma_wait3A_450 = tpu.memref_slice %arg3[%dma_wait3A, %dma_wait3A_449] : memref<65536x512xf32, #tpu.memory_space<any>> -> memref<1024x512xf32, #tpu.memory_space<any>>
      %dma_wait3A_451 = arith.constant 0 : i32
      %dma_wait3A_452 = arith.constant 0 : i32
      %dma_wait3A_453 = tpu.memref_slice %arg8[%dma_wait3A_451, %dma_wait3A_452] : memref<1032x512xf32, #tpu.memory_space<vmem>> -> memref<1024x512xf32, #tpu.memory_space<vmem>>
      tpu.wait_dma2 semaphore(%arg16 : memref<!tpu.dma_semaphore, #tpu.memory_space<semaphore_mem>>) src(%dma_wait3A_453 : memref<1024x512xf32, #tpu.memory_space<vmem>>) dst(%dma_wait3A_450 : memref<1024x512xf32, #tpu.memory_space<any>>)
    } else {
    }
    %rem3A_236 = arith.constant 61 : i32
    %rem3A_237 = arith.constant 4 : i32
    %rem3A_238 = arith.remsi %rem3A_236, %rem3A_237 : i32
    %jit3A_239 = arith.constant 61 : i32
    %jit3A_240 = arith.constant 4 : i32
    %div3A_241 = arith.divsi %jit3A_239, %jit3A_240 : i32
    %sign3A_242 = arith.constant 0 : i32
    %sign3A_243 = arith.cmpi sgt, %jit3A_239, %sign3A_242 : i32
    %sign3A_244 = arith.extui %sign3A_243 : i1 to i32
    %sign3A_245 = arith.constant 0 : i32
    %sign3A_246 = arith.cmpi slt, %jit3A_239, %sign3A_245 : i32
    %sign3A_247 = arith.extui %sign3A_246 : i1 to i32
    %sign3A_248 = arith.subi %sign3A_244, %sign3A_247 : i32
    %sign3A_249 = arith.constant 0 : i32
    %sign3A_250 = arith.cmpi sgt, %jit3A_240, %sign3A_249 : i32
    %sign3A_251 = arith.extui %sign3A_250 : i1 to i32
    %sign3A_252 = arith.constant 0 : i32
    %sign3A_253 = arith.cmpi slt, %jit3A_240, %sign3A_252 : i32
    %sign3A_254 = arith.extui %sign3A_253 : i1 to i32
    %sign3A_255 = arith.subi %sign3A_251, %sign3A_254 : i32
    %ne3A_256 = arith.cmpi ne, %sign3A_248, %sign3A_255 : i32
    %rem3A_257 = arith.remsi %jit3A_239, %jit3A_240 : i32
    %ne3A_258 = arith.constant 0 : i32
    %ne3A_259 = arith.cmpi ne, %rem3A_257, %ne3A_258 : i32
    %and3A_260 = arith.andi %ne3A_256, %ne3A_259 : i1
    %sub3A_261 = arith.constant 1 : i32
    %sub3A_262 = arith.subi %div3A_241, %sub3A_261 : i32
    %select_n3A_263 = arith.select %and3A_260, %sub3A_262, %div3A_241 : i32
    %add3A_264 = arith.constant 1 : i32
    %add3A_265 = arith.addi %select_n3A_263, %add3A_264 : i32
    %get3A_266 = arith.index_cast %add3A_265 : i32 to index
    %get3A_267 = memref.load %arg0[%get3A_266] : memref<17xi32, #tpu.memory_space<smem>>
    %get3A_268 = arith.index_cast %select_n3A_263 : i32 to index
    %get3A_269 = memref.load %arg0[%get3A_268] : memref<17xi32, #tpu.memory_space<smem>>
    %sub3A_270 = arith.subi %get3A_267, %get3A_269 : i32
    %jit3A_271 = arith.constant 0 : i32
    %jit3A_272 = arith.constant 4096 : i32
    %max3A_273 = arith.maxsi %jit3A_271, %sub3A_270 : i32
    %min3A_274 = arith.minsi %jit3A_272, %max3A_273 : i32
    %add3A_275 = arith.constant 1024 : i32
    %add3A_276 = arith.addi %min3A_274, %add3A_275 : i32
    %sub3A_277 = arith.constant 1 : i32
    %sub3A_278 = arith.subi %add3A_276, %sub3A_277 : i32
    %jit3A_279 = arith.constant 1024 : i32
    %div3A_280 = arith.divsi %sub3A_278, %jit3A_279 : i32
    %sign3A_281 = arith.constant 0 : i32
    %sign3A_282 = arith.cmpi sgt, %sub3A_278, %sign3A_281 : i32
    %sign3A_283 = arith.extui %sign3A_282 : i1 to i32
    %sign3A_284 = arith.constant 0 : i32
    %sign3A_285 = arith.cmpi slt, %sub3A_278, %sign3A_284 : i32
    %sign3A_286 = arith.extui %sign3A_285 : i1 to i32
    %sign3A_287 = arith.subi %sign3A_283, %sign3A_286 : i32
    %sign3A_288 = arith.constant 0 : i32
    %sign3A_289 = arith.cmpi sgt, %jit3A_279, %sign3A_288 : i32
    %sign3A_290 = arith.extui %sign3A_289 : i1 to i32
    %sign3A_291 = arith.constant 0 : i32
    %sign3A_292 = arith.cmpi slt, %jit3A_279, %sign3A_291 : i32
    %sign3A_293 = arith.extui %sign3A_292 : i1 to i32
    %sign3A_294 = arith.subi %sign3A_290, %sign3A_293 : i32
    %ne3A_295 = arith.cmpi ne, %sign3A_287, %sign3A_294 : i32
    %rem3A_296 = arith.remsi %sub3A_278, %jit3A_279 : i32
    %ne3A_297 = arith.constant 0 : i32
    %ne3A_298 = arith.cmpi ne, %rem3A_296, %ne3A_297 : i32
    %and3A_299 = arith.andi %ne3A_295, %ne3A_298 : i1
    %sub3A_300 = arith.constant 1 : i32
    %sub3A_301 = arith.subi %div3A_280, %sub3A_300 : i32
    %select_n3A_302 = arith.select %and3A_299, %sub3A_301, %div3A_280 : i32
    %lt3A_303 = arith.cmpi slt, %rem3A_238, %select_n3A_302 : i32
    %convert_element_type3A_304 = arith.extui %lt3A_303 : i1 to i32
    %cond3A_305 = arith.constant 0 : i32
    %cond3A_306 = arith.cmpi ne, %convert_element_type3A_304, %cond3A_305 : i32
    scf.if %cond3A_306 {
      %dma_wait3A = arith.constant 0 : i32
      %dma_wait3A_449 = arith.constant 0 : i32
      %dma_wait3A_450 = tpu.memref_slice %arg3[%dma_wait3A, %dma_wait3A_449] : memref<65536x512xf32, #tpu.memory_space<any>> -> memref<1024x512xf32, #tpu.memory_space<any>>
      %dma_wait3A_451 = arith.constant 0 : i32
      %dma_wait3A_452 = arith.constant 0 : i32
      %dma_wait3A_453 = tpu.memref_slice %arg9[%dma_wait3A_451, %dma_wait3A_452] : memref<1032x512xf32, #tpu.memory_space<vmem>> -> memref<1024x512xf32, #tpu.memory_space<vmem>>
      tpu.wait_dma2 semaphore(%arg17 : memref<!tpu.dma_semaphore, #tpu.memory_space<semaphore_mem>>) src(%dma_wait3A_453 : memref<1024x512xf32, #tpu.memory_space<vmem>>) dst(%dma_wait3A_450 : memref<1024x512xf32, #tpu.memory_space<any>>)
    } else {
    }
    %rem3A_307 = arith.constant 62 : i32
    %rem3A_308 = arith.constant 4 : i32
    %rem3A_309 = arith.remsi %rem3A_307, %rem3A_308 : i32
    %jit3A_310 = arith.constant 62 : i32
    %jit3A_311 = arith.constant 4 : i32
    %div3A_312 = arith.divsi %jit3A_310, %jit3A_311 : i32
    %sign3A_313 = arith.constant 0 : i32
    %sign3A_314 = arith.cmpi sgt, %jit3A_310, %sign3A_313 : i32
    %sign3A_315 = arith.extui %sign3A_314 : i1 to i32
    %sign3A_316 = arith.constant 0 : i32
    %sign3A_317 = arith.cmpi slt, %jit3A_310, %sign3A_316 : i32
    %sign3A_318 = arith.extui %sign3A_317 : i1 to i32
    %sign3A_319 = arith.subi %sign3A_315, %sign3A_318 : i32
    %sign3A_320 = arith.constant 0 : i32
    %sign3A_321 = arith.cmpi sgt, %jit3A_311, %sign3A_320 : i32
    %sign3A_322 = arith.extui %sign3A_321 : i1 to i32
    %sign3A_323 = arith.constant 0 : i32
    %sign3A_324 = arith.cmpi slt, %jit3A_311, %sign3A_323 : i32
    %sign3A_325 = arith.extui %sign3A_324 : i1 to i32
    %sign3A_326 = arith.subi %sign3A_322, %sign3A_325 : i32
    %ne3A_327 = arith.cmpi ne, %sign3A_319, %sign3A_326 : i32
    %rem3A_328 = arith.remsi %jit3A_310, %jit3A_311 : i32
    %ne3A_329 = arith.constant 0 : i32
    %ne3A_330 = arith.cmpi ne, %rem3A_328, %ne3A_329 : i32
    %and3A_331 = arith.andi %ne3A_327, %ne3A_330 : i1
    %sub3A_332 = arith.constant 1 : i32
    %sub3A_333 = arith.subi %div3A_312, %sub3A_332 : i32
    %select_n3A_334 = arith.select %and3A_331, %sub3A_333, %div3A_312 : i32
    %add3A_335 = arith.constant 1 : i32
    %add3A_336 = arith.addi %select_n3A_334, %add3A_335 : i32
    %get3A_337 = arith.index_cast %add3A_336 : i32 to index
    %get3A_338 = memref.load %arg0[%get3A_337] : memref<17xi32, #tpu.memory_space<smem>>
    %get3A_339 = arith.index_cast %select_n3A_334 : i32 to index
    %get3A_340 = memref.load %arg0[%get3A_339] : memref<17xi32, #tpu.memory_space<smem>>
    %sub3A_341 = arith.subi %get3A_338, %get3A_340 : i32
    %jit3A_342 = arith.constant 0 : i32
    %jit3A_343 = arith.constant 4096 : i32
    %max3A_344 = arith.maxsi %jit3A_342, %sub3A_341 : i32
    %min3A_345 = arith.minsi %jit3A_343, %max3A_344 : i32
    %add3A_346 = arith.constant 1024 : i32
    %add3A_347 = arith.addi %min3A_345, %add3A_346 : i32
    %sub3A_348 = arith.constant 1 : i32
    %sub3A_349 = arith.subi %add3A_347, %sub3A_348 : i32
    %jit3A_350 = arith.constant 1024 : i32
    %div3A_351 = arith.divsi %sub3A_349, %jit3A_350 : i32
    %sign3A_352 = arith.constant 0 : i32
    %sign3A_353 = arith.cmpi sgt, %sub3A_349, %sign3A_352 : i32
    %sign3A_354 = arith.extui %sign3A_353 : i1 to i32
    %sign3A_355 = arith.constant 0 : i32
    %sign3A_356 = arith.cmpi slt, %sub3A_349, %sign3A_355 : i32
    %sign3A_357 = arith.extui %sign3A_356 : i1 to i32
    %sign3A_358 = arith.subi %sign3A_354, %sign3A_357 : i32
    %sign3A_359 = arith.constant 0 : i32
    %sign3A_360 = arith.cmpi sgt, %jit3A_350, %sign3A_359 : i32
    %sign3A_361 = arith.extui %sign3A_360 : i1 to i32
    %sign3A_362 = arith.constant 0 : i32
    %sign3A_363 = arith.cmpi slt, %jit3A_350, %sign3A_362 : i32
    %sign3A_364 = arith.extui %sign3A_363 : i1 to i32
    %sign3A_365 = arith.subi %sign3A_361, %sign3A_364 : i32
    %ne3A_366 = arith.cmpi ne, %sign3A_358, %sign3A_365 : i32
    %rem3A_367 = arith.remsi %sub3A_349, %jit3A_350 : i32
    %ne3A_368 = arith.constant 0 : i32
    %ne3A_369 = arith.cmpi ne, %rem3A_367, %ne3A_368 : i32
    %and3A_370 = arith.andi %ne3A_366, %ne3A_369 : i1
    %sub3A_371 = arith.constant 1 : i32
    %sub3A_372 = arith.subi %div3A_351, %sub3A_371 : i32
    %select_n3A_373 = arith.select %and3A_370, %sub3A_372, %div3A_351 : i32
    %lt3A_374 = arith.cmpi slt, %rem3A_309, %select_n3A_373 : i32
    %convert_element_type3A_375 = arith.extui %lt3A_374 : i1 to i32
    %cond3A_376 = arith.constant 0 : i32
    %cond3A_377 = arith.cmpi ne, %convert_element_type3A_375, %cond3A_376 : i32
    scf.if %cond3A_377 {
      %dma_wait3A = arith.constant 0 : i32
      %dma_wait3A_449 = arith.constant 0 : i32
      %dma_wait3A_450 = tpu.memref_slice %arg3[%dma_wait3A, %dma_wait3A_449] : memref<65536x512xf32, #tpu.memory_space<any>> -> memref<1024x512xf32, #tpu.memory_space<any>>
      %dma_wait3A_451 = arith.constant 0 : i32
      %dma_wait3A_452 = arith.constant 0 : i32
      %dma_wait3A_453 = tpu.memref_slice %arg10[%dma_wait3A_451, %dma_wait3A_452] : memref<1032x512xf32, #tpu.memory_space<vmem>> -> memref<1024x512xf32, #tpu.memory_space<vmem>>
      tpu.wait_dma2 semaphore(%arg18 : memref<!tpu.dma_semaphore, #tpu.memory_space<semaphore_mem>>) src(%dma_wait3A_453 : memref<1024x512xf32, #tpu.memory_space<vmem>>) dst(%dma_wait3A_450 : memref<1024x512xf32, #tpu.memory_space<any>>)
    } else {
    }
    %rem3A_378 = arith.constant 63 : i32
    %rem3A_379 = arith.constant 4 : i32
    %rem3A_380 = arith.remsi %rem3A_378, %rem3A_379 : i32
    %jit3A_381 = arith.constant 63 : i32
    %jit3A_382 = arith.constant 4 : i32
    %div3A_383 = arith.divsi %jit3A_381, %jit3A_382 : i32
    %sign3A_384 = arith.constant 0 : i32
    %sign3A_385 = arith.cmpi sgt, %jit3A_381, %sign3A_384 : i32
    %sign3A_386 = arith.extui %sign3A_385 : i1 to i32
    %sign3A_387 = arith.constant 0 : i32
    %sign3A_388 = arith.cmpi slt, %jit3A_381, %sign3A_387 : i32
    %sign3A_389 = arith.extui %sign3A_388 : i1 to i32
    %sign3A_390 = arith.subi %sign3A_386, %sign3A_389 : i32
    %sign3A_391 = arith.constant 0 : i32
    %sign3A_392 = arith.cmpi sgt, %jit3A_382, %sign3A_391 : i32
    %sign3A_393 = arith.extui %sign3A_392 : i1 to i32
    %sign3A_394 = arith.constant 0 : i32
    %sign3A_395 = arith.cmpi slt, %jit3A_382, %sign3A_394 : i32
    %sign3A_396 = arith.extui %sign3A_395 : i1 to i32
    %sign3A_397 = arith.subi %sign3A_393, %sign3A_396 : i32
    %ne3A_398 = arith.cmpi ne, %sign3A_390, %sign3A_397 : i32
    %rem3A_399 = arith.remsi %jit3A_381, %jit3A_382 : i32
    %ne3A_400 = arith.constant 0 : i32
    %ne3A_401 = arith.cmpi ne, %rem3A_399, %ne3A_400 : i32
    %and3A_402 = arith.andi %ne3A_398, %ne3A_401 : i1
    %sub3A_403 = arith.constant 1 : i32
    %sub3A_404 = arith.subi %div3A_383, %sub3A_403 : i32
    %select_n3A_405 = arith.select %and3A_402, %sub3A_404, %div3A_383 : i32
    %add3A_406 = arith.constant 1 : i32
    %add3A_407 = arith.addi %select_n3A_405, %add3A_406 : i32
    %get3A_408 = arith.index_cast %add3A_407 : i32 to index
    %get3A_409 = memref.load %arg0[%get3A_408] : memref<17xi32, #tpu.memory_space<smem>>
    %get3A_410 = arith.index_cast %select_n3A_405 : i32 to index
    %get3A_411 = memref.load %arg0[%get3A_410] : memref<17xi32, #tpu.memory_space<smem>>
    %sub3A_412 = arith.subi %get3A_409, %get3A_411 : i32
    %jit3A_413 = arith.constant 0 : i32
    %jit3A_414 = arith.constant 4096 : i32
    %max3A_415 = arith.maxsi %jit3A_413, %sub3A_412 : i32
    %min3A_416 = arith.minsi %jit3A_414, %max3A_415 : i32
    %add3A_417 = arith.constant 1024 : i32
    %add3A_418 = arith.addi %min3A_416, %add3A_417 : i32
    %sub3A_419 = arith.constant 1 : i32
    %sub3A_420 = arith.subi %add3A_418, %sub3A_419 : i32
    %jit3A_421 = arith.constant 1024 : i32
    %div3A_422 = arith.divsi %sub3A_420, %jit3A_421 : i32
    %sign3A_423 = arith.constant 0 : i32
    %sign3A_424 = arith.cmpi sgt, %sub3A_420, %sign3A_423 : i32
    %sign3A_425 = arith.extui %sign3A_424 : i1 to i32
    %sign3A_426 = arith.constant 0 : i32
    %sign3A_427 = arith.cmpi slt, %sub3A_420, %sign3A_426 : i32
    %sign3A_428 = arith.extui %sign3A_427 : i1 to i32
    %sign3A_429 = arith.subi %sign3A_425, %sign3A_428 : i32
    %sign3A_430 = arith.constant 0 : i32
    %sign3A_431 = arith.cmpi sgt, %jit3A_421, %sign3A_430 : i32
    %sign3A_432 = arith.extui %sign3A_431 : i1 to i32
    %sign3A_433 = arith.constant 0 : i32
    %sign3A_434 = arith.cmpi slt, %jit3A_421, %sign3A_433 : i32
    %sign3A_435 = arith.extui %sign3A_434 : i1 to i32
    %sign3A_436 = arith.subi %sign3A_432, %sign3A_435 : i32
    %ne3A_437 = arith.cmpi ne, %sign3A_429, %sign3A_436 : i32
    %rem3A_438 = arith.remsi %sub3A_420, %jit3A_421 : i32
    %ne3A_439 = arith.constant 0 : i32
    %ne3A_440 = arith.cmpi ne, %rem3A_438, %ne3A_439 : i32
    %and3A_441 = arith.andi %ne3A_437, %ne3A_440 : i1
    %sub3A_442 = arith.constant 1 : i32
    %sub3A_443 = arith.subi %div3A_422, %sub3A_442 : i32
    %select_n3A_444 = arith.select %and3A_441, %sub3A_443, %div3A_422 : i32
    %lt3A_445 = arith.cmpi slt, %rem3A_380, %select_n3A_444 : i32
    %convert_element_type3A_446 = arith.extui %lt3A_445 : i1 to i32
    %cond3A_447 = arith.constant 0 : i32
    %cond3A_448 = arith.cmpi ne, %convert_element_type3A_446, %cond3A_447 : i32
    scf.if %cond3A_448 {
      %dma_wait3A = arith.constant 0 : i32
      %dma_wait3A_449 = arith.constant 0 : i32
      %dma_wait3A_450 = tpu.memref_slice %arg3[%dma_wait3A, %dma_wait3A_449] : memref<65536x512xf32, #tpu.memory_space<any>> -> memref<1024x512xf32, #tpu.memory_space<any>>
      %dma_wait3A_451 = arith.constant 0 : i32
      %dma_wait3A_452 = arith.constant 0 : i32
      %dma_wait3A_453 = tpu.memref_slice %arg11[%dma_wait3A_451, %dma_wait3A_452] : memref<1032x512xf32, #tpu.memory_space<vmem>> -> memref<1024x512xf32, #tpu.memory_space<vmem>>
      tpu.wait_dma2 semaphore(%arg19 : memref<!tpu.dma_semaphore, #tpu.memory_space<semaphore_mem>>) src(%dma_wait3A_453 : memref<1024x512xf32, #tpu.memory_space<vmem>>) dst(%dma_wait3A_450 : memref<1024x512xf32, #tpu.memory_space<any>>)
    } else {
    }
    return
  }
}

module attributes {stable_mosaic.version = 14 : i64} {
  func.func @_tc_zero(%arg0: memref<17xi32, #tpu.memory_space<smem>>, %arg1: memref<65536x512xf32, #tpu.memory_space<any>>, %arg2: memref<1024x512xf32, #tpu.memory_space<vmem>>, %arg3: memref<!tpu.dma_semaphore, #tpu.memory_space<semaphore_mem>>) attributes {dimension_semantics = [], scalar_prefetch = 0 : i64, scratch_operands = 2 : i64, tpu.core_type = #tpu.core_type<tc>} {
    %broadcast_in_dim3A = arith.constant 0.000000e+00 : f32
    %broadcast_in_dim3A_0 = vector.broadcast %broadcast_in_dim3A : f32 to vector<1024x512xf32>
    %swap3A = arith.constant 0 : index
    %swap3A_1 = arith.constant 0 : index
    %swap3A_2 = vector.load %arg2[%swap3A, %swap3A_1] : memref<1024x512xf32, #tpu.memory_space<vmem>>, vector<1024x512xf32>
    tpu.vector_store %arg2[%swap3A, %swap3A_1], %broadcast_in_dim3A_0 {strides = array<i32>} : memref<1024x512xf32, #tpu.memory_space<vmem>>, vector<1024x512xf32>,
    %get3A = arith.constant 1 : index
    %get3A_3 = memref.load %arg0[%get3A] : memref<17xi32, #tpu.memory_space<smem>>
    %get3A_4 = arith.constant 0 : index
    %get3A_5 = memref.load %arg0[%get3A_4] : memref<17xi32, #tpu.memory_space<smem>>
    %sub3A = arith.subi %get3A_3, %get3A_5 : i32
    %jit3A = arith.constant 0 : i32
    %jit3A_6 = arith.constant 4096 : i32
    %max3A = arith.maxsi %jit3A, %sub3A : i32
    %min3A = arith.minsi %jit3A_6, %max3A : i32
    %add3A = arith.constant 1024 : i32
    %add3A_7 = arith.addi %min3A, %add3A : i32
    %sub3A_8 = arith.constant 1 : i32
    %sub3A_9 = arith.subi %add3A_7, %sub3A_8 : i32
    %jit3A_10 = arith.constant 1024 : i32
    %div3A = arith.divsi %sub3A_9, %jit3A_10 : i32
    %sign3A = arith.constant 0 : i32
    %sign3A_11 = arith.cmpi sgt, %sub3A_9, %sign3A : i32
    %sign3A_12 = arith.extui %sign3A_11 : i1 to i32
    %sign3A_13 = arith.constant 0 : i32
    %sign3A_14 = arith.cmpi slt, %sub3A_9, %sign3A_13 : i32
    %sign3A_15 = arith.extui %sign3A_14 : i1 to i32
    %sign3A_16 = arith.subi %sign3A_12, %sign3A_15 : i32
    %sign3A_17 = arith.constant 0 : i32
    %sign3A_18 = arith.cmpi sgt, %jit3A_10, %sign3A_17 : i32
    %sign3A_19 = arith.extui %sign3A_18 : i1 to i32
    %sign3A_20 = arith.constant 0 : i32
    %sign3A_21 = arith.cmpi slt, %jit3A_10, %sign3A_20 : i32
    %sign3A_22 = arith.extui %sign3A_21 : i1 to i32
    %sign3A_23 = arith.subi %sign3A_19, %sign3A_22 : i32
    %ne3A = arith.cmpi ne, %sign3A_16, %sign3A_23 : i32
    %rem3A = arith.remsi %sub3A_9, %jit3A_10 : i32
    %ne3A_24 = arith.constant 0 : i32
    %ne3A_25 = arith.cmpi ne, %rem3A, %ne3A_24 : i32
    %and3A = arith.andi %ne3A, %ne3A_25 : i1
    %sub3A_26 = arith.constant 1 : i32
    %sub3A_27 = arith.subi %div3A, %sub3A_26 : i32
    %select_n3A = arith.select %and3A, %sub3A_27, %div3A : i32
    %while3A = arith.constant 0 : i32
    %while3A_28 = arith.constant 4 : i32
    %while3A_29 = arith.subi %while3A_28, %select_n3A : i32
    %while3A_30 = arith.addi %select_n3A, %while3A_29 : i32
    %while3A_31 = arith.constant 1 : i32
    %while3A_32 = arith.divsi %while3A_29, %while3A_31 : i32
    %while3A_33 = arith.muli %while3A_32, %while3A_31 : i32
    %while3A_34 = arith.addi %select_n3A, %while3A_33 : i32
    %while3A_35 = arith.constant 1 : i32
    scf.for %while3A_801 = %select_n3A to %while3A_34 step %while3A_35  : i32 {
      %mul3A = arith.constant 1024 : i32
      %mul3A_802 = arith.muli %while3A_801, %mul3A : i32
      %add3A_803 = arith.constant 0 : i32
      %add3A_804 = arith.addi %add3A_803, %mul3A_802 : i32
      %multiple_of3A = tpu.assume_multiple %add3A_804, 8 : i32
      %dma_start3A = arith.constant 0 : i32
      %dma_start3A_805 = tpu.memref_slice %arg1[%multiple_of3A, %dma_start3A] : memref<65536x512xf32, #tpu.memory_space<any>> -> memref<1024x512xf32, #tpu.memory_space<any>>
      tpu.enqueue_dma source(%arg2 : memref<1024x512xf32, #tpu.memory_space<vmem>>) target(%dma_start3A_805 : memref<1024x512xf32, #tpu.memory_space<any>>) target_semaphore(%arg3 : memref<!tpu.dma_semaphore, #tpu.memory_space<semaphore_mem>>)
    }
    %while3A_36 = arith.constant 1 : i32
    scf.for %while3A_801 = %while3A_34 to %while3A_30 step %while3A_36  : i32 {
      %mul3A = arith.constant 1024 : i32
      %mul3A_802 = arith.muli %while3A_801, %mul3A : i32
      %add3A_803 = arith.constant 0 : i32
      %add3A_804 = arith.addi %add3A_803, %mul3A_802 : i32
      %multiple_of3A = tpu.assume_multiple %add3A_804, 8 : i32
      %dma_start3A = arith.constant 0 : i32
      %dma_start3A_805 = tpu.memref_slice %arg1[%multiple_of3A, %dma_start3A] : memref<65536x512xf32, #tpu.memory_space<any>> -> memref<1024x512xf32, #tpu.memory_space<any>>
      tpu.enqueue_dma source(%arg2 : memref<1024x512xf32, #tpu.memory_space<vmem>>) target(%dma_start3A_805 : memref<1024x512xf32, #tpu.memory_space<any>>) target_semaphore(%arg3 : memref<!tpu.dma_semaphore, #tpu.memory_space<semaphore_mem>>)
    }
    %sub3A_37 = arith.constant 4 : i32
    %sub3A_38 = arith.subi %sub3A_37, %select_n3A : i32
    %add3A_39 = arith.constant 0 : i32
    %add3A_40 = arith.addi %add3A_39, %sub3A_38 : i32
    %get3A_41 = arith.constant 2 : index
    %get3A_42 = memref.load %arg0[%get3A_41] : memref<17xi32, #tpu.memory_space<smem>>
    %get3A_43 = arith.constant 1 : index
    %get3A_44 = memref.load %arg0[%get3A_43] : memref<17xi32, #tpu.memory_space<smem>>
    %sub3A_45 = arith.subi %get3A_42, %get3A_44 : i32
    %jit3A_46 = arith.constant 0 : i32
    %jit3A_47 = arith.constant 4096 : i32
    %max3A_48 = arith.maxsi %jit3A_46, %sub3A_45 : i32
    %min3A_49 = arith.minsi %jit3A_47, %max3A_48 : i32
    %add3A_50 = arith.constant 1024 : i32
    %add3A_51 = arith.addi %min3A_49, %add3A_50 : i32
    %sub3A_52 = arith.constant 1 : i32
    %sub3A_53 = arith.subi %add3A_51, %sub3A_52 : i32
    %jit3A_54 = arith.constant 1024 : i32
    %div3A_55 = arith.divsi %sub3A_53, %jit3A_54 : i32
    %sign3A_56 = arith.constant 0 : i32
    %sign3A_57 = arith.cmpi sgt, %sub3A_53, %sign3A_56 : i32
    %sign3A_58 = arith.extui %sign3A_57 : i1 to i32
    %sign3A_59 = arith.constant 0 : i32
    %sign3A_60 = arith.cmpi slt, %sub3A_53, %sign3A_59 : i32
    %sign3A_61 = arith.extui %sign3A_60 : i1 to i32
    %sign3A_62 = arith.subi %sign3A_58, %sign3A_61 : i32
    %sign3A_63 = arith.constant 0 : i32
    %sign3A_64 = arith.cmpi sgt, %jit3A_54, %sign3A_63 : i32
    %sign3A_65 = arith.extui %sign3A_64 : i1 to i32
    %sign3A_66 = arith.constant 0 : i32
    %sign3A_67 = arith.cmpi slt, %jit3A_54, %sign3A_66 : i32
    %sign3A_68 = arith.extui %sign3A_67 : i1 to i32
    %sign3A_69 = arith.subi %sign3A_65, %sign3A_68 : i32
    %ne3A_70 = arith.cmpi ne, %sign3A_62, %sign3A_69 : i32
    %rem3A_71 = arith.remsi %sub3A_53, %jit3A_54 : i32
    %ne3A_72 = arith.constant 0 : i32
    %ne3A_73 = arith.cmpi ne, %rem3A_71, %ne3A_72 : i32
    %and3A_74 = arith.andi %ne3A_70, %ne3A_73 : i1
    %sub3A_75 = arith.constant 1 : i32
    %sub3A_76 = arith.subi %div3A_55, %sub3A_75 : i32
    %select_n3A_77 = arith.select %and3A_74, %sub3A_76, %div3A_55 : i32
    %while3A_78 = arith.constant 0 : i32
    %while3A_79 = arith.constant 4 : i32
    %while3A_80 = arith.subi %while3A_79, %select_n3A_77 : i32
    %while3A_81 = arith.addi %select_n3A_77, %while3A_80 : i32
    %while3A_82 = arith.constant 1 : i32
    %while3A_83 = arith.divsi %while3A_80, %while3A_82 : i32
    %while3A_84 = arith.muli %while3A_83, %while3A_82 : i32
    %while3A_85 = arith.addi %select_n3A_77, %while3A_84 : i32
    %while3A_86 = arith.constant 1 : i32
    scf.for %while3A_801 = %select_n3A_77 to %while3A_85 step %while3A_86  : i32 {
      %mul3A = arith.constant 1024 : i32
      %mul3A_802 = arith.muli %while3A_801, %mul3A : i32
      %add3A_803 = arith.constant 4096 : i32
      %add3A_804 = arith.addi %add3A_803, %mul3A_802 : i32
      %multiple_of3A = tpu.assume_multiple %add3A_804, 8 : i32
      %dma_start3A = arith.constant 0 : i32
      %dma_start3A_805 = tpu.memref_slice %arg1[%multiple_of3A, %dma_start3A] : memref<65536x512xf32, #tpu.memory_space<any>> -> memref<1024x512xf32, #tpu.memory_space<any>>
      tpu.enqueue_dma source(%arg2 : memref<1024x512xf32, #tpu.memory_space<vmem>>) target(%dma_start3A_805 : memref<1024x512xf32, #tpu.memory_space<any>>) target_semaphore(%arg3 : memref<!tpu.dma_semaphore, #tpu.memory_space<semaphore_mem>>)
    }
    %while3A_87 = arith.constant 1 : i32
    scf.for %while3A_801 = %while3A_85 to %while3A_81 step %while3A_87  : i32 {
      %mul3A = arith.constant 1024 : i32
      %mul3A_802 = arith.muli %while3A_801, %mul3A : i32
      %add3A_803 = arith.constant 4096 : i32
      %add3A_804 = arith.addi %add3A_803, %mul3A_802 : i32
      %multiple_of3A = tpu.assume_multiple %add3A_804, 8 : i32
      %dma_start3A = arith.constant 0 : i32
      %dma_start3A_805 = tpu.memref_slice %arg1[%multiple_of3A, %dma_start3A] : memref<65536x512xf32, #tpu.memory_space<any>> -> memref<1024x512xf32, #tpu.memory_space<any>>
      tpu.enqueue_dma source(%arg2 : memref<1024x512xf32, #tpu.memory_space<vmem>>) target(%dma_start3A_805 : memref<1024x512xf32, #tpu.memory_space<any>>) target_semaphore(%arg3 : memref<!tpu.dma_semaphore, #tpu.memory_space<semaphore_mem>>)
    }
    %sub3A_88 = arith.constant 4 : i32
    %sub3A_89 = arith.subi %sub3A_88, %select_n3A_77 : i32
    %add3A_90 = arith.addi %add3A_40, %sub3A_89 : i32
    %get3A_91 = arith.constant 3 : index
    %get3A_92 = memref.load %arg0[%get3A_91] : memref<17xi32, #tpu.memory_space<smem>>
    %get3A_93 = arith.constant 2 : index
    %get3A_94 = memref.load %arg0[%get3A_93] : memref<17xi32, #tpu.memory_space<smem>>
    %sub3A_95 = arith.subi %get3A_92, %get3A_94 : i32
    %jit3A_96 = arith.constant 0 : i32
    %jit3A_97 = arith.constant 4096 : i32
    %max3A_98 = arith.maxsi %jit3A_96, %sub3A_95 : i32
    %min3A_99 = arith.minsi %jit3A_97, %max3A_98 : i32
    %add3A_100 = arith.constant 1024 : i32
    %add3A_101 = arith.addi %min3A_99, %add3A_100 : i32
    %sub3A_102 = arith.constant 1 : i32
    %sub3A_103 = arith.subi %add3A_101, %sub3A_102 : i32
    %jit3A_104 = arith.constant 1024 : i32
    %div3A_105 = arith.divsi %sub3A_103, %jit3A_104 : i32
    %sign3A_106 = arith.constant 0 : i32
    %sign3A_107 = arith.cmpi sgt, %sub3A_103, %sign3A_106 : i32
    %sign3A_108 = arith.extui %sign3A_107 : i1 to i32
    %sign3A_109 = arith.constant 0 : i32
    %sign3A_110 = arith.cmpi slt, %sub3A_103, %sign3A_109 : i32
    %sign3A_111 = arith.extui %sign3A_110 : i1 to i32
    %sign3A_112 = arith.subi %sign3A_108, %sign3A_111 : i32
    %sign3A_113 = arith.constant 0 : i32
    %sign3A_114 = arith.cmpi sgt, %jit3A_104, %sign3A_113 : i32
    %sign3A_115 = arith.extui %sign3A_114 : i1 to i32
    %sign3A_116 = arith.constant 0 : i32
    %sign3A_117 = arith.cmpi slt, %jit3A_104, %sign3A_116 : i32
    %sign3A_118 = arith.extui %sign3A_117 : i1 to i32
    %sign3A_119 = arith.subi %sign3A_115, %sign3A_118 : i32
    %ne3A_120 = arith.cmpi ne, %sign3A_112, %sign3A_119 : i32
    %rem3A_121 = arith.remsi %sub3A_103, %jit3A_104 : i32
    %ne3A_122 = arith.constant 0 : i32
    %ne3A_123 = arith.cmpi ne, %rem3A_121, %ne3A_122 : i32
    %and3A_124 = arith.andi %ne3A_120, %ne3A_123 : i1
    %sub3A_125 = arith.constant 1 : i32
    %sub3A_126 = arith.subi %div3A_105, %sub3A_125 : i32
    %select_n3A_127 = arith.select %and3A_124, %sub3A_126, %div3A_105 : i32
    %while3A_128 = arith.constant 0 : i32
    %while3A_129 = arith.constant 4 : i32
    %while3A_130 = arith.subi %while3A_129, %select_n3A_127 : i32
    %while3A_131 = arith.addi %select_n3A_127, %while3A_130 : i32
    %while3A_132 = arith.constant 1 : i32
    %while3A_133 = arith.divsi %while3A_130, %while3A_132 : i32
    %while3A_134 = arith.muli %while3A_133, %while3A_132 : i32
    %while3A_135 = arith.addi %select_n3A_127, %while3A_134 : i32
    %while3A_136 = arith.constant 1 : i32
    scf.for %while3A_801 = %select_n3A_127 to %while3A_135 step %while3A_136  : i32 {
      %mul3A = arith.constant 1024 : i32
      %mul3A_802 = arith.muli %while3A_801, %mul3A : i32
      %add3A_803 = arith.constant 8192 : i32
      %add3A_804 = arith.addi %add3A_803, %mul3A_802 : i32
      %multiple_of3A = tpu.assume_multiple %add3A_804, 8 : i32
      %dma_start3A = arith.constant 0 : i32
      %dma_start3A_805 = tpu.memref_slice %arg1[%multiple_of3A, %dma_start3A] : memref<65536x512xf32, #tpu.memory_space<any>> -> memref<1024x512xf32, #tpu.memory_space<any>>
      tpu.enqueue_dma source(%arg2 : memref<1024x512xf32, #tpu.memory_space<vmem>>) target(%dma_start3A_805 : memref<1024x512xf32, #tpu.memory_space<any>>) target_semaphore(%arg3 : memref<!tpu.dma_semaphore, #tpu.memory_space<semaphore_mem>>)
    }
    %while3A_137 = arith.constant 1 : i32
    scf.for %while3A_801 = %while3A_135 to %while3A_131 step %while3A_137  : i32 {
      %mul3A = arith.constant 1024 : i32
      %mul3A_802 = arith.muli %while3A_801, %mul3A : i32
      %add3A_803 = arith.constant 8192 : i32
      %add3A_804 = arith.addi %add3A_803, %mul3A_802 : i32
      %multiple_of3A = tpu.assume_multiple %add3A_804, 8 : i32
      %dma_start3A = arith.constant 0 : i32
      %dma_start3A_805 = tpu.memref_slice %arg1[%multiple_of3A, %dma_start3A] : memref<65536x512xf32, #tpu.memory_space<any>> -> memref<1024x512xf32, #tpu.memory_space<any>>
      tpu.enqueue_dma source(%arg2 : memref<1024x512xf32, #tpu.memory_space<vmem>>) target(%dma_start3A_805 : memref<1024x512xf32, #tpu.memory_space<any>>) target_semaphore(%arg3 : memref<!tpu.dma_semaphore, #tpu.memory_space<semaphore_mem>>)
    }
    %sub3A_138 = arith.constant 4 : i32
    %sub3A_139 = arith.subi %sub3A_138, %select_n3A_127 : i32
    %add3A_140 = arith.addi %add3A_90, %sub3A_139 : i32
    %get3A_141 = arith.constant 4 : index
    %get3A_142 = memref.load %arg0[%get3A_141] : memref<17xi32, #tpu.memory_space<smem>>
    %get3A_143 = arith.constant 3 : index
    %get3A_144 = memref.load %arg0[%get3A_143] : memref<17xi32, #tpu.memory_space<smem>>
    %sub3A_145 = arith.subi %get3A_142, %get3A_144 : i32
    %jit3A_146 = arith.constant 0 : i32
    %jit3A_147 = arith.constant 4096 : i32
    %max3A_148 = arith.maxsi %jit3A_146, %sub3A_145 : i32
    %min3A_149 = arith.minsi %jit3A_147, %max3A_148 : i32
    %add3A_150 = arith.constant 1024 : i32
    %add3A_151 = arith.addi %min3A_149, %add3A_150 : i32
    %sub3A_152 = arith.constant 1 : i32
    %sub3A_153 = arith.subi %add3A_151, %sub3A_152 : i32
    %jit3A_154 = arith.constant 1024 : i32
    %div3A_155 = arith.divsi %sub3A_153, %jit3A_154 : i32
    %sign3A_156 = arith.constant 0 : i32
    %sign3A_157 = arith.cmpi sgt, %sub3A_153, %sign3A_156 : i32
    %sign3A_158 = arith.extui %sign3A_157 : i1 to i32
    %sign3A_159 = arith.constant 0 : i32
    %sign3A_160 = arith.cmpi slt, %sub3A_153, %sign3A_159 : i32
    %sign3A_161 = arith.extui %sign3A_160 : i1 to i32
    %sign3A_162 = arith.subi %sign3A_158, %sign3A_161 : i32
    %sign3A_163 = arith.constant 0 : i32
    %sign3A_164 = arith.cmpi sgt, %jit3A_154, %sign3A_163 : i32
    %sign3A_165 = arith.extui %sign3A_164 : i1 to i32
    %sign3A_166 = arith.constant 0 : i32
    %sign3A_167 = arith.cmpi slt, %jit3A_154, %sign3A_166 : i32
    %sign3A_168 = arith.extui %sign3A_167 : i1 to i32
    %sign3A_169 = arith.subi %sign3A_165, %sign3A_168 : i32
    %ne3A_170 = arith.cmpi ne, %sign3A_162, %sign3A_169 : i32
    %rem3A_171 = arith.remsi %sub3A_153, %jit3A_154 : i32
    %ne3A_172 = arith.constant 0 : i32
    %ne3A_173 = arith.cmpi ne, %rem3A_171, %ne3A_172 : i32
    %and3A_174 = arith.andi %ne3A_170, %ne3A_173 : i1
    %sub3A_175 = arith.constant 1 : i32
    %sub3A_176 = arith.subi %div3A_155, %sub3A_175 : i32
    %select_n3A_177 = arith.select %and3A_174, %sub3A_176, %div3A_155 : i32
    %while3A_178 = arith.constant 0 : i32
    %while3A_179 = arith.constant 4 : i32
    %while3A_180 = arith.subi %while3A_179, %select_n3A_177 : i32
    %while3A_181 = arith.addi %select_n3A_177, %while3A_180 : i32
    %while3A_182 = arith.constant 1 : i32
    %while3A_183 = arith.divsi %while3A_180, %while3A_182 : i32
    %while3A_184 = arith.muli %while3A_183, %while3A_182 : i32
    %while3A_185 = arith.addi %select_n3A_177, %while3A_184 : i32
    %while3A_186 = arith.constant 1 : i32
    scf.for %while3A_801 = %select_n3A_177 to %while3A_185 step %while3A_186  : i32 {
      %mul3A = arith.constant 1024 : i32
      %mul3A_802 = arith.muli %while3A_801, %mul3A : i32
      %add3A_803 = arith.constant 12288 : i32
      %add3A_804 = arith.addi %add3A_803, %mul3A_802 : i32
      %multiple_of3A = tpu.assume_multiple %add3A_804, 8 : i32
      %dma_start3A = arith.constant 0 : i32
      %dma_start3A_805 = tpu.memref_slice %arg1[%multiple_of3A, %dma_start3A] : memref<65536x512xf32, #tpu.memory_space<any>> -> memref<1024x512xf32, #tpu.memory_space<any>>
      tpu.enqueue_dma source(%arg2 : memref<1024x512xf32, #tpu.memory_space<vmem>>) target(%dma_start3A_805 : memref<1024x512xf32, #tpu.memory_space<any>>) target_semaphore(%arg3 : memref<!tpu.dma_semaphore, #tpu.memory_space<semaphore_mem>>)
    }
    %while3A_187 = arith.constant 1 : i32
    scf.for %while3A_801 = %while3A_185 to %while3A_181 step %while3A_187  : i32 {
      %mul3A = arith.constant 1024 : i32
      %mul3A_802 = arith.muli %while3A_801, %mul3A : i32
      %add3A_803 = arith.constant 12288 : i32
      %add3A_804 = arith.addi %add3A_803, %mul3A_802 : i32
      %multiple_of3A = tpu.assume_multiple %add3A_804, 8 : i32
      %dma_start3A = arith.constant 0 : i32
      %dma_start3A_805 = tpu.memref_slice %arg1[%multiple_of3A, %dma_start3A] : memref<65536x512xf32, #tpu.memory_space<any>> -> memref<1024x512xf32, #tpu.memory_space<any>>
      tpu.enqueue_dma source(%arg2 : memref<1024x512xf32, #tpu.memory_space<vmem>>) target(%dma_start3A_805 : memref<1024x512xf32, #tpu.memory_space<any>>) target_semaphore(%arg3 : memref<!tpu.dma_semaphore, #tpu.memory_space<semaphore_mem>>)
    }
    %sub3A_188 = arith.constant 4 : i32
    %sub3A_189 = arith.subi %sub3A_188, %select_n3A_177 : i32
    %add3A_190 = arith.addi %add3A_140, %sub3A_189 : i32
    %get3A_191 = arith.constant 5 : index
    %get3A_192 = memref.load %arg0[%get3A_191] : memref<17xi32, #tpu.memory_space<smem>>
    %get3A_193 = arith.constant 4 : index
    %get3A_194 = memref.load %arg0[%get3A_193] : memref<17xi32, #tpu.memory_space<smem>>
    %sub3A_195 = arith.subi %get3A_192, %get3A_194 : i32
    %jit3A_196 = arith.constant 0 : i32
    %jit3A_197 = arith.constant 4096 : i32
    %max3A_198 = arith.maxsi %jit3A_196, %sub3A_195 : i32
    %min3A_199 = arith.minsi %jit3A_197, %max3A_198 : i32
    %add3A_200 = arith.constant 1024 : i32
    %add3A_201 = arith.addi %min3A_199, %add3A_200 : i32
    %sub3A_202 = arith.constant 1 : i32
    %sub3A_203 = arith.subi %add3A_201, %sub3A_202 : i32
    %jit3A_204 = arith.constant 1024 : i32
    %div3A_205 = arith.divsi %sub3A_203, %jit3A_204 : i32
    %sign3A_206 = arith.constant 0 : i32
    %sign3A_207 = arith.cmpi sgt, %sub3A_203, %sign3A_206 : i32
    %sign3A_208 = arith.extui %sign3A_207 : i1 to i32
    %sign3A_209 = arith.constant 0 : i32
    %sign3A_210 = arith.cmpi slt, %sub3A_203, %sign3A_209 : i32
    %sign3A_211 = arith.extui %sign3A_210 : i1 to i32
    %sign3A_212 = arith.subi %sign3A_208, %sign3A_211 : i32
    %sign3A_213 = arith.constant 0 : i32
    %sign3A_214 = arith.cmpi sgt, %jit3A_204, %sign3A_213 : i32
    %sign3A_215 = arith.extui %sign3A_214 : i1 to i32
    %sign3A_216 = arith.constant 0 : i32
    %sign3A_217 = arith.cmpi slt, %jit3A_204, %sign3A_216 : i32
    %sign3A_218 = arith.extui %sign3A_217 : i1 to i32
    %sign3A_219 = arith.subi %sign3A_215, %sign3A_218 : i32
    %ne3A_220 = arith.cmpi ne, %sign3A_212, %sign3A_219 : i32
    %rem3A_221 = arith.remsi %sub3A_203, %jit3A_204 : i32
    %ne3A_222 = arith.constant 0 : i32
    %ne3A_223 = arith.cmpi ne, %rem3A_221, %ne3A_222 : i32
    %and3A_224 = arith.andi %ne3A_220, %ne3A_223 : i1
    %sub3A_225 = arith.constant 1 : i32
    %sub3A_226 = arith.subi %div3A_205, %sub3A_225 : i32
    %select_n3A_227 = arith.select %and3A_224, %sub3A_226, %div3A_205 : i32
    %while3A_228 = arith.constant 0 : i32
    %while3A_229 = arith.constant 4 : i32
    %while3A_230 = arith.subi %while3A_229, %select_n3A_227 : i32
    %while3A_231 = arith.addi %select_n3A_227, %while3A_230 : i32
    %while3A_232 = arith.constant 1 : i32
    %while3A_233 = arith.divsi %while3A_230, %while3A_232 : i32
    %while3A_234 = arith.muli %while3A_233, %while3A_232 : i32
    %while3A_235 = arith.addi %select_n3A_227, %while3A_234 : i32
    %while3A_236 = arith.constant 1 : i32
    scf.for %while3A_801 = %select_n3A_227 to %while3A_235 step %while3A_236  : i32 {
      %mul3A = arith.constant 1024 : i32
      %mul3A_802 = arith.muli %while3A_801, %mul3A : i32
      %add3A_803 = arith.constant 16384 : i32
      %add3A_804 = arith.addi %add3A_803, %mul3A_802 : i32
      %multiple_of3A = tpu.assume_multiple %add3A_804, 8 : i32
      %dma_start3A = arith.constant 0 : i32
      %dma_start3A_805 = tpu.memref_slice %arg1[%multiple_of3A, %dma_start3A] : memref<65536x512xf32, #tpu.memory_space<any>> -> memref<1024x512xf32, #tpu.memory_space<any>>
      tpu.enqueue_dma source(%arg2 : memref<1024x512xf32, #tpu.memory_space<vmem>>) target(%dma_start3A_805 : memref<1024x512xf32, #tpu.memory_space<any>>) target_semaphore(%arg3 : memref<!tpu.dma_semaphore, #tpu.memory_space<semaphore_mem>>)
    }
    %while3A_237 = arith.constant 1 : i32
    scf.for %while3A_801 = %while3A_235 to %while3A_231 step %while3A_237  : i32 {
      %mul3A = arith.constant 1024 : i32
      %mul3A_802 = arith.muli %while3A_801, %mul3A : i32
      %add3A_803 = arith.constant 16384 : i32
      %add3A_804 = arith.addi %add3A_803, %mul3A_802 : i32
      %multiple_of3A = tpu.assume_multiple %add3A_804, 8 : i32
      %dma_start3A = arith.constant 0 : i32
      %dma_start3A_805 = tpu.memref_slice %arg1[%multiple_of3A, %dma_start3A] : memref<65536x512xf32, #tpu.memory_space<any>> -> memref<1024x512xf32, #tpu.memory_space<any>>
      tpu.enqueue_dma source(%arg2 : memref<1024x512xf32, #tpu.memory_space<vmem>>) target(%dma_start3A_805 : memref<1024x512xf32, #tpu.memory_space<any>>) target_semaphore(%arg3 : memref<!tpu.dma_semaphore, #tpu.memory_space<semaphore_mem>>)
    }
    %sub3A_238 = arith.constant 4 : i32
    %sub3A_239 = arith.subi %sub3A_238, %select_n3A_227 : i32
    %add3A_240 = arith.addi %add3A_190, %sub3A_239 : i32
    %get3A_241 = arith.constant 6 : index
    %get3A_242 = memref.load %arg0[%get3A_241] : memref<17xi32, #tpu.memory_space<smem>>
    %get3A_243 = arith.constant 5 : index
    %get3A_244 = memref.load %arg0[%get3A_243] : memref<17xi32, #tpu.memory_space<smem>>
    %sub3A_245 = arith.subi %get3A_242, %get3A_244 : i32
    %jit3A_246 = arith.constant 0 : i32
    %jit3A_247 = arith.constant 4096 : i32
    %max3A_248 = arith.maxsi %jit3A_246, %sub3A_245 : i32
    %min3A_249 = arith.minsi %jit3A_247, %max3A_248 : i32
    %add3A_250 = arith.constant 1024 : i32
    %add3A_251 = arith.addi %min3A_249, %add3A_250 : i32
    %sub3A_252 = arith.constant 1 : i32
    %sub3A_253 = arith.subi %add3A_251, %sub3A_252 : i32
    %jit3A_254 = arith.constant 1024 : i32
    %div3A_255 = arith.divsi %sub3A_253, %jit3A_254 : i32
    %sign3A_256 = arith.constant 0 : i32
    %sign3A_257 = arith.cmpi sgt, %sub3A_253, %sign3A_256 : i32
    %sign3A_258 = arith.extui %sign3A_257 : i1 to i32
    %sign3A_259 = arith.constant 0 : i32
    %sign3A_260 = arith.cmpi slt, %sub3A_253, %sign3A_259 : i32
    %sign3A_261 = arith.extui %sign3A_260 : i1 to i32
    %sign3A_262 = arith.subi %sign3A_258, %sign3A_261 : i32
    %sign3A_263 = arith.constant 0 : i32
    %sign3A_264 = arith.cmpi sgt, %jit3A_254, %sign3A_263 : i32
    %sign3A_265 = arith.extui %sign3A_264 : i1 to i32
    %sign3A_266 = arith.constant 0 : i32
    %sign3A_267 = arith.cmpi slt, %jit3A_254, %sign3A_266 : i32
    %sign3A_268 = arith.extui %sign3A_267 : i1 to i32
    %sign3A_269 = arith.subi %sign3A_265, %sign3A_268 : i32
    %ne3A_270 = arith.cmpi ne, %sign3A_262, %sign3A_269 : i32
    %rem3A_271 = arith.remsi %sub3A_253, %jit3A_254 : i32
    %ne3A_272 = arith.constant 0 : i32
    %ne3A_273 = arith.cmpi ne, %rem3A_271, %ne3A_272 : i32
    %and3A_274 = arith.andi %ne3A_270, %ne3A_273 : i1
    %sub3A_275 = arith.constant 1 : i32
    %sub3A_276 = arith.subi %div3A_255, %sub3A_275 : i32
    %select_n3A_277 = arith.select %and3A_274, %sub3A_276, %div3A_255 : i32
    %while3A_278 = arith.constant 0 : i32
    %while3A_279 = arith.constant 4 : i32
    %while3A_280 = arith.subi %while3A_279, %select_n3A_277 : i32
    %while3A_281 = arith.addi %select_n3A_277, %while3A_280 : i32
    %while3A_282 = arith.constant 1 : i32
    %while3A_283 = arith.divsi %while3A_280, %while3A_282 : i32
    %while3A_284 = arith.muli %while3A_283, %while3A_282 : i32
    %while3A_285 = arith.addi %select_n3A_277, %while3A_284 : i32
    %while3A_286 = arith.constant 1 : i32
    scf.for %while3A_801 = %select_n3A_277 to %while3A_285 step %while3A_286  : i32 {
      %mul3A = arith.constant 1024 : i32
      %mul3A_802 = arith.muli %while3A_801, %mul3A : i32
      %add3A_803 = arith.constant 20480 : i32
      %add3A_804 = arith.addi %add3A_803, %mul3A_802 : i32
      %multiple_of3A = tpu.assume_multiple %add3A_804, 8 : i32
      %dma_start3A = arith.constant 0 : i32
      %dma_start3A_805 = tpu.memref_slice %arg1[%multiple_of3A, %dma_start3A] : memref<65536x512xf32, #tpu.memory_space<any>> -> memref<1024x512xf32, #tpu.memory_space<any>>
      tpu.enqueue_dma source(%arg2 : memref<1024x512xf32, #tpu.memory_space<vmem>>) target(%dma_start3A_805 : memref<1024x512xf32, #tpu.memory_space<any>>) target_semaphore(%arg3 : memref<!tpu.dma_semaphore, #tpu.memory_space<semaphore_mem>>)
    }
    %while3A_287 = arith.constant 1 : i32
    scf.for %while3A_801 = %while3A_285 to %while3A_281 step %while3A_287  : i32 {
      %mul3A = arith.constant 1024 : i32
      %mul3A_802 = arith.muli %while3A_801, %mul3A : i32
      %add3A_803 = arith.constant 20480 : i32
      %add3A_804 = arith.addi %add3A_803, %mul3A_802 : i32
      %multiple_of3A = tpu.assume_multiple %add3A_804, 8 : i32
      %dma_start3A = arith.constant 0 : i32
      %dma_start3A_805 = tpu.memref_slice %arg1[%multiple_of3A, %dma_start3A] : memref<65536x512xf32, #tpu.memory_space<any>> -> memref<1024x512xf32, #tpu.memory_space<any>>
      tpu.enqueue_dma source(%arg2 : memref<1024x512xf32, #tpu.memory_space<vmem>>) target(%dma_start3A_805 : memref<1024x512xf32, #tpu.memory_space<any>>) target_semaphore(%arg3 : memref<!tpu.dma_semaphore, #tpu.memory_space<semaphore_mem>>)
    }
    %sub3A_288 = arith.constant 4 : i32
    %sub3A_289 = arith.subi %sub3A_288, %select_n3A_277 : i32
    %add3A_290 = arith.addi %add3A_240, %sub3A_289 : i32
    %get3A_291 = arith.constant 7 : index
    %get3A_292 = memref.load %arg0[%get3A_291] : memref<17xi32, #tpu.memory_space<smem>>
    %get3A_293 = arith.constant 6 : index
    %get3A_294 = memref.load %arg0[%get3A_293] : memref<17xi32, #tpu.memory_space<smem>>
    %sub3A_295 = arith.subi %get3A_292, %get3A_294 : i32
    %jit3A_296 = arith.constant 0 : i32
    %jit3A_297 = arith.constant 4096 : i32
    %max3A_298 = arith.maxsi %jit3A_296, %sub3A_295 : i32
    %min3A_299 = arith.minsi %jit3A_297, %max3A_298 : i32
    %add3A_300 = arith.constant 1024 : i32
    %add3A_301 = arith.addi %min3A_299, %add3A_300 : i32
    %sub3A_302 = arith.constant 1 : i32
    %sub3A_303 = arith.subi %add3A_301, %sub3A_302 : i32
    %jit3A_304 = arith.constant 1024 : i32
    %div3A_305 = arith.divsi %sub3A_303, %jit3A_304 : i32
    %sign3A_306 = arith.constant 0 : i32
    %sign3A_307 = arith.cmpi sgt, %sub3A_303, %sign3A_306 : i32
    %sign3A_308 = arith.extui %sign3A_307 : i1 to i32
    %sign3A_309 = arith.constant 0 : i32
    %sign3A_310 = arith.cmpi slt, %sub3A_303, %sign3A_309 : i32
    %sign3A_311 = arith.extui %sign3A_310 : i1 to i32
    %sign3A_312 = arith.subi %sign3A_308, %sign3A_311 : i32
    %sign3A_313 = arith.constant 0 : i32
    %sign3A_314 = arith.cmpi sgt, %jit3A_304, %sign3A_313 : i32
    %sign3A_315 = arith.extui %sign3A_314 : i1 to i32
    %sign3A_316 = arith.constant 0 : i32
    %sign3A_317 = arith.cmpi slt, %jit3A_304, %sign3A_316 : i32
    %sign3A_318 = arith.extui %sign3A_317 : i1 to i32
    %sign3A_319 = arith.subi %sign3A_315, %sign3A_318 : i32
    %ne3A_320 = arith.cmpi ne, %sign3A_312, %sign3A_319 : i32
    %rem3A_321 = arith.remsi %sub3A_303, %jit3A_304 : i32
    %ne3A_322 = arith.constant 0 : i32
    %ne3A_323 = arith.cmpi ne, %rem3A_321, %ne3A_322 : i32
    %and3A_324 = arith.andi %ne3A_320, %ne3A_323 : i1
    %sub3A_325 = arith.constant 1 : i32
    %sub3A_326 = arith.subi %div3A_305, %sub3A_325 : i32
    %select_n3A_327 = arith.select %and3A_324, %sub3A_326, %div3A_305 : i32
    %while3A_328 = arith.constant 0 : i32
    %while3A_329 = arith.constant 4 : i32
    %while3A_330 = arith.subi %while3A_329, %select_n3A_327 : i32
    %while3A_331 = arith.addi %select_n3A_327, %while3A_330 : i32
    %while3A_332 = arith.constant 1 : i32
    %while3A_333 = arith.divsi %while3A_330, %while3A_332 : i32
    %while3A_334 = arith.muli %while3A_333, %while3A_332 : i32
    %while3A_335 = arith.addi %select_n3A_327, %while3A_334 : i32
    %while3A_336 = arith.constant 1 : i32
    scf.for %while3A_801 = %select_n3A_327 to %while3A_335 step %while3A_336  : i32 {
      %mul3A = arith.constant 1024 : i32
      %mul3A_802 = arith.muli %while3A_801, %mul3A : i32
      %add3A_803 = arith.constant 24576 : i32
      %add3A_804 = arith.addi %add3A_803, %mul3A_802 : i32
      %multiple_of3A = tpu.assume_multiple %add3A_804, 8 : i32
      %dma_start3A = arith.constant 0 : i32
      %dma_start3A_805 = tpu.memref_slice %arg1[%multiple_of3A, %dma_start3A] : memref<65536x512xf32, #tpu.memory_space<any>> -> memref<1024x512xf32, #tpu.memory_space<any>>
      tpu.enqueue_dma source(%arg2 : memref<1024x512xf32, #tpu.memory_space<vmem>>) target(%dma_start3A_805 : memref<1024x512xf32, #tpu.memory_space<any>>) target_semaphore(%arg3 : memref<!tpu.dma_semaphore, #tpu.memory_space<semaphore_mem>>)
    }
    %while3A_337 = arith.constant 1 : i32
    scf.for %while3A_801 = %while3A_335 to %while3A_331 step %while3A_337  : i32 {
      %mul3A = arith.constant 1024 : i32
      %mul3A_802 = arith.muli %while3A_801, %mul3A : i32
      %add3A_803 = arith.constant 24576 : i32
      %add3A_804 = arith.addi %add3A_803, %mul3A_802 : i32
      %multiple_of3A = tpu.assume_multiple %add3A_804, 8 : i32
      %dma_start3A = arith.constant 0 : i32
      %dma_start3A_805 = tpu.memref_slice %arg1[%multiple_of3A, %dma_start3A] : memref<65536x512xf32, #tpu.memory_space<any>> -> memref<1024x512xf32, #tpu.memory_space<any>>
      tpu.enqueue_dma source(%arg2 : memref<1024x512xf32, #tpu.memory_space<vmem>>) target(%dma_start3A_805 : memref<1024x512xf32, #tpu.memory_space<any>>) target_semaphore(%arg3 : memref<!tpu.dma_semaphore, #tpu.memory_space<semaphore_mem>>)
    }
    %sub3A_338 = arith.constant 4 : i32
    %sub3A_339 = arith.subi %sub3A_338, %select_n3A_327 : i32
    %add3A_340 = arith.addi %add3A_290, %sub3A_339 : i32
    %get3A_341 = arith.constant 8 : index
    %get3A_342 = memref.load %arg0[%get3A_341] : memref<17xi32, #tpu.memory_space<smem>>
    %get3A_343 = arith.constant 7 : index
    %get3A_344 = memref.load %arg0[%get3A_343] : memref<17xi32, #tpu.memory_space<smem>>
    %sub3A_345 = arith.subi %get3A_342, %get3A_344 : i32
    %jit3A_346 = arith.constant 0 : i32
    %jit3A_347 = arith.constant 4096 : i32
    %max3A_348 = arith.maxsi %jit3A_346, %sub3A_345 : i32
    %min3A_349 = arith.minsi %jit3A_347, %max3A_348 : i32
    %add3A_350 = arith.constant 1024 : i32
    %add3A_351 = arith.addi %min3A_349, %add3A_350 : i32
    %sub3A_352 = arith.constant 1 : i32
    %sub3A_353 = arith.subi %add3A_351, %sub3A_352 : i32
    %jit3A_354 = arith.constant 1024 : i32
    %div3A_355 = arith.divsi %sub3A_353, %jit3A_354 : i32
    %sign3A_356 = arith.constant 0 : i32
    %sign3A_357 = arith.cmpi sgt, %sub3A_353, %sign3A_356 : i32
    %sign3A_358 = arith.extui %sign3A_357 : i1 to i32
    %sign3A_359 = arith.constant 0 : i32
    %sign3A_360 = arith.cmpi slt, %sub3A_353, %sign3A_359 : i32
    %sign3A_361 = arith.extui %sign3A_360 : i1 to i32
    %sign3A_362 = arith.subi %sign3A_358, %sign3A_361 : i32
    %sign3A_363 = arith.constant 0 : i32
    %sign3A_364 = arith.cmpi sgt, %jit3A_354, %sign3A_363 : i32
    %sign3A_365 = arith.extui %sign3A_364 : i1 to i32
    %sign3A_366 = arith.constant 0 : i32
    %sign3A_367 = arith.cmpi slt, %jit3A_354, %sign3A_366 : i32
    %sign3A_368 = arith.extui %sign3A_367 : i1 to i32
    %sign3A_369 = arith.subi %sign3A_365, %sign3A_368 : i32
    %ne3A_370 = arith.cmpi ne, %sign3A_362, %sign3A_369 : i32
    %rem3A_371 = arith.remsi %sub3A_353, %jit3A_354 : i32
    %ne3A_372 = arith.constant 0 : i32
    %ne3A_373 = arith.cmpi ne, %rem3A_371, %ne3A_372 : i32
    %and3A_374 = arith.andi %ne3A_370, %ne3A_373 : i1
    %sub3A_375 = arith.constant 1 : i32
    %sub3A_376 = arith.subi %div3A_355, %sub3A_375 : i32
    %select_n3A_377 = arith.select %and3A_374, %sub3A_376, %div3A_355 : i32
    %while3A_378 = arith.constant 0 : i32
    %while3A_379 = arith.constant 4 : i32
    %while3A_380 = arith.subi %while3A_379, %select_n3A_377 : i32
    %while3A_381 = arith.addi %select_n3A_377, %while3A_380 : i32
    %while3A_382 = arith.constant 1 : i32
    %while3A_383 = arith.divsi %while3A_380, %while3A_382 : i32
    %while3A_384 = arith.muli %while3A_383, %while3A_382 : i32
    %while3A_385 = arith.addi %select_n3A_377, %while3A_384 : i32
    %while3A_386 = arith.constant 1 : i32
    scf.for %while3A_801 = %select_n3A_377 to %while3A_385 step %while3A_386  : i32 {
      %mul3A = arith.constant 1024 : i32
      %mul3A_802 = arith.muli %while3A_801, %mul3A : i32
      %add3A_803 = arith.constant 28672 : i32
      %add3A_804 = arith.addi %add3A_803, %mul3A_802 : i32
      %multiple_of3A = tpu.assume_multiple %add3A_804, 8 : i32
      %dma_start3A = arith.constant 0 : i32
      %dma_start3A_805 = tpu.memref_slice %arg1[%multiple_of3A, %dma_start3A] : memref<65536x512xf32, #tpu.memory_space<any>> -> memref<1024x512xf32, #tpu.memory_space<any>>
      tpu.enqueue_dma source(%arg2 : memref<1024x512xf32, #tpu.memory_space<vmem>>) target(%dma_start3A_805 : memref<1024x512xf32, #tpu.memory_space<any>>) target_semaphore(%arg3 : memref<!tpu.dma_semaphore, #tpu.memory_space<semaphore_mem>>)
    }
    %while3A_387 = arith.constant 1 : i32
    scf.for %while3A_801 = %while3A_385 to %while3A_381 step %while3A_387  : i32 {
      %mul3A = arith.constant 1024 : i32
      %mul3A_802 = arith.muli %while3A_801, %mul3A : i32
      %add3A_803 = arith.constant 28672 : i32
      %add3A_804 = arith.addi %add3A_803, %mul3A_802 : i32
      %multiple_of3A = tpu.assume_multiple %add3A_804, 8 : i32
      %dma_start3A = arith.constant 0 : i32
      %dma_start3A_805 = tpu.memref_slice %arg1[%multiple_of3A, %dma_start3A] : memref<65536x512xf32, #tpu.memory_space<any>> -> memref<1024x512xf32, #tpu.memory_space<any>>
      tpu.enqueue_dma source(%arg2 : memref<1024x512xf32, #tpu.memory_space<vmem>>) target(%dma_start3A_805 : memref<1024x512xf32, #tpu.memory_space<any>>) target_semaphore(%arg3 : memref<!tpu.dma_semaphore, #tpu.memory_space<semaphore_mem>>)
    }
    %sub3A_388 = arith.constant 4 : i32
    %sub3A_389 = arith.subi %sub3A_388, %select_n3A_377 : i32
    %add3A_390 = arith.addi %add3A_340, %sub3A_389 : i32
    %get3A_391 = arith.constant 9 : index
    %get3A_392 = memref.load %arg0[%get3A_391] : memref<17xi32, #tpu.memory_space<smem>>
    %get3A_393 = arith.constant 8 : index
    %get3A_394 = memref.load %arg0[%get3A_393] : memref<17xi32, #tpu.memory_space<smem>>
    %sub3A_395 = arith.subi %get3A_392, %get3A_394 : i32
    %jit3A_396 = arith.constant 0 : i32
    %jit3A_397 = arith.constant 4096 : i32
    %max3A_398 = arith.maxsi %jit3A_396, %sub3A_395 : i32
    %min3A_399 = arith.minsi %jit3A_397, %max3A_398 : i32
    %add3A_400 = arith.constant 1024 : i32
    %add3A_401 = arith.addi %min3A_399, %add3A_400 : i32
    %sub3A_402 = arith.constant 1 : i32
    %sub3A_403 = arith.subi %add3A_401, %sub3A_402 : i32
    %jit3A_404 = arith.constant 1024 : i32
    %div3A_405 = arith.divsi %sub3A_403, %jit3A_404 : i32
    %sign3A_406 = arith.constant 0 : i32
    %sign3A_407 = arith.cmpi sgt, %sub3A_403, %sign3A_406 : i32
    %sign3A_408 = arith.extui %sign3A_407 : i1 to i32
    %sign3A_409 = arith.constant 0 : i32
    %sign3A_410 = arith.cmpi slt, %sub3A_403, %sign3A_409 : i32
    %sign3A_411 = arith.extui %sign3A_410 : i1 to i32
    %sign3A_412 = arith.subi %sign3A_408, %sign3A_411 : i32
    %sign3A_413 = arith.constant 0 : i32
    %sign3A_414 = arith.cmpi sgt, %jit3A_404, %sign3A_413 : i32
    %sign3A_415 = arith.extui %sign3A_414 : i1 to i32
    %sign3A_416 = arith.constant 0 : i32
    %sign3A_417 = arith.cmpi slt, %jit3A_404, %sign3A_416 : i32
    %sign3A_418 = arith.extui %sign3A_417 : i1 to i32
    %sign3A_419 = arith.subi %sign3A_415, %sign3A_418 : i32
    %ne3A_420 = arith.cmpi ne, %sign3A_412, %sign3A_419 : i32
    %rem3A_421 = arith.remsi %sub3A_403, %jit3A_404 : i32
    %ne3A_422 = arith.constant 0 : i32
    %ne3A_423 = arith.cmpi ne, %rem3A_421, %ne3A_422 : i32
    %and3A_424 = arith.andi %ne3A_420, %ne3A_423 : i1
    %sub3A_425 = arith.constant 1 : i32
    %sub3A_426 = arith.subi %div3A_405, %sub3A_425 : i32
    %select_n3A_427 = arith.select %and3A_424, %sub3A_426, %div3A_405 : i32
    %while3A_428 = arith.constant 0 : i32
    %while3A_429 = arith.constant 4 : i32
    %while3A_430 = arith.subi %while3A_429, %select_n3A_427 : i32
    %while3A_431 = arith.addi %select_n3A_427, %while3A_430 : i32
    %while3A_432 = arith.constant 1 : i32
    %while3A_433 = arith.divsi %while3A_430, %while3A_432 : i32
    %while3A_434 = arith.muli %while3A_433, %while3A_432 : i32
    %while3A_435 = arith.addi %select_n3A_427, %while3A_434 : i32
    %while3A_436 = arith.constant 1 : i32
    scf.for %while3A_801 = %select_n3A_427 to %while3A_435 step %while3A_436  : i32 {
      %mul3A = arith.constant 1024 : i32
      %mul3A_802 = arith.muli %while3A_801, %mul3A : i32
      %add3A_803 = arith.constant 32768 : i32
      %add3A_804 = arith.addi %add3A_803, %mul3A_802 : i32
      %multiple_of3A = tpu.assume_multiple %add3A_804, 8 : i32
      %dma_start3A = arith.constant 0 : i32
      %dma_start3A_805 = tpu.memref_slice %arg1[%multiple_of3A, %dma_start3A] : memref<65536x512xf32, #tpu.memory_space<any>> -> memref<1024x512xf32, #tpu.memory_space<any>>
      tpu.enqueue_dma source(%arg2 : memref<1024x512xf32, #tpu.memory_space<vmem>>) target(%dma_start3A_805 : memref<1024x512xf32, #tpu.memory_space<any>>) target_semaphore(%arg3 : memref<!tpu.dma_semaphore, #tpu.memory_space<semaphore_mem>>)
    }
    %while3A_437 = arith.constant 1 : i32
    scf.for %while3A_801 = %while3A_435 to %while3A_431 step %while3A_437  : i32 {
      %mul3A = arith.constant 1024 : i32
      %mul3A_802 = arith.muli %while3A_801, %mul3A : i32
      %add3A_803 = arith.constant 32768 : i32
      %add3A_804 = arith.addi %add3A_803, %mul3A_802 : i32
      %multiple_of3A = tpu.assume_multiple %add3A_804, 8 : i32
      %dma_start3A = arith.constant 0 : i32
      %dma_start3A_805 = tpu.memref_slice %arg1[%multiple_of3A, %dma_start3A] : memref<65536x512xf32, #tpu.memory_space<any>> -> memref<1024x512xf32, #tpu.memory_space<any>>
      tpu.enqueue_dma source(%arg2 : memref<1024x512xf32, #tpu.memory_space<vmem>>) target(%dma_start3A_805 : memref<1024x512xf32, #tpu.memory_space<any>>) target_semaphore(%arg3 : memref<!tpu.dma_semaphore, #tpu.memory_space<semaphore_mem>>)
    }
    %sub3A_438 = arith.constant 4 : i32
    %sub3A_439 = arith.subi %sub3A_438, %select_n3A_427 : i32
    %add3A_440 = arith.addi %add3A_390, %sub3A_439 : i32
    %get3A_441 = arith.constant 10 : index
    %get3A_442 = memref.load %arg0[%get3A_441] : memref<17xi32, #tpu.memory_space<smem>>
    %get3A_443 = arith.constant 9 : index
    %get3A_444 = memref.load %arg0[%get3A_443] : memref<17xi32, #tpu.memory_space<smem>>
    %sub3A_445 = arith.subi %get3A_442, %get3A_444 : i32
    %jit3A_446 = arith.constant 0 : i32
    %jit3A_447 = arith.constant 4096 : i32
    %max3A_448 = arith.maxsi %jit3A_446, %sub3A_445 : i32
    %min3A_449 = arith.minsi %jit3A_447, %max3A_448 : i32
    %add3A_450 = arith.constant 1024 : i32
    %add3A_451 = arith.addi %min3A_449, %add3A_450 : i32
    %sub3A_452 = arith.constant 1 : i32
    %sub3A_453 = arith.subi %add3A_451, %sub3A_452 : i32
    %jit3A_454 = arith.constant 1024 : i32
    %div3A_455 = arith.divsi %sub3A_453, %jit3A_454 : i32
    %sign3A_456 = arith.constant 0 : i32
    %sign3A_457 = arith.cmpi sgt, %sub3A_453, %sign3A_456 : i32
    %sign3A_458 = arith.extui %sign3A_457 : i1 to i32
    %sign3A_459 = arith.constant 0 : i32
    %sign3A_460 = arith.cmpi slt, %sub3A_453, %sign3A_459 : i32
    %sign3A_461 = arith.extui %sign3A_460 : i1 to i32
    %sign3A_462 = arith.subi %sign3A_458, %sign3A_461 : i32
    %sign3A_463 = arith.constant 0 : i32
    %sign3A_464 = arith.cmpi sgt, %jit3A_454, %sign3A_463 : i32
    %sign3A_465 = arith.extui %sign3A_464 : i1 to i32
    %sign3A_466 = arith.constant 0 : i32
    %sign3A_467 = arith.cmpi slt, %jit3A_454, %sign3A_466 : i32
    %sign3A_468 = arith.extui %sign3A_467 : i1 to i32
    %sign3A_469 = arith.subi %sign3A_465, %sign3A_468 : i32
    %ne3A_470 = arith.cmpi ne, %sign3A_462, %sign3A_469 : i32
    %rem3A_471 = arith.remsi %sub3A_453, %jit3A_454 : i32
    %ne3A_472 = arith.constant 0 : i32
    %ne3A_473 = arith.cmpi ne, %rem3A_471, %ne3A_472 : i32
    %and3A_474 = arith.andi %ne3A_470, %ne3A_473 : i1
    %sub3A_475 = arith.constant 1 : i32
    %sub3A_476 = arith.subi %div3A_455, %sub3A_475 : i32
    %select_n3A_477 = arith.select %and3A_474, %sub3A_476, %div3A_455 : i32
    %while3A_478 = arith.constant 0 : i32
    %while3A_479 = arith.constant 4 : i32
    %while3A_480 = arith.subi %while3A_479, %select_n3A_477 : i32
    %while3A_481 = arith.addi %select_n3A_477, %while3A_480 : i32
    %while3A_482 = arith.constant 1 : i32
    %while3A_483 = arith.divsi %while3A_480, %while3A_482 : i32
    %while3A_484 = arith.muli %while3A_483, %while3A_482 : i32
    %while3A_485 = arith.addi %select_n3A_477, %while3A_484 : i32
    %while3A_486 = arith.constant 1 : i32
    scf.for %while3A_801 = %select_n3A_477 to %while3A_485 step %while3A_486  : i32 {
      %mul3A = arith.constant 1024 : i32
      %mul3A_802 = arith.muli %while3A_801, %mul3A : i32
      %add3A_803 = arith.constant 36864 : i32
      %add3A_804 = arith.addi %add3A_803, %mul3A_802 : i32
      %multiple_of3A = tpu.assume_multiple %add3A_804, 8 : i32
      %dma_start3A = arith.constant 0 : i32
      %dma_start3A_805 = tpu.memref_slice %arg1[%multiple_of3A, %dma_start3A] : memref<65536x512xf32, #tpu.memory_space<any>> -> memref<1024x512xf32, #tpu.memory_space<any>>
      tpu.enqueue_dma source(%arg2 : memref<1024x512xf32, #tpu.memory_space<vmem>>) target(%dma_start3A_805 : memref<1024x512xf32, #tpu.memory_space<any>>) target_semaphore(%arg3 : memref<!tpu.dma_semaphore, #tpu.memory_space<semaphore_mem>>)
    }
    %while3A_487 = arith.constant 1 : i32
    scf.for %while3A_801 = %while3A_485 to %while3A_481 step %while3A_487  : i32 {
      %mul3A = arith.constant 1024 : i32
      %mul3A_802 = arith.muli %while3A_801, %mul3A : i32
      %add3A_803 = arith.constant 36864 : i32
      %add3A_804 = arith.addi %add3A_803, %mul3A_802 : i32
      %multiple_of3A = tpu.assume_multiple %add3A_804, 8 : i32
      %dma_start3A = arith.constant 0 : i32
      %dma_start3A_805 = tpu.memref_slice %arg1[%multiple_of3A, %dma_start3A] : memref<65536x512xf32, #tpu.memory_space<any>> -> memref<1024x512xf32, #tpu.memory_space<any>>
      tpu.enqueue_dma source(%arg2 : memref<1024x512xf32, #tpu.memory_space<vmem>>) target(%dma_start3A_805 : memref<1024x512xf32, #tpu.memory_space<any>>) target_semaphore(%arg3 : memref<!tpu.dma_semaphore, #tpu.memory_space<semaphore_mem>>)
    }
    %sub3A_488 = arith.constant 4 : i32
    %sub3A_489 = arith.subi %sub3A_488, %select_n3A_477 : i32
    %add3A_490 = arith.addi %add3A_440, %sub3A_489 : i32
    %get3A_491 = arith.constant 11 : index
    %get3A_492 = memref.load %arg0[%get3A_491] : memref<17xi32, #tpu.memory_space<smem>>
    %get3A_493 = arith.constant 10 : index
    %get3A_494 = memref.load %arg0[%get3A_493] : memref<17xi32, #tpu.memory_space<smem>>
    %sub3A_495 = arith.subi %get3A_492, %get3A_494 : i32
    %jit3A_496 = arith.constant 0 : i32
    %jit3A_497 = arith.constant 4096 : i32
    %max3A_498 = arith.maxsi %jit3A_496, %sub3A_495 : i32
    %min3A_499 = arith.minsi %jit3A_497, %max3A_498 : i32
    %add3A_500 = arith.constant 1024 : i32
    %add3A_501 = arith.addi %min3A_499, %add3A_500 : i32
    %sub3A_502 = arith.constant 1 : i32
    %sub3A_503 = arith.subi %add3A_501, %sub3A_502 : i32
    %jit3A_504 = arith.constant 1024 : i32
    %div3A_505 = arith.divsi %sub3A_503, %jit3A_504 : i32
    %sign3A_506 = arith.constant 0 : i32
    %sign3A_507 = arith.cmpi sgt, %sub3A_503, %sign3A_506 : i32
    %sign3A_508 = arith.extui %sign3A_507 : i1 to i32
    %sign3A_509 = arith.constant 0 : i32
    %sign3A_510 = arith.cmpi slt, %sub3A_503, %sign3A_509 : i32
    %sign3A_511 = arith.extui %sign3A_510 : i1 to i32
    %sign3A_512 = arith.subi %sign3A_508, %sign3A_511 : i32
    %sign3A_513 = arith.constant 0 : i32
    %sign3A_514 = arith.cmpi sgt, %jit3A_504, %sign3A_513 : i32
    %sign3A_515 = arith.extui %sign3A_514 : i1 to i32
    %sign3A_516 = arith.constant 0 : i32
    %sign3A_517 = arith.cmpi slt, %jit3A_504, %sign3A_516 : i32
    %sign3A_518 = arith.extui %sign3A_517 : i1 to i32
    %sign3A_519 = arith.subi %sign3A_515, %sign3A_518 : i32
    %ne3A_520 = arith.cmpi ne, %sign3A_512, %sign3A_519 : i32
    %rem3A_521 = arith.remsi %sub3A_503, %jit3A_504 : i32
    %ne3A_522 = arith.constant 0 : i32
    %ne3A_523 = arith.cmpi ne, %rem3A_521, %ne3A_522 : i32
    %and3A_524 = arith.andi %ne3A_520, %ne3A_523 : i1
    %sub3A_525 = arith.constant 1 : i32
    %sub3A_526 = arith.subi %div3A_505, %sub3A_525 : i32
    %select_n3A_527 = arith.select %and3A_524, %sub3A_526, %div3A_505 : i32
    %while3A_528 = arith.constant 0 : i32
    %while3A_529 = arith.constant 4 : i32
    %while3A_530 = arith.subi %while3A_529, %select_n3A_527 : i32
    %while3A_531 = arith.addi %select_n3A_527, %while3A_530 : i32
    %while3A_532 = arith.constant 1 : i32
    %while3A_533 = arith.divsi %while3A_530, %while3A_532 : i32
    %while3A_534 = arith.muli %while3A_533, %while3A_532 : i32
    %while3A_535 = arith.addi %select_n3A_527, %while3A_534 : i32
    %while3A_536 = arith.constant 1 : i32
    scf.for %while3A_801 = %select_n3A_527 to %while3A_535 step %while3A_536  : i32 {
      %mul3A = arith.constant 1024 : i32
      %mul3A_802 = arith.muli %while3A_801, %mul3A : i32
      %add3A_803 = arith.constant 40960 : i32
      %add3A_804 = arith.addi %add3A_803, %mul3A_802 : i32
      %multiple_of3A = tpu.assume_multiple %add3A_804, 8 : i32
      %dma_start3A = arith.constant 0 : i32
      %dma_start3A_805 = tpu.memref_slice %arg1[%multiple_of3A, %dma_start3A] : memref<65536x512xf32, #tpu.memory_space<any>> -> memref<1024x512xf32, #tpu.memory_space<any>>
      tpu.enqueue_dma source(%arg2 : memref<1024x512xf32, #tpu.memory_space<vmem>>) target(%dma_start3A_805 : memref<1024x512xf32, #tpu.memory_space<any>>) target_semaphore(%arg3 : memref<!tpu.dma_semaphore, #tpu.memory_space<semaphore_mem>>)
    }
    %while3A_537 = arith.constant 1 : i32
    scf.for %while3A_801 = %while3A_535 to %while3A_531 step %while3A_537  : i32 {
      %mul3A = arith.constant 1024 : i32
      %mul3A_802 = arith.muli %while3A_801, %mul3A : i32
      %add3A_803 = arith.constant 40960 : i32
      %add3A_804 = arith.addi %add3A_803, %mul3A_802 : i32
      %multiple_of3A = tpu.assume_multiple %add3A_804, 8 : i32
      %dma_start3A = arith.constant 0 : i32
      %dma_start3A_805 = tpu.memref_slice %arg1[%multiple_of3A, %dma_start3A] : memref<65536x512xf32, #tpu.memory_space<any>> -> memref<1024x512xf32, #tpu.memory_space<any>>
      tpu.enqueue_dma source(%arg2 : memref<1024x512xf32, #tpu.memory_space<vmem>>) target(%dma_start3A_805 : memref<1024x512xf32, #tpu.memory_space<any>>) target_semaphore(%arg3 : memref<!tpu.dma_semaphore, #tpu.memory_space<semaphore_mem>>)
    }
    %sub3A_538 = arith.constant 4 : i32
    %sub3A_539 = arith.subi %sub3A_538, %select_n3A_527 : i32
    %add3A_540 = arith.addi %add3A_490, %sub3A_539 : i32
    %get3A_541 = arith.constant 12 : index
    %get3A_542 = memref.load %arg0[%get3A_541] : memref<17xi32, #tpu.memory_space<smem>>
    %get3A_543 = arith.constant 11 : index
    %get3A_544 = memref.load %arg0[%get3A_543] : memref<17xi32, #tpu.memory_space<smem>>
    %sub3A_545 = arith.subi %get3A_542, %get3A_544 : i32
    %jit3A_546 = arith.constant 0 : i32
    %jit3A_547 = arith.constant 4096 : i32
    %max3A_548 = arith.maxsi %jit3A_546, %sub3A_545 : i32
    %min3A_549 = arith.minsi %jit3A_547, %max3A_548 : i32
    %add3A_550 = arith.constant 1024 : i32
    %add3A_551 = arith.addi %min3A_549, %add3A_550 : i32
    %sub3A_552 = arith.constant 1 : i32
    %sub3A_553 = arith.subi %add3A_551, %sub3A_552 : i32
    %jit3A_554 = arith.constant 1024 : i32
    %div3A_555 = arith.divsi %sub3A_553, %jit3A_554 : i32
    %sign3A_556 = arith.constant 0 : i32
    %sign3A_557 = arith.cmpi sgt, %sub3A_553, %sign3A_556 : i32
    %sign3A_558 = arith.extui %sign3A_557 : i1 to i32
    %sign3A_559 = arith.constant 0 : i32
    %sign3A_560 = arith.cmpi slt, %sub3A_553, %sign3A_559 : i32
    %sign3A_561 = arith.extui %sign3A_560 : i1 to i32
    %sign3A_562 = arith.subi %sign3A_558, %sign3A_561 : i32
    %sign3A_563 = arith.constant 0 : i32
    %sign3A_564 = arith.cmpi sgt, %jit3A_554, %sign3A_563 : i32
    %sign3A_565 = arith.extui %sign3A_564 : i1 to i32
    %sign3A_566 = arith.constant 0 : i32
    %sign3A_567 = arith.cmpi slt, %jit3A_554, %sign3A_566 : i32
    %sign3A_568 = arith.extui %sign3A_567 : i1 to i32
    %sign3A_569 = arith.subi %sign3A_565, %sign3A_568 : i32
    %ne3A_570 = arith.cmpi ne, %sign3A_562, %sign3A_569 : i32
    %rem3A_571 = arith.remsi %sub3A_553, %jit3A_554 : i32
    %ne3A_572 = arith.constant 0 : i32
    %ne3A_573 = arith.cmpi ne, %rem3A_571, %ne3A_572 : i32
    %and3A_574 = arith.andi %ne3A_570, %ne3A_573 : i1
    %sub3A_575 = arith.constant 1 : i32
    %sub3A_576 = arith.subi %div3A_555, %sub3A_575 : i32
    %select_n3A_577 = arith.select %and3A_574, %sub3A_576, %div3A_555 : i32
    %while3A_578 = arith.constant 0 : i32
    %while3A_579 = arith.constant 4 : i32
    %while3A_580 = arith.subi %while3A_579, %select_n3A_577 : i32
    %while3A_581 = arith.addi %select_n3A_577, %while3A_580 : i32
    %while3A_582 = arith.constant 1 : i32
    %while3A_583 = arith.divsi %while3A_580, %while3A_582 : i32
    %while3A_584 = arith.muli %while3A_583, %while3A_582 : i32
    %while3A_585 = arith.addi %select_n3A_577, %while3A_584 : i32
    %while3A_586 = arith.constant 1 : i32
    scf.for %while3A_801 = %select_n3A_577 to %while3A_585 step %while3A_586  : i32 {
      %mul3A = arith.constant 1024 : i32
      %mul3A_802 = arith.muli %while3A_801, %mul3A : i32
      %add3A_803 = arith.constant 45056 : i32
      %add3A_804 = arith.addi %add3A_803, %mul3A_802 : i32
      %multiple_of3A = tpu.assume_multiple %add3A_804, 8 : i32
      %dma_start3A = arith.constant 0 : i32
      %dma_start3A_805 = tpu.memref_slice %arg1[%multiple_of3A, %dma_start3A] : memref<65536x512xf32, #tpu.memory_space<any>> -> memref<1024x512xf32, #tpu.memory_space<any>>
      tpu.enqueue_dma source(%arg2 : memref<1024x512xf32, #tpu.memory_space<vmem>>) target(%dma_start3A_805 : memref<1024x512xf32, #tpu.memory_space<any>>) target_semaphore(%arg3 : memref<!tpu.dma_semaphore, #tpu.memory_space<semaphore_mem>>)
    }
    %while3A_587 = arith.constant 1 : i32
    scf.for %while3A_801 = %while3A_585 to %while3A_581 step %while3A_587  : i32 {
      %mul3A = arith.constant 1024 : i32
      %mul3A_802 = arith.muli %while3A_801, %mul3A : i32
      %add3A_803 = arith.constant 45056 : i32
      %add3A_804 = arith.addi %add3A_803, %mul3A_802 : i32
      %multiple_of3A = tpu.assume_multiple %add3A_804, 8 : i32
      %dma_start3A = arith.constant 0 : i32
      %dma_start3A_805 = tpu.memref_slice %arg1[%multiple_of3A, %dma_start3A] : memref<65536x512xf32, #tpu.memory_space<any>> -> memref<1024x512xf32, #tpu.memory_space<any>>
      tpu.enqueue_dma source(%arg2 : memref<1024x512xf32, #tpu.memory_space<vmem>>) target(%dma_start3A_805 : memref<1024x512xf32, #tpu.memory_space<any>>) target_semaphore(%arg3 : memref<!tpu.dma_semaphore, #tpu.memory_space<semaphore_mem>>)
    }
    %sub3A_588 = arith.constant 4 : i32
    %sub3A_589 = arith.subi %sub3A_588, %select_n3A_577 : i32
    %add3A_590 = arith.addi %add3A_540, %sub3A_589 : i32
    %get3A_591 = arith.constant 13 : index
    %get3A_592 = memref.load %arg0[%get3A_591] : memref<17xi32, #tpu.memory_space<smem>>
    %get3A_593 = arith.constant 12 : index
    %get3A_594 = memref.load %arg0[%get3A_593] : memref<17xi32, #tpu.memory_space<smem>>
    %sub3A_595 = arith.subi %get3A_592, %get3A_594 : i32
    %jit3A_596 = arith.constant 0 : i32
    %jit3A_597 = arith.constant 4096 : i32
    %max3A_598 = arith.maxsi %jit3A_596, %sub3A_595 : i32
    %min3A_599 = arith.minsi %jit3A_597, %max3A_598 : i32
    %add3A_600 = arith.constant 1024 : i32
    %add3A_601 = arith.addi %min3A_599, %add3A_600 : i32
    %sub3A_602 = arith.constant 1 : i32
    %sub3A_603 = arith.subi %add3A_601, %sub3A_602 : i32
    %jit3A_604 = arith.constant 1024 : i32
    %div3A_605 = arith.divsi %sub3A_603, %jit3A_604 : i32
    %sign3A_606 = arith.constant 0 : i32
    %sign3A_607 = arith.cmpi sgt, %sub3A_603, %sign3A_606 : i32
    %sign3A_608 = arith.extui %sign3A_607 : i1 to i32
    %sign3A_609 = arith.constant 0 : i32
    %sign3A_610 = arith.cmpi slt, %sub3A_603, %sign3A_609 : i32
    %sign3A_611 = arith.extui %sign3A_610 : i1 to i32
    %sign3A_612 = arith.subi %sign3A_608, %sign3A_611 : i32
    %sign3A_613 = arith.constant 0 : i32
    %sign3A_614 = arith.cmpi sgt, %jit3A_604, %sign3A_613 : i32
    %sign3A_615 = arith.extui %sign3A_614 : i1 to i32
    %sign3A_616 = arith.constant 0 : i32
    %sign3A_617 = arith.cmpi slt, %jit3A_604, %sign3A_616 : i32
    %sign3A_618 = arith.extui %sign3A_617 : i1 to i32
    %sign3A_619 = arith.subi %sign3A_615, %sign3A_618 : i32
    %ne3A_620 = arith.cmpi ne, %sign3A_612, %sign3A_619 : i32
    %rem3A_621 = arith.remsi %sub3A_603, %jit3A_604 : i32
    %ne3A_622 = arith.constant 0 : i32
    %ne3A_623 = arith.cmpi ne, %rem3A_621, %ne3A_622 : i32
    %and3A_624 = arith.andi %ne3A_620, %ne3A_623 : i1
    %sub3A_625 = arith.constant 1 : i32
    %sub3A_626 = arith.subi %div3A_605, %sub3A_625 : i32
    %select_n3A_627 = arith.select %and3A_624, %sub3A_626, %div3A_605 : i32
    %while3A_628 = arith.constant 0 : i32
    %while3A_629 = arith.constant 4 : i32
    %while3A_630 = arith.subi %while3A_629, %select_n3A_627 : i32
    %while3A_631 = arith.addi %select_n3A_627, %while3A_630 : i32
    %while3A_632 = arith.constant 1 : i32
    %while3A_633 = arith.divsi %while3A_630, %while3A_632 : i32
    %while3A_634 = arith.muli %while3A_633, %while3A_632 : i32
    %while3A_635 = arith.addi %select_n3A_627, %while3A_634 : i32
    %while3A_636 = arith.constant 1 : i32
    scf.for %while3A_801 = %select_n3A_627 to %while3A_635 step %while3A_636  : i32 {
      %mul3A = arith.constant 1024 : i32
      %mul3A_802 = arith.muli %while3A_801, %mul3A : i32
      %add3A_803 = arith.constant 49152 : i32
      %add3A_804 = arith.addi %add3A_803, %mul3A_802 : i32
      %multiple_of3A = tpu.assume_multiple %add3A_804, 8 : i32
      %dma_start3A = arith.constant 0 : i32
      %dma_start3A_805 = tpu.memref_slice %arg1[%multiple_of3A, %dma_start3A] : memref<65536x512xf32, #tpu.memory_space<any>> -> memref<1024x512xf32, #tpu.memory_space<any>>
      tpu.enqueue_dma source(%arg2 : memref<1024x512xf32, #tpu.memory_space<vmem>>) target(%dma_start3A_805 : memref<1024x512xf32, #tpu.memory_space<any>>) target_semaphore(%arg3 : memref<!tpu.dma_semaphore, #tpu.memory_space<semaphore_mem>>)
    }
    %while3A_637 = arith.constant 1 : i32
    scf.for %while3A_801 = %while3A_635 to %while3A_631 step %while3A_637  : i32 {
      %mul3A = arith.constant 1024 : i32
      %mul3A_802 = arith.muli %while3A_801, %mul3A : i32
      %add3A_803 = arith.constant 49152 : i32
      %add3A_804 = arith.addi %add3A_803, %mul3A_802 : i32
      %multiple_of3A = tpu.assume_multiple %add3A_804, 8 : i32
      %dma_start3A = arith.constant 0 : i32
      %dma_start3A_805 = tpu.memref_slice %arg1[%multiple_of3A, %dma_start3A] : memref<65536x512xf32, #tpu.memory_space<any>> -> memref<1024x512xf32, #tpu.memory_space<any>>
      tpu.enqueue_dma source(%arg2 : memref<1024x512xf32, #tpu.memory_space<vmem>>) target(%dma_start3A_805 : memref<1024x512xf32, #tpu.memory_space<any>>) target_semaphore(%arg3 : memref<!tpu.dma_semaphore, #tpu.memory_space<semaphore_mem>>)
    }
    %sub3A_638 = arith.constant 4 : i32
    %sub3A_639 = arith.subi %sub3A_638, %select_n3A_627 : i32
    %add3A_640 = arith.addi %add3A_590, %sub3A_639 : i32
    %get3A_641 = arith.constant 14 : index
    %get3A_642 = memref.load %arg0[%get3A_641] : memref<17xi32, #tpu.memory_space<smem>>
    %get3A_643 = arith.constant 13 : index
    %get3A_644 = memref.load %arg0[%get3A_643] : memref<17xi32, #tpu.memory_space<smem>>
    %sub3A_645 = arith.subi %get3A_642, %get3A_644 : i32
    %jit3A_646 = arith.constant 0 : i32
    %jit3A_647 = arith.constant 4096 : i32
    %max3A_648 = arith.maxsi %jit3A_646, %sub3A_645 : i32
    %min3A_649 = arith.minsi %jit3A_647, %max3A_648 : i32
    %add3A_650 = arith.constant 1024 : i32
    %add3A_651 = arith.addi %min3A_649, %add3A_650 : i32
    %sub3A_652 = arith.constant 1 : i32
    %sub3A_653 = arith.subi %add3A_651, %sub3A_652 : i32
    %jit3A_654 = arith.constant 1024 : i32
    %div3A_655 = arith.divsi %sub3A_653, %jit3A_654 : i32
    %sign3A_656 = arith.constant 0 : i32
    %sign3A_657 = arith.cmpi sgt, %sub3A_653, %sign3A_656 : i32
    %sign3A_658 = arith.extui %sign3A_657 : i1 to i32
    %sign3A_659 = arith.constant 0 : i32
    %sign3A_660 = arith.cmpi slt, %sub3A_653, %sign3A_659 : i32
    %sign3A_661 = arith.extui %sign3A_660 : i1 to i32
    %sign3A_662 = arith.subi %sign3A_658, %sign3A_661 : i32
    %sign3A_663 = arith.constant 0 : i32
    %sign3A_664 = arith.cmpi sgt, %jit3A_654, %sign3A_663 : i32
    %sign3A_665 = arith.extui %sign3A_664 : i1 to i32
    %sign3A_666 = arith.constant 0 : i32
    %sign3A_667 = arith.cmpi slt, %jit3A_654, %sign3A_666 : i32
    %sign3A_668 = arith.extui %sign3A_667 : i1 to i32
    %sign3A_669 = arith.subi %sign3A_665, %sign3A_668 : i32
    %ne3A_670 = arith.cmpi ne, %sign3A_662, %sign3A_669 : i32
    %rem3A_671 = arith.remsi %sub3A_653, %jit3A_654 : i32
    %ne3A_672 = arith.constant 0 : i32
    %ne3A_673 = arith.cmpi ne, %rem3A_671, %ne3A_672 : i32
    %and3A_674 = arith.andi %ne3A_670, %ne3A_673 : i1
    %sub3A_675 = arith.constant 1 : i32
    %sub3A_676 = arith.subi %div3A_655, %sub3A_675 : i32
    %select_n3A_677 = arith.select %and3A_674, %sub3A_676, %div3A_655 : i32
    %while3A_678 = arith.constant 0 : i32
    %while3A_679 = arith.constant 4 : i32
    %while3A_680 = arith.subi %while3A_679, %select_n3A_677 : i32
    %while3A_681 = arith.addi %select_n3A_677, %while3A_680 : i32
    %while3A_682 = arith.constant 1 : i32
    %while3A_683 = arith.divsi %while3A_680, %while3A_682 : i32
    %while3A_684 = arith.muli %while3A_683, %while3A_682 : i32
    %while3A_685 = arith.addi %select_n3A_677, %while3A_684 : i32
    %while3A_686 = arith.constant 1 : i32
    scf.for %while3A_801 = %select_n3A_677 to %while3A_685 step %while3A_686  : i32 {
      %mul3A = arith.constant 1024 : i32
      %mul3A_802 = arith.muli %while3A_801, %mul3A : i32
      %add3A_803 = arith.constant 53248 : i32
      %add3A_804 = arith.addi %add3A_803, %mul3A_802 : i32
      %multiple_of3A = tpu.assume_multiple %add3A_804, 8 : i32
      %dma_start3A = arith.constant 0 : i32
      %dma_start3A_805 = tpu.memref_slice %arg1[%multiple_of3A, %dma_start3A] : memref<65536x512xf32, #tpu.memory_space<any>> -> memref<1024x512xf32, #tpu.memory_space<any>>
      tpu.enqueue_dma source(%arg2 : memref<1024x512xf32, #tpu.memory_space<vmem>>) target(%dma_start3A_805 : memref<1024x512xf32, #tpu.memory_space<any>>) target_semaphore(%arg3 : memref<!tpu.dma_semaphore, #tpu.memory_space<semaphore_mem>>)
    }
    %while3A_687 = arith.constant 1 : i32
    scf.for %while3A_801 = %while3A_685 to %while3A_681 step %while3A_687  : i32 {
      %mul3A = arith.constant 1024 : i32
      %mul3A_802 = arith.muli %while3A_801, %mul3A : i32
      %add3A_803 = arith.constant 53248 : i32
      %add3A_804 = arith.addi %add3A_803, %mul3A_802 : i32
      %multiple_of3A = tpu.assume_multiple %add3A_804, 8 : i32
      %dma_start3A = arith.constant 0 : i32
      %dma_start3A_805 = tpu.memref_slice %arg1[%multiple_of3A, %dma_start3A] : memref<65536x512xf32, #tpu.memory_space<any>> -> memref<1024x512xf32, #tpu.memory_space<any>>
      tpu.enqueue_dma source(%arg2 : memref<1024x512xf32, #tpu.memory_space<vmem>>) target(%dma_start3A_805 : memref<1024x512xf32, #tpu.memory_space<any>>) target_semaphore(%arg3 : memref<!tpu.dma_semaphore, #tpu.memory_space<semaphore_mem>>)
    }
    %sub3A_688 = arith.constant 4 : i32
    %sub3A_689 = arith.subi %sub3A_688, %select_n3A_677 : i32
    %add3A_690 = arith.addi %add3A_640, %sub3A_689 : i32
    %get3A_691 = arith.constant 15 : index
    %get3A_692 = memref.load %arg0[%get3A_691] : memref<17xi32, #tpu.memory_space<smem>>
    %get3A_693 = arith.constant 14 : index
    %get3A_694 = memref.load %arg0[%get3A_693] : memref<17xi32, #tpu.memory_space<smem>>
    %sub3A_695 = arith.subi %get3A_692, %get3A_694 : i32
    %jit3A_696 = arith.constant 0 : i32
    %jit3A_697 = arith.constant 4096 : i32
    %max3A_698 = arith.maxsi %jit3A_696, %sub3A_695 : i32
    %min3A_699 = arith.minsi %jit3A_697, %max3A_698 : i32
    %add3A_700 = arith.constant 1024 : i32
    %add3A_701 = arith.addi %min3A_699, %add3A_700 : i32
    %sub3A_702 = arith.constant 1 : i32
    %sub3A_703 = arith.subi %add3A_701, %sub3A_702 : i32
    %jit3A_704 = arith.constant 1024 : i32
    %div3A_705 = arith.divsi %sub3A_703, %jit3A_704 : i32
    %sign3A_706 = arith.constant 0 : i32
    %sign3A_707 = arith.cmpi sgt, %sub3A_703, %sign3A_706 : i32
    %sign3A_708 = arith.extui %sign3A_707 : i1 to i32
    %sign3A_709 = arith.constant 0 : i32
    %sign3A_710 = arith.cmpi slt, %sub3A_703, %sign3A_709 : i32
    %sign3A_711 = arith.extui %sign3A_710 : i1 to i32
    %sign3A_712 = arith.subi %sign3A_708, %sign3A_711 : i32
    %sign3A_713 = arith.constant 0 : i32
    %sign3A_714 = arith.cmpi sgt, %jit3A_704, %sign3A_713 : i32
    %sign3A_715 = arith.extui %sign3A_714 : i1 to i32
    %sign3A_716 = arith.constant 0 : i32
    %sign3A_717 = arith.cmpi slt, %jit3A_704, %sign3A_716 : i32
    %sign3A_718 = arith.extui %sign3A_717 : i1 to i32
    %sign3A_719 = arith.subi %sign3A_715, %sign3A_718 : i32
    %ne3A_720 = arith.cmpi ne, %sign3A_712, %sign3A_719 : i32
    %rem3A_721 = arith.remsi %sub3A_703, %jit3A_704 : i32
    %ne3A_722 = arith.constant 0 : i32
    %ne3A_723 = arith.cmpi ne, %rem3A_721, %ne3A_722 : i32
    %and3A_724 = arith.andi %ne3A_720, %ne3A_723 : i1
    %sub3A_725 = arith.constant 1 : i32
    %sub3A_726 = arith.subi %div3A_705, %sub3A_725 : i32
    %select_n3A_727 = arith.select %and3A_724, %sub3A_726, %div3A_705 : i32
    %while3A_728 = arith.constant 0 : i32
    %while3A_729 = arith.constant 4 : i32
    %while3A_730 = arith.subi %while3A_729, %select_n3A_727 : i32
    %while3A_731 = arith.addi %select_n3A_727, %while3A_730 : i32
    %while3A_732 = arith.constant 1 : i32
    %while3A_733 = arith.divsi %while3A_730, %while3A_732 : i32
    %while3A_734 = arith.muli %while3A_733, %while3A_732 : i32
    %while3A_735 = arith.addi %select_n3A_727, %while3A_734 : i32
    %while3A_736 = arith.constant 1 : i32
    scf.for %while3A_801 = %select_n3A_727 to %while3A_735 step %while3A_736  : i32 {
      %mul3A = arith.constant 1024 : i32
      %mul3A_802 = arith.muli %while3A_801, %mul3A : i32
      %add3A_803 = arith.constant 57344 : i32
      %add3A_804 = arith.addi %add3A_803, %mul3A_802 : i32
      %multiple_of3A = tpu.assume_multiple %add3A_804, 8 : i32
      %dma_start3A = arith.constant 0 : i32
      %dma_start3A_805 = tpu.memref_slice %arg1[%multiple_of3A, %dma_start3A] : memref<65536x512xf32, #tpu.memory_space<any>> -> memref<1024x512xf32, #tpu.memory_space<any>>
      tpu.enqueue_dma source(%arg2 : memref<1024x512xf32, #tpu.memory_space<vmem>>) target(%dma_start3A_805 : memref<1024x512xf32, #tpu.memory_space<any>>) target_semaphore(%arg3 : memref<!tpu.dma_semaphore, #tpu.memory_space<semaphore_mem>>)
    }
    %while3A_737 = arith.constant 1 : i32
    scf.for %while3A_801 = %while3A_735 to %while3A_731 step %while3A_737  : i32 {
      %mul3A = arith.constant 1024 : i32
      %mul3A_802 = arith.muli %while3A_801, %mul3A : i32
      %add3A_803 = arith.constant 57344 : i32
      %add3A_804 = arith.addi %add3A_803, %mul3A_802 : i32
      %multiple_of3A = tpu.assume_multiple %add3A_804, 8 : i32
      %dma_start3A = arith.constant 0 : i32
      %dma_start3A_805 = tpu.memref_slice %arg1[%multiple_of3A, %dma_start3A] : memref<65536x512xf32, #tpu.memory_space<any>> -> memref<1024x512xf32, #tpu.memory_space<any>>
      tpu.enqueue_dma source(%arg2 : memref<1024x512xf32, #tpu.memory_space<vmem>>) target(%dma_start3A_805 : memref<1024x512xf32, #tpu.memory_space<any>>) target_semaphore(%arg3 : memref<!tpu.dma_semaphore, #tpu.memory_space<semaphore_mem>>)
    }
    %sub3A_738 = arith.constant 4 : i32
    %sub3A_739 = arith.subi %sub3A_738, %select_n3A_727 : i32
    %add3A_740 = arith.addi %add3A_690, %sub3A_739 : i32
    %get3A_741 = arith.constant 16 : index
    %get3A_742 = memref.load %arg0[%get3A_741] : memref<17xi32, #tpu.memory_space<smem>>
    %get3A_743 = arith.constant 15 : index
    %get3A_744 = memref.load %arg0[%get3A_743] : memref<17xi32, #tpu.memory_space<smem>>
    %sub3A_745 = arith.subi %get3A_742, %get3A_744 : i32
    %jit3A_746 = arith.constant 0 : i32
    %jit3A_747 = arith.constant 4096 : i32
    %max3A_748 = arith.maxsi %jit3A_746, %sub3A_745 : i32
    %min3A_749 = arith.minsi %jit3A_747, %max3A_748 : i32
    %add3A_750 = arith.constant 1024 : i32
    %add3A_751 = arith.addi %min3A_749, %add3A_750 : i32
    %sub3A_752 = arith.constant 1 : i32
    %sub3A_753 = arith.subi %add3A_751, %sub3A_752 : i32
    %jit3A_754 = arith.constant 1024 : i32
    %div3A_755 = arith.divsi %sub3A_753, %jit3A_754 : i32
    %sign3A_756 = arith.constant 0 : i32
    %sign3A_757 = arith.cmpi sgt, %sub3A_753, %sign3A_756 : i32
    %sign3A_758 = arith.extui %sign3A_757 : i1 to i32
    %sign3A_759 = arith.constant 0 : i32
    %sign3A_760 = arith.cmpi slt, %sub3A_753, %sign3A_759 : i32
    %sign3A_761 = arith.extui %sign3A_760 : i1 to i32
    %sign3A_762 = arith.subi %sign3A_758, %sign3A_761 : i32
    %sign3A_763 = arith.constant 0 : i32
    %sign3A_764 = arith.cmpi sgt, %jit3A_754, %sign3A_763 : i32
    %sign3A_765 = arith.extui %sign3A_764 : i1 to i32
    %sign3A_766 = arith.constant 0 : i32
    %sign3A_767 = arith.cmpi slt, %jit3A_754, %sign3A_766 : i32
    %sign3A_768 = arith.extui %sign3A_767 : i1 to i32
    %sign3A_769 = arith.subi %sign3A_765, %sign3A_768 : i32
    %ne3A_770 = arith.cmpi ne, %sign3A_762, %sign3A_769 : i32
    %rem3A_771 = arith.remsi %sub3A_753, %jit3A_754 : i32
    %ne3A_772 = arith.constant 0 : i32
    %ne3A_773 = arith.cmpi ne, %rem3A_771, %ne3A_772 : i32
    %and3A_774 = arith.andi %ne3A_770, %ne3A_773 : i1
    %sub3A_775 = arith.constant 1 : i32
    %sub3A_776 = arith.subi %div3A_755, %sub3A_775 : i32
    %select_n3A_777 = arith.select %and3A_774, %sub3A_776, %div3A_755 : i32
    %while3A_778 = arith.constant 0 : i32
    %while3A_779 = arith.constant 4 : i32
    %while3A_780 = arith.subi %while3A_779, %select_n3A_777 : i32
    %while3A_781 = arith.addi %select_n3A_777, %while3A_780 : i32
    %while3A_782 = arith.constant 1 : i32
    %while3A_783 = arith.divsi %while3A_780, %while3A_782 : i32
    %while3A_784 = arith.muli %while3A_783, %while3A_782 : i32
    %while3A_785 = arith.addi %select_n3A_777, %while3A_784 : i32
    %while3A_786 = arith.constant 1 : i32
    scf.for %while3A_801 = %select_n3A_777 to %while3A_785 step %while3A_786  : i32 {
      %mul3A = arith.constant 1024 : i32
      %mul3A_802 = arith.muli %while3A_801, %mul3A : i32
      %add3A_803 = arith.constant 61440 : i32
      %add3A_804 = arith.addi %add3A_803, %mul3A_802 : i32
      %multiple_of3A = tpu.assume_multiple %add3A_804, 8 : i32
      %dma_start3A = arith.constant 0 : i32
      %dma_start3A_805 = tpu.memref_slice %arg1[%multiple_of3A, %dma_start3A] : memref<65536x512xf32, #tpu.memory_space<any>> -> memref<1024x512xf32, #tpu.memory_space<any>>
      tpu.enqueue_dma source(%arg2 : memref<1024x512xf32, #tpu.memory_space<vmem>>) target(%dma_start3A_805 : memref<1024x512xf32, #tpu.memory_space<any>>) target_semaphore(%arg3 : memref<!tpu.dma_semaphore, #tpu.memory_space<semaphore_mem>>)
    }
    %while3A_787 = arith.constant 1 : i32
    scf.for %while3A_801 = %while3A_785 to %while3A_781 step %while3A_787  : i32 {
      %mul3A = arith.constant 1024 : i32
      %mul3A_802 = arith.muli %while3A_801, %mul3A : i32
      %add3A_803 = arith.constant 61440 : i32
      %add3A_804 = arith.addi %add3A_803, %mul3A_802 : i32
      %multiple_of3A = tpu.assume_multiple %add3A_804, 8 : i32
      %dma_start3A = arith.constant 0 : i32
      %dma_start3A_805 = tpu.memref_slice %arg1[%multiple_of3A, %dma_start3A] : memref<65536x512xf32, #tpu.memory_space<any>> -> memref<1024x512xf32, #tpu.memory_space<any>>
      tpu.enqueue_dma source(%arg2 : memref<1024x512xf32, #tpu.memory_space<vmem>>) target(%dma_start3A_805 : memref<1024x512xf32, #tpu.memory_space<any>>) target_semaphore(%arg3 : memref<!tpu.dma_semaphore, #tpu.memory_space<semaphore_mem>>)
    }
    %sub3A_788 = arith.constant 4 : i32
    %sub3A_789 = arith.subi %sub3A_788, %select_n3A_777 : i32
    %add3A_790 = arith.addi %add3A_740, %sub3A_789 : i32
    %while3A_791 = arith.constant 0 : i32
    %while3A_792 = arith.constant 0 : i32
    %while3A_793 = arith.subi %add3A_790, %while3A_792 : i32
    %while3A_794 = arith.addi %while3A_792, %while3A_793 : i32
    %while3A_795 = arith.constant 1 : i32
    %while3A_796 = arith.divsi %while3A_793, %while3A_795 : i32
    %while3A_797 = arith.muli %while3A_796, %while3A_795 : i32
    %while3A_798 = arith.addi %while3A_792, %while3A_797 : i32
    %while3A_799 = arith.constant 1 : i32
    scf.for %while3A_801 = %while3A_792 to %while3A_798 step %while3A_799  : i32 {
      %dma_wait3A = arith.constant 0 : i32
      %dma_wait3A_802 = arith.constant 0 : i32
      %dma_wait3A_803 = tpu.memref_slice %arg1[%dma_wait3A, %dma_wait3A_802] : memref<65536x512xf32, #tpu.memory_space<any>> -> memref<1024x512xf32, #tpu.memory_space<any>>
      tpu.wait_dma2 semaphore(%arg3 : memref<!tpu.dma_semaphore, #tpu.memory_space<semaphore_mem>>) src(%arg2 : memref<1024x512xf32, #tpu.memory_space<vmem>>) dst(%dma_wait3A_803 : memref<1024x512xf32, #tpu.memory_space<any>>)
    }
    %while3A_800 = arith.constant 1 : i32
    scf.for %while3A_801 = %while3A_798 to %while3A_794 step %while3A_800  : i32 {
      %dma_wait3A = arith.constant 0 : i32
      %dma_wait3A_802 = arith.constant 0 : i32
      %dma_wait3A_803 = tpu.memref_slice %arg1[%dma_wait3A, %dma_wait3A_802] : memref<65536x512xf32, #tpu.memory_space<any>> -> memref<1024x512xf32, #tpu.memory_space<any>>
      tpu.wait_dma2 semaphore(%arg3 : memref<!tpu.dma_semaphore, #tpu.memory_space<semaphore_mem>>) src(%arg2 : memref<1024x512xf32, #tpu.memory_space<vmem>>) dst(%dma_wait3A_803 : memref<1024x512xf32, #tpu.memory_space<any>>)
    }
    return
  }
}

</mosaic_0001>

<sc_bundles>
// kernel: kernel.5.cloned.1.call-start
scs
__scs_entry_jumppad:
0x0: {  	(pc) =	sbr.rel $0x88, $3  }
0x1: {  	(tag) =	ssettag $0x0;
	lr =	simm.s32 $0x1  }
0x2: {  	[smem:$0x3F9F] =	sst lr;
	_ =	strace $0xD0000000  }
0x3: {  	_ = 	snop  }
0x4: {  	_ = 	snop  }
0x5: {  	_ = 	snop  }
0x6: {  	_ = 	snop  }
0x7: {  	_ = 	snop  }
__scs_overlays_trampoline_lowered:
0x8: {  	[smem:$0x3FAE] =	sst s0  }
0x9: {  	[smem:$0x3FAF] =	sst s1  }
0xa: {  	[smem:$0x3FB0] =	sst s2  }
0xb: {  	[smem:$0x3FB1] =	sst s3  }
0xc: {  	[smem:$0x3FB2] =	sst s4  }
0xd: {  	[smem:$0x3FB3] =	sst s5  }
0xe: {  	[smem:$0x3FB4] =	sst s6  }
0xf: {  	[smem:$0x3FB5] =	sst s7  }
0x10: {  	[smem:$0x3FB6] =	sst s8  }
0x11: {  	[smem:$0x3FB7] =	sst s9;
	s0 =	simm.s32 @!p0 $0x0  }
0x12: {  	s1 =	sld [smem:$0x3F9D];
	s0 =	simm.s32 @p0 $0x1  }
0x13: {  	[smem:$0x3FB8] =	sst s0;
	s0 =	simm.s32 @!p1 $0x0  }
0x14: {  	s2 =	sld [smem:$0x3F9C];
	s0 =	simm.s32 @p1 $0x1  }
0x15: {  	[smem:$0x3FB9] =	sst s0;
	s0 =	simm.s32 @!p2 $0x0  }
0x16: {  	s3 =	sld [smem:$0x3FDB];
	s0 =	simm.s32 @p2 $0x1  }
0x17: {  	s4 =	simm.s32 $0x1BF5;
	[smem:$0x3FBB] =	sst s0  }
0x18: {  	s0 =	sld [smem:$0x3F9E];
	_ =	swait.ge [sflag:s4], $0x0  }
0x19: {  	s7 =	sld [smem:$0x3F9F]  }
0x1a: {  	s8 =	sadd.s32 $0xFFFFE003, lr  }
0x1b: {  	s9 =	sadd.s32 $0xFFFFFEF7, lr;
	s5 =	simm.s32 $0xFFFFFFFF;
	p2 =	slt.u32 s8, $0xFFFFF086  }
0x1c: {  	p1 =	slt.u32 s9, $0xF7A;
	s5 =	simm.s32 @!p2 $0x0  }
0x1d: {  	s5 =	simm.s32 @p1 $0x1;
	p0 =	seq.s32 s7, s2  }
0x1e: {  	s7 =	smul.u32 @!p0 $0xF7A, s2;
	p2 =	seq.s32 @!p0 s5, $0x0  }
0x1f: {  	s9 =	smul.u32 $0xF7A, s1;
	s8 =	simm.s32 @!p0 $0x1BF5;
	p2 =	por !p2, p0  }
0x20: {  	[sflag:s8] =	ssyncset.s32 @!p0 $0xFFFFF086;
	s6 =	sadd.s32 @!p0 s3, s7;
	s7 =	simm.s32 @!p0 $0x108  }
0x21: {  	s3 =	sadd.s32 s3, s9;
	s6 =	sadd.s32 @!p0 $0x88, s6;
	s7 =	simm.s32 @p2 $0x1082  }
0x22: {  	[simem:s7], [sflag:s8] =	dma.local @!p0 [hbm:s6], $0xF7A  }
0x23: {  	s9 =	sor.u32 $0xD0000000, s2;
	s6 =	simm.s32 $0x108;
	_ =	swait.ge @!p0 [sflag:s8], $0x0  }
0x24: {  	s3 =	sadd.s32 $0x88, s3;
	s6 =	simm.s32 @!p1 $0x1082;
	[sflag:s4] =	ssyncset.s32 $0xFFFFF086  }
0x25: {  	[simem:s6], [sflag:s4] =	dma.local [hbm:s3], $0xF7A  }
0x26: {  	[smem:$0x3F9F] =	sst s1;
	(tag) =	ssettag s2;
	_ =	strace s9  }
0x27: {  	s1 =	sld [smem:$0x3FAF]  }
0x28: {  	s2 =	sld [smem:$0x3FB0]  }
0x29: {  	s4 =	sld [smem:$0x3FB2]  }
0x2a: {  	p0 =	seq.s32 s5, $0x0;
	s5 =	sld [smem:$0x3FB3]  }
0x2b: {  	s6 =	sld [smem:$0x3FB4]  }
0x2c: {  	s7 =	sld [smem:$0x3FB5]  }
0x2d: {  	s3 =	simm.s32 $0x108;
	s8 =	sld [smem:$0x3FB6]  }
0x2e: {  	s3 =	simm.s32 @!p0 $0x1082;
	s9 =	sld [smem:$0x3FB7]  }
0x2f: {  	lr =	sadd.s32 s0, s3;
	s0 =	sld [smem:$0x3FAE]  }
0x30: {  	s3 =	sld [smem:$0x3FB1]  }
0x31: {  	[smem:$0x3FBA] =	sst s10  }
0x32: {  	s10 =	sld [smem:$0x3FB8];
	_ =	sdelay $0x3  }
0x33: {  	p0 =	seq.s32 s10, $0x1;
	s10 =	sld [smem:$0x3FBA];
	_ =	sdelay $0x3  }
0x34: {  	[smem:$0x3FBA] =	sst s10  }
0x35: {  	s10 =	sld [smem:$0x3FB9];
	_ =	sdelay $0x3  }
0x36: {  	p1 =	seq.s32 s10, $0x1;
	s10 =	sld [smem:$0x3FBA];
	_ =	sdelay $0x3  }
0x37: {  	[smem:$0x3FBA] =	sst s10  }
0x38: {  	s10 =	sld [smem:$0x3FBB]  }
0x39: {  	_ = 	snop;
	(pc) =	sbr.ind lr, $3  }
0x3a: {  	_ = 	snop  }
0x3b: {  	_ = 	snop  }
0x3c: {  	p2 =	seq.s32 s10, $0x1;
	s10 =	sld [smem:$0x3FBA]  }
0x3d: {  	_ =	shalt  }
0x3e: {  	_ =	shalt  }
0x3f: {  	_ =	shalt  }
0x40: {  	_ =	shalt  }
0x41: {  	_ =	shalt  }
0x42: {  	_ =	shalt  }
0x43: {  	_ =	shalt  }
0x44: {  	_ =	shalt  }
0x45: {  	_ =	shalt  }
0x46: {  	_ =	shalt  }
0x47: {  	_ =	shalt  }
0x48: {  	_ =	shalt  }
0x49: {  	_ =	shalt  }
0x4a: {  	_ =	shalt  }
0x4b: {  	_ =	shalt  }
0x4c: {  	_ =	shalt  }
0x4d: {  	_ =	shalt  }
0x4e: {  	_ =	shalt  }
0x4f: {  	_ =	shalt  }
0x50: {  	_ =	shalt  }
0x51: {  	_ =	shalt  }
0x52: {  	_ =	shalt  }
0x53: {  	_ =	shalt  }
0x54: {  	_ =	shalt  }
0x55: {  	_ =	shalt  }
0x56: {  	_ =	shalt  }
0x57: {  	_ =	shalt  }
0x58: {  	_ =	shalt  }
0x59: {  	_ =	shalt  }
0x5a: {  	_ =	shalt  }
0x5b: {  	_ =	shalt  }
0x5c: {  	_ =	shalt  }
0x5d: {  	_ =	shalt  }
0x5e: {  	_ =	shalt  }
0x5f: {  	_ =	shalt  }
0x60: {  	_ =	shalt  }
0x61: {  	_ =	shalt  }
0x62: {  	_ =	shalt  }
0x63: {  	_ =	shalt  }
0x64: {  	_ =	shalt  }
0x65: {  	_ =	shalt  }
0x66: {  	_ =	shalt  }
0x67: {  	_ =	shalt  }
0x68: {  	_ =	shalt  }
0x69: {  	_ =	shalt  }
0x6a: {  	_ =	shalt  }
0x6b: {  	_ =	shalt  }
0x6c: {  	_ =	shalt  }
0x6d: {  	_ =	shalt  }
0x6e: {  	_ =	shalt  }
0x6f: {  	_ =	shalt  }
0x70: {  	_ =	shalt  }
0x71: {  	_ =	shalt  }
0x72: {  	_ =	shalt  }
0x73: {  	_ =	shalt  }
0x74: {  	_ =	shalt  }
0x75: {  	_ =	shalt  }
0x76: {  	_ =	shalt  }
0x77: {  	_ =	shalt  }
0x78: {  	_ =	shalt  }
0x79: {  	_ =	shalt  }
0x7a: {  	_ =	shalt  }
0x7b: {  	_ =	shalt  }
0x7c: {  	_ =	shalt  }
0x7d: {  	_ =	shalt  }
0x7e: {  	_ =	shalt  }
0x7f: {  	_ =	shalt  }
0x80: {  	_ =	shalt  }
0x81: {  	_ =	shalt  }
0x82: {  	_ =	shalt  }
0x83: {  	_ =	shalt  }
0x84: {  	_ =	shalt  }
0x85: {  	_ =	shalt  }
0x86: {  	_ =	shalt  }
0x87: {  	_ =	shalt  }
.Lfunc_end0:
.L_simem_size_0:
called_computation_lowered:
.L_overlay_start_0:
0x88: {  	s2 =	sld [smem:$0x3FD9]  }
0x89: {  	s3 =	sld [smem:$0x3FFE];
	_ =	sdelay $0x1  }
0x8a: {  	s1 =	srdreg.scid  }
0x8b: {  	s0 =	sand.u32 $0x1, s1  }
0x8c: {  	s17 =	sshll.u32 s0, $0xA;
	s2 =	sadd.s32 s3, s2  }
0x8d: {  	s2 =	sadd.s32 s2, s17  }
0x8e: {  	[smem:$0x3FC6] =	sst s2  }
0x8f: {  	_ = 	snop  }
0x90: {  	s2 =	sld [smem:$0x3FC9];
	(tm) =	ssettm $0x1  }
0x91: {  	s18 =	sld [smem:$0x3FFB];
	_ =	sdelay $0x3  }
0x92: {  	_ =	strace s18  }
0x93: {  	s3 =	sld [smem:$0x3FFC];
	_ =	sdelay $0x3  }
0x94: {  	_ =	strace s3  }
0x95: {  	s3 =	sld [smem:$0x3FFD];
	_ =	sdelay $0x3  }
0x96: {  	_ =	strace s3  }
0x97: {  	_ =	strace $0x8FFFFFFF  }
0x98: {  	s19 =	sld [smem:$0x3FDB];
	_ =	sdelay $0x1  }
0x99: {  	s4 =	simm.s32 $_scs_section_size  }
0x9a: {  	s5 =	simm.s32 $_size__tile_overlayer_lowered;
	s6 =	simm.s32 $_tile_overlayer_lowered  }
0x9b: {  	s22 =	simm.s32 $0x1BFF;
	s21 =	sshll.u32 s6, $0x1;
	s3 =	sadd.s32 s4, s19  }
0x9c: {  	s7 =	simm.s32 $0x0;
	s20 =	sshll.u32 s5, $0x1;
	s5 =	sadd.s32 s21, s3  }
0x9d: {  	[timem:s7], [sflag:s22] =	dma.local [hbm:s5], s20  }
0x9e: {  	_ =	swait.ge [sflag:s22], s20  }
0x9f: {  	s4 =	ssub.s32 $0x0, s20;
	[sflag:s22] =	ssyncset.done $0x0  }
0xa0: {  	[sflag:s22] =	ssyncadd.s32 s4;
	_ =	sdelay $0x1  }
0xa1: {  	s23 =	simm.s32 $0x1B8B  }
0xa2: {  	_ =	swait.ge [sflag:s23], $0x1  }
0xa3: {  	[sflag:s23] =	ssyncset.done $0x0  }
0xa4: {  	s25 =	simm.s32 $0x1B8E;
	s24 =	sld [smem:$0x3FFE];
	[sflag:s23] =	ssyncadd.s32 $0xFFFFFFFF  }
0xa5: {  	s26 =	simm.s32 $execute0_lowered;
	[smem:$0x3FD2] =	sst s25  }
0xa6: {  	s5 =	sshll.u32 s26, $0x1;
	_ =	strace $0x80000046;
	[dreg:$0x1] =	wrdreg $0xFFFFFFFF  }
0xa7: {  	s28 =	simm.s32 $_size_execute0_lowered;
	s3 =	sadd.s32 s3, s5;
	[dreg:$0x0] =	wrdreg $0x0  }
0xa8: {  	s5 =	sshll.u32 s28, $0x1;
	[dreg:$0x2] =	wrdreg s3  }
0xa9: {  	[dreg:$0x3] =	wrdreg s5  }
0xaa: {  	[dreg:$0x4] =	wrdreg $0xC0  }
0xab: {  	_ =	task [dreg:s7], $0x5FFFF  }
0xac: {  	[dreg:$0x1] =	wrdreg $0xFFFFFFFF  }
0xad: {  	[dreg:$0x0] =	wrdreg $0x60  }
0xae: {  	[dreg:$0x2] =	wrdreg s2  }
0xaf: {  	[dreg:$0x3] =	wrdreg s24  }
0xb0: {  	[dreg:$0x4] =	wrdreg $0x9  }
0xb1: {  	_ =	task.clear_ibuf [dreg:s7], $0x5FFFF;
	_ =	strace $0x90000046  }
0xb2: {  	s29 =	simm.s32 $0x9;
	_ =	strace $0x80000048  }
0xb3: {  	_ =	swait.ge [sflag:s29], $0x1  }
0xb4: {  	[sflag:s29] =	ssyncadd.s32 $0xFFFFFFFF  }
0xb5: {  	_ =	strace $0x90000048  }
0xb6: {  	_ =	sfence  }
0xb7: {  	s30 =	sld [smem:$0x0];
	_ =	sdelay $0x2  }
0xb8: {  	s31 =	sshll.u32 s1, $0xD;
	s1 =	sshrl.u32 s1, $0x2  }
0xb9: {  	s3 =	sand.u32 $0x4000, s31;
	s1 =	sadd.s32 s1, s30  }
0xba: {  	s0 =	sor.u32 s3, s0;
	s1 =	sshll.u32 s1, $0x11  }
0xbb: {  	s0 =	sor.u32 s1, s0  }
0xbc: {  	s0 =	sadd.s32 $0x8F2B, s0  }
0xbd: {  	[sflag:s0] =	ssyncadd.remote.s32 $0x1  }
0xbe: {  	_ =	sfence.sel $0xFFFF  }
0xbf: {  	[dreg:$0x0] =	wrdreg $0xFFFFFFFF;
	(pc) =	sbr.abs _section_cstart, $3  }
0xc0: {  	[dreg:$0x1] =	wrdreg $0xFFFFFFFF  }
0xc1: {  	_ =	task.clear_ibuf [dreg:s7], $0x2FFFF;
	_ =	strace $0x9FFFFFFF  }
0xc2: {  	(tm) =	ssettm $0x7FFFFFFF  }
0xc3: {  	_ =	shalt  }
tec
execute0_lowered:
.L_overlay_start_1:
0x0: {  	(tag) =	ssettag $0x1  }
0x1: {  	s1 =	rddreg [dreg:$0x0];
	s0 =	srdreg.scid  }
0x2: {  	s6 =	rddreg [dreg:$0x1];
	s2 =	stileid.u32;
	s3 =	simm.s32 $0x0  }
0x3: {  	s9 =	simm.s32 $0x1;
	s12 =	simm.s32 $0x5;
	s7 =	sand.u32 $0x1, s0  }
0x4: {  	s13 =	simm.s32 $0x0;
	s0 =	rddreg [dreg:$0x2];
	s4 =	sshll.u32 s7, $0x4  }
0x5: {  	[smem:$0x7FF] =	sst s3;
	s8 =	sor.u32 s2, s4;
	s4 =	sand.u32 $0x1, s2  }
0x6: {  	s5 =	sadd.s32 $0x600, s6;
	p0 =	seq.s32 s8, $0x0;
	p1 =	seq.s32 s4, $0x1  }
.Ltmp0:
0x7: {  	s6 =	sadd.s32 $0x800, s6;
	p0 =	por !p0, !p1;
	(pc) =	sbr.rel .LBB2_1-.Ltmp0, $4  }
0x8: {  	_ =	strace $0x80000047;
	s10 =	ssub.s32 $0x2, s7;
	p0 =	por !p0, !p0  }
0x9: {  	s11 =	sshrl.u32 s10, $0x1;
	s31 =	sshrl.u32 s8, $0x1;
	s9 =	simm.s32 @!p0 $0x0  }
0xa: {  	s8 =	sshll.u32 s4, $0x6;
	s11 =	ssub.s32 s10, s11;
	s7 =	ssub.s32 s31, s9  }
0xb: {  	s10 =	sor.u32 $0x80, s8;
	s11 =	smax.u32 s11, $0x1;
	s9 =	smul.u32 $0x1040, s7  }
.LBB2_4:
0xc: {  	p3 =	por @!p0 $0x0, $0x0;
	p2 =	por @!p2 $0x1, $0x1;
	s14 =	simm.s32 @!p0 $0x3  }
0xd: {  	p1 =	por !p1, p0;
	s13 =	sadd.s32 $0x1, s13;
	_ =	swait.ge @!p0 [sflag:s14], $0x8000  }
0xe: {  	p2 =	por @!p1 p3, p3;
	p1 =	por $0x0, $0x0;
	[sflag:s14] =	ssyncset.done @!p0 $0x0  }
0xf: {  	p1 =	por @!p0 p2, p2;
	[sflag:s14] =	ssyncadd.s32 @!p0 $0xFFFF8000;
	p0 =	sne.s32 s13, s11  }
.Ltmp1:
0x10: {  	_ = 	snop;
	(pc) =	sbr.rel @!p0 .LBB2_5-.Ltmp1, $4  }
0x11: {  	s14 =	simm.s32 @p1 $0x4  }
0x12: {  	_ =	swait.ge @p1 [sflag:s14], $0x8000  }
0x13: {  	[sflag:s14] =	ssyncset.done @p1 $0x0  }
0x14: {  	[sflag:s14] =	ssyncadd.s32 @p1 $0xFFFF8000  }
.LBB2_1:
0x15: {  	[tilespmem:s3], [sflag:$0x5] =	stream.linear.gather [hbm4b:s5+s3], $0x80, $0x38;
	[tilespmem:$0x10080] =	vst v63  }
0x16: {  	_ =	swait.ge [sflag:s12], $0x80  }
0x17: {  	[sflag:s12] =	ssyncset.done $0x0  }
0x18: {  	[sflag:s12] =	ssyncadd.s32 $0xFFFFFF80  }
0x19: {  	v0 =	vld [tilespmem:s7+$0x0];
	_ =	sdelay $0x4  }
0x1a: {  	(v2sf) =	vpush v0, $0x0  }
0x1b: {  	(v2sf) =	vpush v0, $0x1;
	_ =	sdelay $0xd  }
0x1c: {  	s16 =	spop (v2sf)  }
0x1d: {  	s14 =	spop (v2sf);
	s15 =	sshra.s32 s16, $0x1F  }
0x1e: {  	s14 =	ssub.s32 s14, s16;
	s15 =	sshrl.u32 s15, $0x1D  }
0x1f: {  	p0 =	sgt.s32 s14, $0x0;
	s15 =	sadd.s32 s15, s16  }
0x20: {  	s14 =	simm.s32 @!p0 $0x0;
	s15 =	sand.u32 $0xFFFFFFF8, s15  }
0x21: {  	s14 =	smin.u32 s14, $0x1000;
	s17 =	ssub.s32 s16, s15  }
0x22: {  	s14 =	sadd.s32 s14, s17  }
0x23: {  	s14 =	sadd.s32 $0x3F, s14  }
0x24: {  	s14 =	sshrl.u32 s14, $0x6  }
0x25: {  	s14 =	ssub.s32 s14, s4  }
0x26: {  	s18 =	sadd.s32 $0x1, s14  }
0x27: {  	s19 =	sand.u32 $0x1, s18  }
0x28: {  	p6 =	slt.s32 s14, $0x0;
	p1 =	seq.s32 s19, $0x1  }
0x29: {  	p0 =	por !p6, !p1  }
0x2a: {  	s14 =	simm.s32 $0x1;
	p0 =	por !p0, !p0  }
0x2b: {  	s18 =	sshrl.u32 s18, $0x1;
	s14 =	simm.s32 @!p0 $0x0  }
0x2c: {  	s14 =	ssub.s32 s18, s14  }
0x2d: {  	p0 =	slt.s32 s14, $0x1  }
0x2e: {  	s18 =	sadd.s32 @!p0 s8, s15  }
0x2f: {  	p1 =	slt.s32 @!p0 s18, $0x7FC0  }
0x30: {  	p1 =	por !p1, p0  }
0x31: {  	s18 =	simm.s32 @p1 $0x7FC0  }
0x32: {  	s18 =	sshll.u32 @!p0 s18, $0x6  }
0x33: {  	s19 =	simm.s32 @!p0 $0x0;
	p1 =	seq.s32 @!p0 s14, $0x1;
	s18 =	sand.u32 @!p0 $0xFFFFE00, s18  }
0x34: {  	s20 =	simm.s32 @!p0 $0x80;
	p2 =	por p1, p0;
	s18 =	sadd.s32 @!p0 s1, s18  }
0x35: {  	[tilespmem:s20], [sflag:$0x1] =	stream.linear.gather @!p0 [hbm4b:s18+s19], $0x8000, $0x38;
	[tilespmem:$0x10080] =	vst v63  }
0x36: {  	s18 =	sadd.s32 @!p2 s15, s10  }
0x37: {  	p3 =	slt.s32 @!p2 s18, $0x7FC0  }
0x38: {  	p3 =	por @!p0 !p3, p1  }
0x39: {  	p3 =	por !p3, p0  }
0x3a: {  	s18 =	simm.s32 @!p3 $0x7FC0  }
0x3b: {  	p3 =	sgt.s32 s14, $0x0;
	s18 =	sshll.u32 @!p2 s18, $0x6  }
0x3c: {  	s19 =	simm.s32 @!p2 $0x0;
	s14 =	simm.s32 @!p3 $0x0;
	s18 =	sand.u32 @!p2 $0xFFFFE00, s18  }
0x3d: {  	s20 =	simm.s32 @!p2 $0x8080;
	s31 =	sadd.s32 $0x1, s14;
	s18 =	sadd.s32 @!p2 s1, s18  }
0x3e: {  	[tilespmem:s20], [sflag:$0x2] =	stream.linear.gather @!p2 [hbm4b:s18+s19], $0x8000, $0x38;
	[tilespmem:$0x10080] =	vst v63  }
0x3f: {  	s18 =	sshrl.u32 s31, $0x1  }
0x40: {  	p3 =	seq.s32 s18, $0x0  }
.Ltmp2:
0x41: {  	_ = 	snop;
	(pc) =	sbr.rel @p3 .LBB2_4-.Ltmp2, $1  }
0x42: {  	_ =	sdelay $0x3  }
0x43: {  	s15 =	ssub.s32 s9, s15;
	s18 =	sshll.u32 s18, $0x1;
	s16 =	sadd.s32 s16, s8  }
0x44: {  	[dreg:$0x3] =	wrdreg s18;
	s16 =	ssub.s32 s16, s17;
	s17 =	simm.s32 $0x0  }
.LBB2_3:
0x45: {  	p3 =	sge.u32 s17, s14  }
0x46: {  	p4 =	slt.s32 @!p3 s16, $0x7FC0  }
0x47: {  	s18 =	smov.u32 s16;
	p4 =	por !p4, p3  }
0x48: {  	s18 =	simm.s32 @p4 $0x7FC0  }
0x49: {  	s19 =	simm.s32 @!p3 $0x1;
	s18 =	sadd.s32 @!p3 s18, s15  }
0x4a: {  	_ =	swait.ge @!p3 [sflag:s19], $0x8000;
	s18 =	sshll.u32 @!p3 s18, $0x6  }
0x4b: {  	s20 =	simm.s32 @!p3 $0x80;
	[sflag:s19] =	ssyncset.done @!p3 $0x0;
	s18 =	sand.u32 @!p3 $0xFFFFE00, s18  }
0x4c: {  	[sflag:s19] =	ssyncadd.s32 @!p3 $0xFFFF8000;
	s19 =	simm.s32 @!p3 $0x0;
	s18 =	sadd.s32 @!p3 s6, s18  }
0x4d: {  	[hbm4b:s18+s19] =	stream.linear.scatter @!p3 [tilespmem:s20], [sflag:$0x3], $0x8000, $0x38;
	[tilespmem:$0x10080] =	vst v63  }
0x4e: {  	s18 =	sadd.s32 @!p3 $0x2, s17  }
0x4f: {  	p5 =	sge.u32 @!p3 s18, s14  }
0x50: {  	p4 =	por p5, p3  }
0x51: {  	s18 =	sadd.s32 @!p4 $0x100, s16  }
0x52: {  	p6 =	slt.s32 @!p4 s18, $0x7FC0  }
0x53: {  	p5 =	por @!p3 !p6, p5  }
0x54: {  	s19 =	simm.s32 @!p4 $0x3;
	p3 =	por !p5, p3  }
0x55: {  	_ =	swait.ge @!p4 [sflag:s19], $0x8000;
	s18 =	simm.s32 @!p3 $0x7FC0  }
0x56: {  	s31 =	sadd.s32 $0x1, s17;
	[sflag:s19] =	ssyncset.done @!p4 $0x0;
	s18 =	sshll.u32 @!p4 s18, $0x6  }
0x57: {  	s20 =	simm.s32 @!p4 $0x80;
	[sflag:s19] =	ssyncadd.s32 @!p4 $0xFFFF8000;
	s18 =	sand.u32 @!p4 $0xFFFFE00, s18  }
0x58: {  	s19 =	simm.s32 @!p4 $0x0;
	p3 =	sge.u32 s31, s14;
	s18 =	sadd.s32 @!p4 s1, s18  }
0x59: {  	[tilespmem:s20], [sflag:$0x1] =	stream.linear.gather @!p4 [hbm4b:s18+s19], $0x8000, $0x38;
	[tilespmem:$0x10080] =	vst v63  }
0x5a: {  	s18 =	sadd.s32 @!p3 $0x80, s16  }
0x5b: {  	p4 =	slt.s32 @!p3 s18, $0x7FC0  }
0x5c: {  	p4 =	por !p4, p3  }
0x5d: {  	s18 =	simm.s32 @p4 $0x7FC0  }
0x5e: {  	s19 =	simm.s32 @!p3 $0x2;
	s18 =	sadd.s32 @!p3 s18, s15  }
0x5f: {  	_ =	swait.ge @!p3 [sflag:s19], $0x8000;
	s18 =	sshll.u32 @!p3 s18, $0x6  }
0x60: {  	s20 =	simm.s32 @!p3 $0x8080;
	[sflag:s19] =	ssyncset.done @!p3 $0x0;
	s18 =	sand.u32 @!p3 $0xFFFFE00, s18  }
0x61: {  	[sflag:s19] =	ssyncadd.s32 @!p3 $0xFFFF8000;
	s19 =	simm.s32 @!p3 $0x0;
	s18 =	sadd.s32 @!p3 s6, s18  }
0x62: {  	[hbm4b:s18+s19] =	stream.linear.scatter @!p3 [tilespmem:s20], [sflag:$0x4], $0x8000, $0x38;
	[tilespmem:$0x10080] =	vst v63  }
0x63: {  	s18 =	sadd.s32 @!p3 $0x3, s17  }
0x64: {  	p5 =	sge.u32 @!p3 s18, s14  }
0x65: {  	p4 =	por p5, p3  }
0x66: {  	s18 =	sadd.s32 @!p4 $0x180, s16  }
0x67: {  	s19 =	simm.s32 @!p4 $0x4;
	p6 =	slt.s32 @!p4 s18, $0x7FC0  }
0x68: {  	_ =	swait.ge @!p4 [sflag:s19], $0x8000;
	p5 =	por @!p3 !p6, p5  }
0x69: {  	s17 =	sadd.s32 $0x2, s17;
	s21 =	rddreg [dreg:$0x3];
	p3 =	por !p5, p3  }
0x6a: {  	s18 =	simm.s32 @!p3 $0x7FC0;
	p3 =	sne.s32 s21, s17  }
.Ltmp3:
0x6b: {  	_ = 	snop;
	(pc) =	sbr.rel @p3 .LBB2_3-.Ltmp3, $4  }
0x6c: {  	s20 =	simm.s32 @!p4 $0x8080;
	s18 =	sshll.u32 @!p4 s18, $0x6  }
0x6d: {  	s16 =	sadd.s32 $0x100, s16;
	[sflag:s19] =	ssyncset.done @!p4 $0x0;
	s18 =	sand.u32 @!p4 $0xFFFFE00, s18  }
0x6e: {  	[sflag:s19] =	ssyncadd.s32 @!p4 $0xFFFF8000;
	s19 =	simm.s32 @!p4 $0x0;
	s18 =	sadd.s32 @!p4 s1, s18  }
0x6f: {  	[tilespmem:s20], [sflag:$0x2] =	stream.linear.gather @!p4 [hbm4b:s18+s19], $0x8000, $0x38;
	[tilespmem:$0x10080] =	vst v63  }
.Ltmp4:
0x70: {  	_ = 	snop;
	(pc) =	sbr.rel .LBB2_4-.Ltmp4, $1  }
0x71: {  	_ =	sdelay $0x3  }
.LBB2_5:
0x72: {  	_ =	sfence.sel $0x180000  }
0x73: {  	[bflag:$0x0] =	sbarrier.arrive $0xFFFF  }
0x74: {  	p0 =	sne.s32 s2, $0x0;
	_ =	strace $0x90000047  }
0x75: {  	s0 =	sadd.s32 @!p0 $0x100000, s0;
	[bflag:$0x2] =	sbarrier.arrive $0xFFFF  }
0x76: {  	[sflag:s0] =	ssyncadd.tile.s32 @!p0 $0x1;
	_ =	shalt  }
.Lfunc_end2:
_tile_overlayer_lowered:
.L_overlay_start_2:
0x77: {  	(tag) =	ssettag $0x2  }
0x78: {  	s0 =	rddreg [dreg:$0x0];
	s2 =	stileid.u32  }
0x79: {  	s1 =	rddreg [dreg:$0x1];
	p0 =	sne.s32 s2, $0x0  }
0x7a: {  	s3 =	rddreg [dreg:$0x2];
	[bflag:$0x3] =	sbarrier.arrive $0xFFFF;
	s2 =	simm.s32 @!p0 $0x1C05  }
0x7b: {  	[timem:s3], [sflag:s2] =	dma.local @!p0 [hbm:s0], s1  }
0x7c: {  	s0 =	simm.s32 @!p0 $0x5  }
0x7d: {  	_ =	swait.ge @!p0 [sflag:s0], s1  }
0x7e: {  	s1 =	ssub.s32 @!p0 $0x0, s1;
	[sflag:s0] =	ssyncset.done @!p0 $0x0  }
0x7f: {  	[sflag:s0] =	ssyncadd.s32 @!p0 s1  }
0x80: {  	[bflag:$0x3] =	sbarrier.arrive $0xFFFF  }
0x81: {  	_ =	shalt  }

</sc_bundles>
